<compile_context>
chip_gen: v7x
topology: tpu7x:2x2x1
jax: 0.10.2.dev20260603
libtpu: 0.0.44.dev20260713+nightly
codegen_flags: <defaults>
</compile_context>

<pallas_src>
import functools

import numpy as np
import jax
import jax.numpy as jnp
from jax import lax
from jax.experimental import pallas as pl
from jax.experimental.pallas import tpu as pltpu
from jax.experimental.pallas import tpu_sc as plsc

NQ = 10000
D = 256
NH = 8
DH = 32
P = 4
QQ = 2
H = 100
W = 100
HP = 102
WP = 104
NW = 32
CI = 4
IPW = 320
NIP = NW * IPW
NCHUNK = IPW // CI
RT = QQ * HP * WP * NH

_SIGMA = np.concatenate(
    [h * DH + np.concatenate([np.arange(16) * 2, np.arange(16) * 2 + 1])
     for h in range(NH)])

_XSTEP = NH
_YSTEP = WP * NH
_QSTEP = HP * WP * NH


def _vproj_body(v_ref, w_ref, b_ref, o_ref):
    o_ref[...] = (jnp.dot(v_ref[...], w_ref[...],
                          preferred_element_type=jnp.float32)
                  + b_ref[...]).astype(jnp.bfloat16)


def _prep_body(v0_ref, q_ref, ref_ref, wxv, wxq, wyv, wyq, wav, waq,
               bx_ref, by_ref, ba_ref, g_ref, idx_ref, w_ref, *, rows):
    v0 = v0_ref[...]
    q = q_ref[...]
    dot = functools.partial(jnp.dot, preferred_element_type=jnp.float32)
    offx = dot(v0, wxv[...]) + dot(q, wxq[...]) + bx_ref[...]
    offy = dot(v0, wyv[...]) + dot(q, wyq[...]) + by_ref[...]
    logit = dot(v0, wav[...]) + dot(q, waq[...]) + ba_ref[...]
    logit = logit - jnp.max(logit, axis=1, keepdims=True)
    e = jnp.exp(logit)
    a = e / dot(e, g_ref[...])

    refb = ref_ref[...]
    px = (refb[:, 0:1] + offx / jnp.float32(W)) * jnp.float32(W) - jnp.float32(0.5)
    py = (refb[:, 1:2] + offy / jnp.float32(H)) * jnp.float32(H) - jnp.float32(0.5)
    x0 = jnp.floor(px)
    y0 = jnp.floor(py)
    fx = px - x0
    fy = py - y0
    xh = jnp.clip(x0, -1.0, jnp.float32(W)).astype(jnp.int32) + 1
    yh = jnp.clip(y0, -1.0, jnp.float32(H)).astype(jnp.int32) + 1

    lane = lax.broadcasted_iota(jnp.int32, (rows, 64), 1)
    hh = lane // 8
    qq = (lane % 8) // 4
    base = qq * _QSTEP + yh * _YSTEP + xh * _XSTEP + hh
    r00 = base
    r01 = base + _XSTEP
    r10 = base + _YSTEP
    r11 = base + _YSTEP + _XSTEP

    one = jnp.float32(1.0)
    w00 = a * (one - fy) * (one - fx)
    w01 = a * (one - fy) * fx
    w10 = a * fy * (one - fx)
    w11 = a * fy * fx

    i_glob = pl.program_id(0) * rows + lax.broadcasted_iota(
        jnp.int32, (rows, 64), 0)
    valid = i_glob < NQ
    zi = jnp.int32(0)
    zf = jnp.float32(0.0)
    idx_ref[...] = jnp.concatenate(
        [jnp.where(valid, r, zi) for r in (r00, r01, r10, r11)], axis=1)
    w_ref[...] = jnp.concatenate(
        [jnp.where(valid, w, zf) for w in (w00, w01, w10, w11)], axis=1)


_N = CI * 256
_OB = CI * NH * DH


def _compute_chunk(w_v, g_v, out_v):
    def row(t, _):
        il = t // 16
        rem = t % 16
        qc = rem // 8
        hc = rem % 8
        mb = il * 256 + hc * 8 + qc * 4
        acc0 = jnp.zeros((16,), jnp.float32)
        acc1 = jnp.zeros((16,), jnp.float32)
        for c in range(4):
            for p in range(4):
                m = mb + c * 64 + p
                wv = plsc.load_gather(w_v, [jnp.broadcast_to(m, (16,))])
                ga, gb = plsc.unpack(g_v[m, pl.ds(0, 32)],
                                     format=plsc.PackFormat.INTERLEAVED)
                acc0 = acc0 + wv * ga
                acc1 = acc1 + wv * gb
        o = ((qc * CI + il) * NH + hc) * DH
        out_v[pl.ds(o, 16)] = acc0
        out_v[pl.ds(o + 16, 16)] = acc1
        return 0

    lax.fori_loop(0, CI * 2 * NH, row, 0)


def _sc_body(tbl_hbm, idx_hbm, w_hbm, out_hbm,
             i0v, i1v, w0v, w1v, g0v, g1v, o0v, o1v,
             sf0, sf1, sg0, sg1, so0, so1):
    wid = lax.axis_index("s") * 2 + lax.axis_index("c")
    idxv = (i0v, i1v)
    wv = (w0v, w1v)
    gv = (g0v, g1v)
    ov = (o0v, o1v)
    sf = (sf0, sf1)
    sg = (sg0, sg1)
    so = (so0, so1)

    def base(j):
        return (wid * IPW + jnp.minimum(j, NCHUNK - 1) * CI) * 256

    def fetch_start(j, par):
        pltpu.async_copy(idx_hbm.at[pl.ds(base(j), _N)], idxv[par], sf[par])
        pltpu.async_copy(w_hbm.at[pl.ds(base(j), _N)], wv[par], sf[par])

    def fetch_wait(j, par):
        pltpu.make_async_copy(idx_hbm.at[pl.ds(base(j), _N)], idxv[par],
                              sf[par]).wait()
        pltpu.make_async_copy(w_hbm.at[pl.ds(base(j), _N)], wv[par],
                              sf[par]).wait()

    def gather_start(par):
        pltpu.async_copy(tbl_hbm.at[idxv[par]], gv[par], sg[par])

    def gather_wait(par):
        pltpu.make_async_copy(tbl_hbm.at[idxv[par]], gv[par], sg[par]).wait()

    def out_start(j, par):
        ob = base(j)
        pltpu.async_copy(ov[par].at[pl.ds(0, _OB)],
                         out_hbm.at[pl.ds(ob, _OB)], so[par])
        pltpu.async_copy(ov[par].at[pl.ds(_OB, _OB)],
                         out_hbm.at[pl.ds(NIP * NH * DH + ob, _OB)], so[par])

    def out_wait(j, par):
        ob = base(j)
        pltpu.make_async_copy(ov[par].at[pl.ds(0, _OB)],
                              out_hbm.at[pl.ds(ob, _OB)], so[par]).wait()
        pltpu.make_async_copy(ov[par].at[pl.ds(_OB, _OB)],
                              out_hbm.at[pl.ds(NIP * NH * DH + ob, _OB)],
                              so[par]).wait()

    fetch_start(0, 0)
    fetch_wait(0, 0)
    gather_start(0)
    fetch_start(1, 1)

    def step(cc, _):
        for par in range(2):
            j = cc * 2 + par
            gather_wait(par)
            fetch_wait(j + 1, 1 - par)
            gather_start(1 - par)

            @pl.when(cc > 0)
            def _():
                out_wait(j - 2, par)

            _compute_chunk(wv[par], gv[par], ov[par])
            out_start(j, par)
            fetch_start(j + 2, par)
        return 0

    lax.fori_loop(0, NCHUNK // 2, step, 0)

    gather_wait(0)
    fetch_wait(NCHUNK, 1)
    out_wait(NCHUNK - 2, 0)
    out_wait(NCHUNK - 1, 1)


def _out_body(s_ref, q_ref, w_ref, b_ref, o_ref):
    s = s_ref[...]
    m = (s[0] + s[1]) * jnp.float32(0.5)
    o_ref[...] = (jnp.dot(m, w_ref[...], preferred_element_type=jnp.float32)
                  + b_ref[...] + q_ref[...])


def kernel(query, value, reference_points, spatial_shapes, level_start_index,
           W_off, b_off, W_attn, b_attn, W_val, b_val, W_out, b_out):
    del spatial_shapes, level_start_index
    f32 = jnp.float32
    q2 = query.reshape(NQ, D)
    v2 = value.reshape(QQ * NQ, D)
    refp = reference_points.reshape(NQ, 2)

    vproj = pl.pallas_call(
        _vproj_body,
        grid=(100,),
        in_specs=[
            pl.BlockSpec((200, D), lambda i: (i, 0)),
            pl.BlockSpec((D, D), lambda i: (0, 0)),
            pl.BlockSpec((1, D), lambda i: (0, 0)),
        ],
        out_specs=pl.BlockSpec((200, D), lambda i: (i, 0)),
        out_shape=jax.ShapeDtypeStruct((QQ * NQ, D), jnp.bfloat16),
    )(v2, W_val.T, b_val.reshape(1, D))

    vmap = vproj.reshape(QQ, H, W, NH, DH)
    vmap = jnp.pad(vmap, ((0, 0), (1, 1), (1, 3), (0, 0), (0, 0)))
    table = vmap.reshape(RT, DH)

    wo = W_off.reshape(NH, QQ, P, 2, 2 * D)
    wa = W_attn.reshape(NH * QQ * P, 2 * D)
    bo = b_off.reshape(NH, QQ, P, 2)
    wx = wo[..., 0, :].reshape(64, 2 * D)
    wy = wo[..., 1, :].reshape(64, 2 * D)
    wxv, wxq = wx[:, :D].T, wx[:, D:].T
    wyv, wyq = wy[:, :D].T, wy[:, D:].T
    wav, waq = wa[:, :D].T, wa[:, D:].T
    bx = bo[..., 0].reshape(1, 64)
    by = bo[..., 1].reshape(1, 64)
    ba = b_attn.reshape(1, 64)
    gmat = jnp.kron(jnp.eye(16, dtype=f32), jnp.ones((4, 4), f32))

    rows = 32
    v0p = jnp.pad(v2[:NQ], ((0, NIP - NQ), (0, 0)))
    qp = jnp.pad(q2, ((0, NIP - NQ), (0, 0)))
    refpp = jnp.pad(refp, ((0, NIP - NQ), (0, 0)))
    idx_flat, w_flat = pl.pallas_call(
        functools.partial(_prep_body, rows=rows),
        grid=(NIP // rows,),
        in_specs=[
            pl.BlockSpec((rows, D), lambda i: (i, 0)),
            pl.BlockSpec((rows, D), lambda i: (i, 0)),
            pl.BlockSpec((rows, 2), lambda i: (i, 0)),
        ] + [pl.BlockSpec((D, 64), lambda i: (0, 0))] * 6
        + [pl.BlockSpec((1, 64), lambda i: (0, 0))] * 3
        + [pl.BlockSpec((64, 64), lambda i: (0, 0))],
        out_specs=[
            pl.BlockSpec((rows, 256), lambda i: (i, 0)),
            pl.BlockSpec((rows, 256), lambda i: (i, 0)),
        ],
        out_shape=[
            jax.ShapeDtypeStruct((NIP, 256), jnp.int32),
            jax.ShapeDtypeStruct((NIP, 256), f32),
        ],
    )(v0p, qp, refpp, wxv, wxq, wyv, wyq, wav, waq, bx, by, ba, gmat)

    mesh = plsc.VectorSubcoreMesh(core_axis_name="c", subcore_axis_name="s")
    sampled = pl.kernel(
        _sc_body,
        out_type=jax.ShapeDtypeStruct((QQ * NIP * NH * DH,), f32),
        mesh=mesh,
        compiler_params=pltpu.CompilerParams(use_tc_tiling_on_sc=False,
                                             needs_layout_passes=False),
        scratch_types=(
            [pltpu.VMEM((_N,), jnp.int32)] * 2
            + [pltpu.VMEM((_N,), f32)] * 2
            + [pltpu.VMEM((_N, DH), jnp.bfloat16)] * 2
            + [pltpu.VMEM((QQ * _OB,), f32)] * 2
            + [pltpu.SemaphoreType.DMA] * 6
        ),
    )(table, idx_flat.reshape(-1), w_flat.reshape(-1))

    samp = sampled.reshape(QQ, NIP, D)
    out = pl.pallas_call(
        _out_body,
        grid=(125,),
        in_specs=[
            pl.BlockSpec((QQ, 80, D), lambda i: (0, i, 0)),
            pl.BlockSpec((80, D), lambda i: (i, 0)),
            pl.BlockSpec((D, D), lambda i: (0, 0)),
            pl.BlockSpec((1, D), lambda i: (0, 0)),
        ],
        out_specs=pl.BlockSpec((80, D), lambda i: (i, 0)),
        out_shape=jax.ShapeDtypeStruct((NQ, D), f32),
    )(samp, q2, W_out.T[_SIGMA], b_out.reshape(1, D))

    return out.reshape(1, NQ, D)

# --- scband reference (transcript-rebuilt; emitter-appended) ---
"""Pipeline reference for scband-temporal-self-attention-26130581028918 (READ-ONLY COPY).

The authoritative reference and input builder live on the scoring server;
editing this copy changes nothing except your own understanding.
"""

import jax, jax.numpy as jnp
import numpy as np

BS = 1
HH = 100
WW = 100
NQ = HH * WW
D = 256
NH = 8
DH = D // NH
L = 1
P = 4
Q = 2


def _bilinear(v, x, y, H, W):
    # v: [B, H, W, NH, DH]; x, y: [B, NQ, NH, P] pixel coords (grid_sample align_corners=False, zero padding)
    x0 = jnp.floor(x)
    y0 = jnp.floor(y)
    x0i = x0.astype(jnp.int32)
    y0i = y0.astype(jnp.int32)
    wx1 = x - x0
    wy1 = y - y0
    B = v.shape[0]
    bidx = jnp.arange(B)[:, None, None, None]
    hidx = jnp.arange(v.shape[3])[None, None, :, None]

    def g(yy, xx):
        valid = ((xx >= 0) & (xx < W) & (yy >= 0) & (yy < H)).astype(v.dtype)
        xxc = jnp.clip(xx, 0, W - 1)
        yyc = jnp.clip(yy, 0, H - 1)
        return v[bidx, yyc, xxc, hidx] * valid[..., None]

    out = (g(y0i, x0i) * ((1.0 - wy1) * (1.0 - wx1))[..., None]
           + g(y0i, x0i + 1) * ((1.0 - wy1) * wx1)[..., None]
           + g(y0i + 1, x0i) * (wy1 * (1.0 - wx1))[..., None]
           + g(y0i + 1, x0i + 1) * (wy1 * wx1)[..., None])
    return out  # [B, NQ, NH, P, DH]


def _ms_deform(vproj, loc, attw):
    # vproj: [B2, NQ, NH, DH]; loc: [B2, NQ, NH, L, P, 2] in [0,1]; attw: [B2, NQ, NH, L, P]
    B2, nq = vproj.shape[0], vproj.shape[1]
    v = vproj.reshape(B2, HH, WW, NH, DH)
    loc0 = loc[:, :, :, 0]
    x = loc0[..., 0] * WW - 0.5
    y = loc0[..., 1] * HH - 0.5
    sampled = _bilinear(v, x, y, HH, WW)
    out = (sampled * attw[:, :, :, 0, :, None]).sum(axis=3)
    return out.reshape(B2, nq, NH * DH)


def setup_inputs(seed: int = 0) -> dict:
    key = jax.random.key(seed)
    ks = jax.random.split(key, 12)
    inp = {}
    inp["query"] = jax.random.normal(ks[0], (BS, NQ, D), dtype=jnp.float32)
    inp["value"] = jax.random.normal(ks[1], (BS, Q * NQ, D), dtype=jnp.float32)
    inp["reference_points"] = jax.random.uniform(ks[2], (BS, NQ, L, 2), dtype=jnp.float32)
    inp["spatial_shapes"] = jnp.array([[HH, WW]], dtype=jnp.int32)
    inp["level_start_index"] = jnp.zeros((L,), dtype=jnp.int32)
    inp["W_off"] = jax.random.normal(ks[3], (Q * NH * L * P * 2, 2 * D), dtype=jnp.float32) * 0.02
    inp["b_off"] = jax.random.normal(ks[4], (Q * NH * L * P * 2,), dtype=jnp.float32) * 0.02
    inp["W_attn"] = jax.random.normal(ks[5], (Q * NH * L * P, 2 * D), dtype=jnp.float32) * 0.02
    inp["b_attn"] = jax.random.normal(ks[6], (Q * NH * L * P,), dtype=jnp.float32) * 0.02
    inp["W_val"] = jax.random.normal(ks[7], (D, D), dtype=jnp.float32) * 0.02
    inp["b_val"] = jnp.zeros((D,), dtype=jnp.float32)
    inp["W_out"] = jax.random.normal(ks[8], (D, D), dtype=jnp.float32) * 0.02
    inp["b_out"] = jnp.zeros((D,), dtype=jnp.float32)
    return inp


def reference(query, value, reference_points, spatial_shapes, level_start_index, W_off, b_off, W_attn, b_attn, W_val, b_val, W_out, b_out):
    bs, nq, d = query.shape
    value_r = value.reshape(bs, Q, nq, d)
    q_enh = jnp.concatenate([value_r[:, 0], query], axis=-1)  # [bs, nq, 2D]
    vproj = (value @ W_val.T + b_val).reshape(bs * Q, nq, NH, DH)
    off = (q_enh @ W_off.T + b_off).reshape(bs, nq, NH, Q, L, P, 2)
    aw = (q_enh @ W_attn.T + b_attn).reshape(bs, nq, NH, Q, L * P)
    aw = jax.nn.softmax(aw, axis=-1).reshape(bs, nq, NH, Q, L, P)
    aw = jnp.transpose(aw, (0, 3, 1, 2, 4, 5)).reshape(bs * Q, nq, NH, L, P)
    norm = jnp.stack([spatial_shapes[..., 1], spatial_shapes[..., 0]], axis=-1).astype(jnp.float32)  # [L, 2]
    off_q = jnp.transpose(off, (0, 3, 1, 2, 4, 5, 6))  # [bs, Q, nq, NH, L, P, 2]
    ref = reference_points[:, None, :, None, :, None, :]  # [bs, 1, nq, 1, L, 1, 2]
    loc = ref + off_q / norm[None, None, None, None, :, None, :]
    loc = loc.reshape(bs * Q, nq, NH, L, P, 2)
    out = _ms_deform(vproj, loc, aw)  # [bs*Q, nq, D]
    out = out.reshape(bs, Q, nq, d).mean(axis=1)
    out = out @ W_out.T + b_out
    return out + query  # dropout in eval mode; identity = query

if __name__ == "__main__":
    import jax
    _d = setup_inputs()
    print(jax.jit(kernel)(*tuple(_d.values())))

</pallas_src>

<mosaic_0001>
#map = affine_map<(d0, d1) -> (0, 0)>
#map1 = affine_map<(d0, d1) -> (0)>
module attributes {stable_mosaic.version = 14 : i64} {
  func.func @_sc_body(%arg0: i32, %arg1: i32, %arg2: memref<169728x32xbf16, #tpu.memory_space<hbm>>, %arg3: memref<2621440xi32, #tpu.memory_space<hbm>>, %arg4: memref<2621440xf32, #tpu.memory_space<hbm>>, %arg5: memref<5242880xf32, #tpu.memory_space<hbm>>, %arg6: memref<1024xi32, #tpu.memory_space<vmem>>, %arg7: memref<1024xi32, #tpu.memory_space<vmem>>, %arg8: memref<1024xf32, #tpu.memory_space<vmem>>, %arg9: memref<1024xf32, #tpu.memory_space<vmem>>, %arg10: memref<1024x32xbf16, #tpu.memory_space<vmem>>, %arg11: memref<1024x32xbf16, #tpu.memory_space<vmem>>, %arg12: memref<2048xf32, #tpu.memory_space<vmem>>, %arg13: memref<2048xf32, #tpu.memory_space<vmem>>, %arg14: memref<!tpu.dma_semaphore, #tpu.memory_space<semaphore_mem>>, %arg15: memref<!tpu.dma_semaphore, #tpu.memory_space<semaphore_mem>>, %arg16: memref<!tpu.dma_semaphore, #tpu.memory_space<semaphore_mem>>, %arg17: memref<!tpu.dma_semaphore, #tpu.memory_space<semaphore_mem>>, %arg18: memref<!tpu.dma_semaphore, #tpu.memory_space<semaphore_mem>>, %arg19: memref<!tpu.dma_semaphore, #tpu.memory_space<semaphore_mem>>) attributes {dimension_semantics = [#tpu.dimension_semantics<core_parallel>, #tpu.dimension_semantics<subcore_parallel>], iteration_bounds = array<i64: 2, 16>, scalar_prefetch = 0 : i64, scratch_operands = 14 : i64, tpu.core_type = #tpu.core_type<sc_vector_subcore>, window_params = [{transform_indices = #map}, {transform_indices = #map1}, {transform_indices = #map1}, {transform_indices = #map1}]} {
    %mul3A = arith.constant 2 : i32
    %mul3A_0 = arith.muli %arg1, %mul3A : i32
    %add3A = arith.addi %mul3A_0, %arg0 : i32
    %mul3A_1 = arith.constant 320 : i32
    %mul3A_2 = arith.muli %add3A, %mul3A_1 : i32
    %min3A = arith.constant 0 : i32
    %min3A_3 = arith.constant 79 : i32
    %min3A_4 = arith.minsi %min3A, %min3A_3 : i32
    %mul3A_5 = arith.constant 4 : i32
    %mul3A_6 = arith.muli %min3A_4, %mul3A_5 : i32
    %add3A_7 = arith.addi %mul3A_2, %mul3A_6 : i32
    %mul3A_8 = arith.constant 256 : i32
    %mul3A_9 = arith.muli %add3A_7, %mul3A_8 : i32
    %dma_start3A = tpu.memref_slice %arg3[%mul3A_9] : memref<2621440xi32, #tpu.memory_space<hbm>> -> memref<1024xi32, #tpu.memory_space<hbm>>
    %dma_start3A_10 = tpu.memref_slice %arg3[%mul3A_9] : memref<2621440xi32, #tpu.memory_space<hbm>> -> memref<1024xi32, #tpu.memory_space<hbm>>
    tpu.enqueue_dma source(%dma_start3A_10 : memref<1024xi32, #tpu.memory_space<hbm>>) target(%arg6 : memref<1024xi32, #tpu.memory_space<vmem>>) target_semaphore(%arg14 : memref<!tpu.dma_semaphore, #tpu.memory_space<semaphore_mem>>)
    %mul3A_11 = arith.constant 320 : i32
    %mul3A_12 = arith.muli %add3A, %mul3A_11 : i32
    %min3A_13 = arith.constant 0 : i32
    %min3A_14 = arith.constant 79 : i32
    %min3A_15 = arith.minsi %min3A_13, %min3A_14 : i32
    %mul3A_16 = arith.constant 4 : i32
    %mul3A_17 = arith.muli %min3A_15, %mul3A_16 : i32
    %add3A_18 = arith.addi %mul3A_12, %mul3A_17 : i32
    %mul3A_19 = arith.constant 256 : i32
    %mul3A_20 = arith.muli %add3A_18, %mul3A_19 : i32
    %dma_start3A_21 = tpu.memref_slice %arg4[%mul3A_20] : memref<2621440xf32, #tpu.memory_space<hbm>> -> memref<1024xf32, #tpu.memory_space<hbm>>
    %dma_start3A_22 = tpu.memref_slice %arg4[%mul3A_20] : memref<2621440xf32, #tpu.memory_space<hbm>> -> memref<1024xf32, #tpu.memory_space<hbm>>
    tpu.enqueue_dma source(%dma_start3A_22 : memref<1024xf32, #tpu.memory_space<hbm>>) target(%arg8 : memref<1024xf32, #tpu.memory_space<vmem>>) target_semaphore(%arg14 : memref<!tpu.dma_semaphore, #tpu.memory_space<semaphore_mem>>)
    %mul3A_23 = arith.constant 320 : i32
    %mul3A_24 = arith.muli %add3A, %mul3A_23 : i32
    %min3A_25 = arith.constant 0 : i32
    %min3A_26 = arith.constant 79 : i32
    %min3A_27 = arith.minsi %min3A_25, %min3A_26 : i32
    %mul3A_28 = arith.constant 4 : i32
    %mul3A_29 = arith.muli %min3A_27, %mul3A_28 : i32
    %add3A_30 = arith.addi %mul3A_24, %mul3A_29 : i32
    %mul3A_31 = arith.constant 256 : i32
    %mul3A_32 = arith.muli %add3A_30, %mul3A_31 : i32
    %dma_wait3A = tpu.memref_slice %arg3[%mul3A_32] : memref<2621440xi32, #tpu.memory_space<hbm>> -> memref<1024xi32, #tpu.memory_space<hbm>>
    %dma_wait3A_33 = tpu.memref_slice %arg3[%mul3A_32] : memref<2621440xi32, #tpu.memory_space<hbm>> -> memref<1024xi32, #tpu.memory_space<hbm>>
    tpu.wait_dma2 semaphore(%arg14 : memref<!tpu.dma_semaphore, #tpu.memory_space<semaphore_mem>>) src(%dma_wait3A_33 : memref<1024xi32, #tpu.memory_space<hbm>>) dst(%arg6 : memref<1024xi32, #tpu.memory_space<vmem>>)
    %mul3A_34 = arith.constant 320 : i32
    %mul3A_35 = arith.muli %add3A, %mul3A_34 : i32
    %min3A_36 = arith.constant 0 : i32
    %min3A_37 = arith.constant 79 : i32
    %min3A_38 = arith.minsi %min3A_36, %min3A_37 : i32
    %mul3A_39 = arith.constant 4 : i32
    %mul3A_40 = arith.muli %min3A_38, %mul3A_39 : i32
    %add3A_41 = arith.addi %mul3A_35, %mul3A_40 : i32
    %mul3A_42 = arith.constant 256 : i32
    %mul3A_43 = arith.muli %add3A_41, %mul3A_42 : i32
    %dma_wait3A_44 = tpu.memref_slice %arg4[%mul3A_43] : memref<2621440xf32, #tpu.memory_space<hbm>> -> memref<1024xf32, #tpu.memory_space<hbm>>
    %dma_wait3A_45 = tpu.memref_slice %arg4[%mul3A_43] : memref<2621440xf32, #tpu.memory_space<hbm>> -> memref<1024xf32, #tpu.memory_space<hbm>>
    tpu.wait_dma2 semaphore(%arg14 : memref<!tpu.dma_semaphore, #tpu.memory_space<semaphore_mem>>) src(%dma_wait3A_45 : memref<1024xf32, #tpu.memory_space<hbm>>) dst(%arg8 : memref<1024xf32, #tpu.memory_space<vmem>>)
    %dma_start3A_46 = arith.constant 0 : i32
    %dma_start3A_47 = arith.constant 0 : i32
    %dma_start3A_48 = tpu.memref_slice %arg2[%dma_start3A_46, %dma_start3A_47] : memref<169728x32xbf16, #tpu.memory_space<hbm>> -> memref<169728x32xbf16, #tpu.memory_space<hbm>>
    tpu.enqueue_indirect_dma source(%dma_start3A_48 : memref<169728x32xbf16, #tpu.memory_space<hbm>>) target(%arg10 : memref<1024x32xbf16, #tpu.memory_space<vmem>>) offsets(%arg6 : memref<1024xi32, #tpu.memory_space<vmem>>) semaphore(%arg16 : memref<!tpu.dma_semaphore, #tpu.memory_space<semaphore_mem>>)
    %mul3A_49 = arith.constant 320 : i32
    %mul3A_50 = arith.muli %add3A, %mul3A_49 : i32
    %min3A_51 = arith.constant 1 : i32
    %min3A_52 = arith.constant 79 : i32
    %min3A_53 = arith.minsi %min3A_51, %min3A_52 : i32
    %mul3A_54 = arith.constant 4 : i32
    %mul3A_55 = arith.muli %min3A_53, %mul3A_54 : i32
    %add3A_56 = arith.addi %mul3A_50, %mul3A_55 : i32
    %mul3A_57 = arith.constant 256 : i32
    %mul3A_58 = arith.muli %add3A_56, %mul3A_57 : i32
    %dma_start3A_59 = tpu.memref_slice %arg3[%mul3A_58] : memref<2621440xi32, #tpu.memory_space<hbm>> -> memref<1024xi32, #tpu.memory_space<hbm>>
    %dma_start3A_60 = tpu.memref_slice %arg3[%mul3A_58] : memref<2621440xi32, #tpu.memory_space<hbm>> -> memref<1024xi32, #tpu.memory_space<hbm>>
    tpu.enqueue_dma source(%dma_start3A_60 : memref<1024xi32, #tpu.memory_space<hbm>>) target(%arg7 : memref<1024xi32, #tpu.memory_space<vmem>>) target_semaphore(%arg15 : memref<!tpu.dma_semaphore, #tpu.memory_space<semaphore_mem>>)
    %mul3A_61 = arith.constant 320 : i32
    %mul3A_62 = arith.muli %add3A, %mul3A_61 : i32
    %min3A_63 = arith.constant 1 : i32
    %min3A_64 = arith.constant 79 : i32
    %min3A_65 = arith.minsi %min3A_63, %min3A_64 : i32
    %mul3A_66 = arith.constant 4 : i32
    %mul3A_67 = arith.muli %min3A_65, %mul3A_66 : i32
    %add3A_68 = arith.addi %mul3A_62, %mul3A_67 : i32
    %mul3A_69 = arith.constant 256 : i32
    %mul3A_70 = arith.muli %add3A_68, %mul3A_69 : i32
    %dma_start3A_71 = tpu.memref_slice %arg4[%mul3A_70] : memref<2621440xf32, #tpu.memory_space<hbm>> -> memref<1024xf32, #tpu.memory_space<hbm>>
    %dma_start3A_72 = tpu.memref_slice %arg4[%mul3A_70] : memref<2621440xf32, #tpu.memory_space<hbm>> -> memref<1024xf32, #tpu.memory_space<hbm>>
    tpu.enqueue_dma source(%dma_start3A_72 : memref<1024xf32, #tpu.memory_space<hbm>>) target(%arg9 : memref<1024xf32, #tpu.memory_space<vmem>>) target_semaphore(%arg15 : memref<!tpu.dma_semaphore, #tpu.memory_space<semaphore_mem>>)
    %scan3A = arith.constant 0 : i32
    %scan3A_73 = arith.constant 0 : i32
    %scan3A_74 = arith.constant 40 : i32
    %scan3A_75 = arith.addi %scan3A_73, %scan3A_74 : i32
    %scan3A_76 = arith.constant 1 : i32
    %scan3A_77 = scf.for %scan3A_154 = %scan3A_73 to %scan3A_75 step %scan3A_76 iter_args(%scan3A_155 = %scan3A) -> (i32)  : i32 {
      %mul3A_156 = arith.constant 2 : i32
      %mul3A_157 = arith.muli %scan3A_154, %mul3A_156 : i32
      %add3A_158 = arith.constant 0 : i32
      %add3A_159 = arith.addi %mul3A_157, %add3A_158 : i32
      %dma_wait3A_160 = arith.constant 0 : i32
      %dma_wait3A_161 = arith.constant 0 : i32
      %dma_wait3A_162 = tpu.memref_slice %arg2[%dma_wait3A_160, %dma_wait3A_161] : memref<169728x32xbf16, #tpu.memory_space<hbm>> -> memref<169728x32xbf16, #tpu.memory_space<hbm>>
      tpu.wait_indirect_dma semaphore(%arg16 : memref<!tpu.dma_semaphore, #tpu.memory_space<semaphore_mem>>) src(%dma_wait3A_162 : memref<169728x32xbf16, #tpu.memory_space<hbm>>) dst(%arg10 : memref<1024x32xbf16, #tpu.memory_space<vmem>>)
      %add3A_163 = arith.constant 1 : i32
      %add3A_164 = arith.addi %add3A_159, %add3A_163 : i32
      %mul3A_165 = arith.constant 320 : i32
      %mul3A_166 = arith.muli %add3A, %mul3A_165 : i32
      %min3A_167 = arith.constant 79 : i32
      %min3A_168 = arith.minsi %add3A_164, %min3A_167 : i32
      %mul3A_169 = arith.constant 4 : i32
      %mul3A_170 = arith.muli %min3A_168, %mul3A_169 : i32
      %add3A_171 = arith.addi %mul3A_166, %mul3A_170 : i32
      %mul3A_172 = arith.constant 256 : i32
      %mul3A_173 = arith.muli %add3A_171, %mul3A_172 : i32
      %dma_wait3A_174 = tpu.memref_slice %arg3[%mul3A_173] : memref<2621440xi32, #tpu.memory_space<hbm>> -> memref<1024xi32, #tpu.memory_space<hbm>>
      %dma_wait3A_175 = tpu.memref_slice %arg3[%mul3A_173] : memref<2621440xi32, #tpu.memory_space<hbm>> -> memref<1024xi32, #tpu.memory_space<hbm>>
      tpu.wait_dma2 semaphore(%arg15 : memref<!tpu.dma_semaphore, #tpu.memory_space<semaphore_mem>>) src(%dma_wait3A_175 : memref<1024xi32, #tpu.memory_space<hbm>>) dst(%arg7 : memref<1024xi32, #tpu.memory_space<vmem>>)
      %mul3A_176 = arith.constant 320 : i32
      %mul3A_177 = arith.muli %add3A, %mul3A_176 : i32
      %min3A_178 = arith.constant 79 : i32
      %min3A_179 = arith.minsi %add3A_164, %min3A_178 : i32
      %mul3A_180 = arith.constant 4 : i32
      %mul3A_181 = arith.muli %min3A_179, %mul3A_180 : i32
      %add3A_182 = arith.addi %mul3A_177, %mul3A_181 : i32
      %mul3A_183 = arith.constant 256 : i32
      %mul3A_184 = arith.muli %add3A_182, %mul3A_183 : i32
      %dma_wait3A_185 = tpu.memref_slice %arg4[%mul3A_184] : memref<2621440xf32, #tpu.memory_space<hbm>> -> memref<1024xf32, #tpu.memory_space<hbm>>
      %dma_wait3A_186 = tpu.memref_slice %arg4[%mul3A_184] : memref<2621440xf32, #tpu.memory_space<hbm>> -> memref<1024xf32, #tpu.memory_space<hbm>>
      tpu.wait_dma2 semaphore(%arg15 : memref<!tpu.dma_semaphore, #tpu.memory_space<semaphore_mem>>) src(%dma_wait3A_186 : memref<1024xf32, #tpu.memory_space<hbm>>) dst(%arg9 : memref<1024xf32, #tpu.memory_space<vmem>>)
      %dma_start3A_187 = arith.constant 0 : i32
      %dma_start3A_188 = arith.constant 0 : i32
      %dma_start3A_189 = tpu.memref_slice %arg2[%dma_start3A_187, %dma_start3A_188] : memref<169728x32xbf16, #tpu.memory_space<hbm>> -> memref<169728x32xbf16, #tpu.memory_space<hbm>>
      tpu.enqueue_indirect_dma source(%dma_start3A_189 : memref<169728x32xbf16, #tpu.memory_space<hbm>>) target(%arg11 : memref<1024x32xbf16, #tpu.memory_space<vmem>>) offsets(%arg7 : memref<1024xi32, #tpu.memory_space<vmem>>) semaphore(%arg17 : memref<!tpu.dma_semaphore, #tpu.memory_space<semaphore_mem>>)
      %gt3A = arith.constant 0 : i32
      %gt3A_190 = arith.cmpi sgt, %scan3A_154, %gt3A : i32
      %convert_element_type3A = arith.extui %gt3A_190 : i1 to i32
      %cond3A = arith.constant 0 : i32
      %cond3A_191 = arith.cmpi ne, %convert_element_type3A, %cond3A : i32
      scf.if %cond3A_191 {
        %sub3A = arith.constant 2 : i32
        %sub3A_340 = arith.subi %add3A_159, %sub3A : i32
        %mul3A_341 = arith.constant 320 : i32
        %mul3A_342 = arith.muli %add3A, %mul3A_341 : i32
        %min3A_343 = arith.constant 79 : i32
        %min3A_344 = arith.minsi %sub3A_340, %min3A_343 : i32
        %mul3A_345 = arith.constant 4 : i32
        %mul3A_346 = arith.muli %min3A_344, %mul3A_345 : i32
        %add3A_347 = arith.addi %mul3A_342, %mul3A_346 : i32
        %mul3A_348 = arith.constant 256 : i32
        %mul3A_349 = arith.muli %add3A_347, %mul3A_348 : i32
        %dma_wait3A_350 = arith.constant 0 : i32
        %dma_wait3A_351 = tpu.memref_slice %arg12[%dma_wait3A_350] : memref<2048xf32, #tpu.memory_space<vmem>> -> memref<1024xf32, #tpu.memory_space<vmem>>
        %dma_wait3A_352 = tpu.memref_slice %arg5[%mul3A_349] : memref<5242880xf32, #tpu.memory_space<hbm>> -> memref<1024xf32, #tpu.memory_space<hbm>>
        %dma_wait3A_353 = tpu.memref_slice %arg5[%mul3A_349] : memref<5242880xf32, #tpu.memory_space<hbm>> -> memref<1024xf32, #tpu.memory_space<hbm>>
        %dma_wait3A_354 = arith.constant 0 : i32
        %dma_wait3A_355 = tpu.memref_slice %arg12[%dma_wait3A_354] : memref<2048xf32, #tpu.memory_space<vmem>> -> memref<1024xf32, #tpu.memory_space<vmem>>
        tpu.wait_dma2 semaphore(%arg18 : memref<!tpu.dma_semaphore, #tpu.memory_space<semaphore_mem>>) src(%dma_wait3A_355 : memref<1024xf32, #tpu.memory_space<vmem>>) dst(%dma_wait3A_353 : memref<1024xf32, #tpu.memory_space<hbm>>)
        %add3A_356 = arith.constant 2621440 : i32
        %add3A_357 = arith.addi %add3A_356, %mul3A_349 : i32
        %dma_wait3A_358 = arith.constant 1024 : i32
        %dma_wait3A_359 = tpu.memref_slice %arg12[%dma_wait3A_358] : memref<2048xf32, #tpu.memory_space<vmem>> -> memref<1024xf32, #tpu.memory_space<vmem>>
        %dma_wait3A_360 = tpu.memref_slice %arg5[%add3A_357] : memref<5242880xf32, #tpu.memory_space<hbm>> -> memref<1024xf32, #tpu.memory_space<hbm>>
        %dma_wait3A_361 = tpu.memref_slice %arg5[%add3A_357] : memref<5242880xf32, #tpu.memory_space<hbm>> -> memref<1024xf32, #tpu.memory_space<hbm>>
        %dma_wait3A_362 = arith.constant 1024 : i32
        %dma_wait3A_363 = tpu.memref_slice %arg12[%dma_wait3A_362] : memref<2048xf32, #tpu.memory_space<vmem>> -> memref<1024xf32, #tpu.memory_space<vmem>>
        tpu.wait_dma2 semaphore(%arg18 : memref<!tpu.dma_semaphore, #tpu.memory_space<semaphore_mem>>) src(%dma_wait3A_363 : memref<1024xf32, #tpu.memory_space<vmem>>) dst(%dma_wait3A_361 : memref<1024xf32, #tpu.memory_space<hbm>>)
      } else {
      }
      %scan3A_192 = arith.constant 0 : i32
      %scan3A_193 = arith.constant 0 : i32
      %scan3A_194 = arith.constant 64 : i32
      %scan3A_195 = arith.addi %scan3A_193, %scan3A_194 : i32
      %scan3A_196 = arith.constant 1 : i32
      %scan3A_197 = scf.for %scan3A_340 = %scan3A_193 to %scan3A_195 step %scan3A_196 iter_args(%scan3A_341 = %scan3A_192) -> (i32)  : i32 {
        %jit3A = arith.constant 16 : i32
        %div3A = arith.divsi %scan3A_340, %jit3A : i32
        %sign3A = arith.constant 0 : i32
        %sign3A_342 = arith.cmpi sgt, %scan3A_340, %sign3A : i32
        %sign3A_343 = arith.extui %sign3A_342 : i1 to i32
        %sign3A_344 = arith.constant 0 : i32
        %sign3A_345 = arith.cmpi slt, %scan3A_340, %sign3A_344 : i32
        %sign3A_346 = arith.extui %sign3A_345 : i1 to i32
        %sign3A_347 = arith.subi %sign3A_343, %sign3A_346 : i32
        %sign3A_348 = arith.constant 0 : i32
        %sign3A_349 = arith.cmpi sgt, %jit3A, %sign3A_348 : i32
        %sign3A_350 = arith.extui %sign3A_349 : i1 to i32
        %sign3A_351 = arith.constant 0 : i32
        %sign3A_352 = arith.cmpi slt, %jit3A, %sign3A_351 : i32
        %sign3A_353 = arith.extui %sign3A_352 : i1 to i32
        %sign3A_354 = arith.subi %sign3A_350, %sign3A_353 : i32
        %ne3A = arith.cmpi ne, %sign3A_347, %sign3A_354 : i32
        %rem3A = arith.remsi %scan3A_340, %jit3A : i32
        %ne3A_355 = arith.constant 0 : i32
        %ne3A_356 = arith.cmpi ne, %rem3A, %ne3A_355 : i32
        %and3A = arith.andi %ne3A, %ne3A_356 : i1
        %sub3A = arith.constant 1 : i32
        %sub3A_357 = arith.subi %div3A, %sub3A : i32
        %select_n3A = arith.select %and3A, %sub3A_357, %div3A : i32
        %jit3A_358 = arith.constant 16 : i32
        %eq3A = arith.constant 0 : i32
        %eq3A_359 = arith.cmpi eq, %jit3A_358, %eq3A : i32
        %jit3A_360 = arith.constant 1 : i32
        %select_n3A_361 = arith.select %eq3A_359, %jit3A_360, %jit3A_358 : i32
        %rem3A_362 = arith.remsi %scan3A_340, %select_n3A_361 : i32
        %ne3A_363 = arith.constant 0 : i32
        %ne3A_364 = arith.cmpi ne, %rem3A_362, %ne3A_363 : i32
        %lt3A = arith.constant 0 : i32
        %lt3A_365 = arith.cmpi slt, %rem3A_362, %lt3A : i32
        %lt3A_366 = arith.constant 0 : i32
        %lt3A_367 = arith.cmpi slt, %select_n3A_361, %lt3A_366 : i32
        %ne3A_368 = arith.xori %lt3A_365, %lt3A_367 : i1
        %and3A_369 = arith.andi %ne3A_368, %ne3A_364 : i1
        %add3A_370 = arith.addi %rem3A_362, %select_n3A_361 : i32
        %select_n3A_371 = arith.select %and3A_369, %add3A_370, %rem3A_362 : i32
        %jit3A_372 = arith.constant 8 : i32
        %div3A_373 = arith.divsi %select_n3A_371, %jit3A_372 : i32
        %sign3A_374 = arith.constant 0 : i32
        %sign3A_375 = arith.cmpi sgt, %select_n3A_371, %sign3A_374 : i32
        %sign3A_376 = arith.extui %sign3A_375 : i1 to i32
        %sign3A_377 = arith.constant 0 : i32
        %sign3A_378 = arith.cmpi slt, %select_n3A_371, %sign3A_377 : i32
        %sign3A_379 = arith.extui %sign3A_378 : i1 to i32
        %sign3A_380 = arith.subi %sign3A_376, %sign3A_379 : i32
        %sign3A_381 = arith.constant 0 : i32
        %sign3A_382 = arith.cmpi sgt, %jit3A_372, %sign3A_381 : i32
        %sign3A_383 = arith.extui %sign3A_382 : i1 to i32
        %sign3A_384 = arith.constant 0 : i32
        %sign3A_385 = arith.cmpi slt, %jit3A_372, %sign3A_384 : i32
        %sign3A_386 = arith.extui %sign3A_385 : i1 to i32
        %sign3A_387 = arith.subi %sign3A_383, %sign3A_386 : i32
        %ne3A_388 = arith.cmpi ne, %sign3A_380, %sign3A_387 : i32
        %rem3A_389 = arith.remsi %select_n3A_371, %jit3A_372 : i32
        %ne3A_390 = arith.constant 0 : i32
        %ne3A_391 = arith.cmpi ne, %rem3A_389, %ne3A_390 : i32
        %and3A_392 = arith.andi %ne3A_388, %ne3A_391 : i1
        %sub3A_393 = arith.constant 1 : i32
        %sub3A_394 = arith.subi %div3A_373, %sub3A_393 : i32
        %select_n3A_395 = arith.select %and3A_392, %sub3A_394, %div3A_373 : i32
        %jit3A_396 = arith.constant 8 : i32
        %eq3A_397 = arith.constant 0 : i32
        %eq3A_398 = arith.cmpi eq, %jit3A_396, %eq3A_397 : i32
        %jit3A_399 = arith.constant 1 : i32
        %select_n3A_400 = arith.select %eq3A_398, %jit3A_399, %jit3A_396 : i32
        %rem3A_401 = arith.remsi %select_n3A_371, %select_n3A_400 : i32
        %ne3A_402 = arith.constant 0 : i32
        %ne3A_403 = arith.cmpi ne, %rem3A_401, %ne3A_402 : i32
        %lt3A_404 = arith.constant 0 : i32
        %lt3A_405 = arith.cmpi slt, %rem3A_401, %lt3A_404 : i32
        %lt3A_406 = arith.constant 0 : i32
        %lt3A_407 = arith.cmpi slt, %select_n3A_400, %lt3A_406 : i32
        %ne3A_408 = arith.xori %lt3A_405, %lt3A_407 : i1
        %and3A_409 = arith.andi %ne3A_408, %ne3A_403 : i1
        %add3A_410 = arith.addi %rem3A_401, %select_n3A_400 : i32
        %select_n3A_411 = arith.select %and3A_409, %add3A_410, %rem3A_401 : i32
        %mul3A_412 = arith.constant 256 : i32
        %mul3A_413 = arith.muli %select_n3A, %mul3A_412 : i32
        %mul3A_414 = arith.constant 8 : i32
        %mul3A_415 = arith.muli %select_n3A_411, %mul3A_414 : i32
        %add3A_416 = arith.addi %mul3A_413, %mul3A_415 : i32
        %mul3A_417 = arith.constant 4 : i32
        %mul3A_418 = arith.muli %select_n3A_395, %mul3A_417 : i32
        %add3A_419 = arith.addi %add3A_416, %mul3A_418 : i32
        %broadcast_in_dim3A = arith.constant 0.000000e+00 : f32
        %broadcast_in_dim3A_420 = vector.broadcast %broadcast_in_dim3A : f32 to vector<16xf32>
        %broadcast_in_dim3A_421 = arith.constant 0.000000e+00 : f32
        %broadcast_in_dim3A_422 = vector.broadcast %broadcast_in_dim3A_421 : f32 to vector<16xf32>
        %add3A_423 = arith.constant 0 : i32
        %add3A_424 = arith.addi %add3A_419, %add3A_423 : i32
        %add3A_425 = arith.constant 0 : i32
        %add3A_426 = arith.addi %add3A_424, %add3A_425 : i32
        %broadcast_in_dim3A_427 = vector.broadcast %add3A_426 : i32 to vector<16xi32>
        %gather3A = tpu.vector_load_idx %arg8[%broadcast_in_dim3A_427] : memref<1024xf32, #tpu.memory_space<vmem>>[vector<16xi32>], vector<16xf32>,
        %get3A = arith.index_cast %add3A_426 : i32 to index
        %get3A_428 = arith.constant 0 : index
        %get3A_429 = tpu.vector_load %arg10[%get3A, %get3A_428] {strides = array<i32>} : memref<1024x32xbf16, #tpu.memory_space<vmem>>, vector<32xbf16>,
        %unpack3A = tpu.unpack_subelements %get3A_429, 0 {pack_format = #tpu.pack_format<interleaved>} : vector<32xbf16> -> vector<16xf32>
        %unpack3A_430 = tpu.unpack_subelements %get3A_429, 1 {pack_format = #tpu.pack_format<interleaved>} : vector<32xbf16> -> vector<16xf32>
        %mul3A_431 = arith.mulf %gather3A, %unpack3A : vector<16xf32>
        %add3A_432 = arith.addf %broadcast_in_dim3A_420, %mul3A_431 : vector<16xf32>
        %mul3A_433 = arith.mulf %gather3A, %unpack3A_430 : vector<16xf32>
        %add3A_434 = arith.addf %broadcast_in_dim3A_422, %mul3A_433 : vector<16xf32>
        %add3A_435 = arith.constant 0 : i32
        %add3A_436 = arith.addi %add3A_419, %add3A_435 : i32
        %add3A_437 = arith.constant 1 : i32
        %add3A_438 = arith.addi %add3A_436, %add3A_437 : i32
        %broadcast_in_dim3A_439 = vector.broadcast %add3A_438 : i32 to vector<16xi32>
        %gather3A_440 = tpu.vector_load_idx %arg8[%broadcast_in_dim3A_439] : memref<1024xf32, #tpu.memory_space<vmem>>[vector<16xi32>], vector<16xf32>,
        %get3A_441 = arith.index_cast %add3A_438 : i32 to index
        %get3A_442 = arith.constant 0 : index
        %get3A_443 = tpu.vector_load %arg10[%get3A_441, %get3A_442] {strides = array<i32>} : memref<1024x32xbf16, #tpu.memory_space<vmem>>, vector<32xbf16>,
        %unpack3A_444 = tpu.unpack_subelements %get3A_443, 0 {pack_format = #tpu.pack_format<interleaved>} : vector<32xbf16> -> vector<16xf32>
        %unpack3A_445 = tpu.unpack_subelements %get3A_443, 1 {pack_format = #tpu.pack_format<interleaved>} : vector<32xbf16> -> vector<16xf32>
        %mul3A_446 = arith.mulf %gather3A_440, %unpack3A_444 : vector<16xf32>
        %add3A_447 = arith.addf %add3A_432, %mul3A_446 : vector<16xf32>
        %mul3A_448 = arith.mulf %gather3A_440, %unpack3A_445 : vector<16xf32>
        %add3A_449 = arith.addf %add3A_434, %mul3A_448 : vector<16xf32>
        %add3A_450 = arith.constant 0 : i32
        %add3A_451 = arith.addi %add3A_419, %add3A_450 : i32
        %add3A_452 = arith.constant 2 : i32
        %add3A_453 = arith.addi %add3A_451, %add3A_452 : i32
        %broadcast_in_dim3A_454 = vector.broadcast %add3A_453 : i32 to vector<16xi32>
        %gather3A_455 = tpu.vector_load_idx %arg8[%broadcast_in_dim3A_454] : memref<1024xf32, #tpu.memory_space<vmem>>[vector<16xi32>], vector<16xf32>,
        %get3A_456 = arith.index_cast %add3A_453 : i32 to index
        %get3A_457 = arith.constant 0 : index
        %get3A_458 = tpu.vector_load %arg10[%get3A_456, %get3A_457] {strides = array<i32>} : memref<1024x32xbf16, #tpu.memory_space<vmem>>, vector<32xbf16>,
        %unpack3A_459 = tpu.unpack_subelements %get3A_458, 0 {pack_format = #tpu.pack_format<interleaved>} : vector<32xbf16> -> vector<16xf32>
        %unpack3A_460 = tpu.unpack_subelements %get3A_458, 1 {pack_format = #tpu.pack_format<interleaved>} : vector<32xbf16> -> vector<16xf32>
        %mul3A_461 = arith.mulf %gather3A_455, %unpack3A_459 : vector<16xf32>
        %add3A_462 = arith.addf %add3A_447, %mul3A_461 : vector<16xf32>
        %mul3A_463 = arith.mulf %gather3A_455, %unpack3A_460 : vector<16xf32>
        %add3A_464 = arith.addf %add3A_449, %mul3A_463 : vector<16xf32>
        %add3A_465 = arith.constant 0 : i32
        %add3A_466 = arith.addi %add3A_419, %add3A_465 : i32
        %add3A_467 = arith.constant 3 : i32
        %add3A_468 = arith.addi %add3A_466, %add3A_467 : i32
        %broadcast_in_dim3A_469 = vector.broadcast %add3A_468 : i32 to vector<16xi32>
        %gather3A_470 = tpu.vector_load_idx %arg8[%broadcast_in_dim3A_469] : memref<1024xf32, #tpu.memory_space<vmem>>[vector<16xi32>], vector<16xf32>,
        %get3A_471 = arith.index_cast %add3A_468 : i32 to index
        %get3A_472 = arith.constant 0 : index
        %get3A_473 = tpu.vector_load %arg10[%get3A_471, %get3A_472] {strides = array<i32>} : memref<1024x32xbf16, #tpu.memory_space<vmem>>, vector<32xbf16>,
        %unpack3A_474 = tpu.unpack_subelements %get3A_473, 0 {pack_format = #tpu.pack_format<interleaved>} : vector<32xbf16> -> vector<16xf32>
        %unpack3A_475 = tpu.unpack_subelements %get3A_473, 1 {pack_format = #tpu.pack_format<interleaved>} : vector<32xbf16> -> vector<16xf32>
        %mul3A_476 = arith.mulf %gather3A_470, %unpack3A_474 : vector<16xf32>
        %add3A_477 = arith.addf %add3A_462, %mul3A_476 : vector<16xf32>
        %mul3A_478 = arith.mulf %gather3A_470, %unpack3A_475 : vector<16xf32>
        %add3A_479 = arith.addf %add3A_464, %mul3A_478 : vector<16xf32>
        %add3A_480 = arith.constant 64 : i32
        %add3A_481 = arith.addi %add3A_419, %add3A_480 : i32
        %add3A_482 = arith.constant 0 : i32
        %add3A_483 = arith.addi %add3A_481, %add3A_482 : i32
        %broadcast_in_dim3A_484 = vector.broadcast %add3A_483 : i32 to vector<16xi32>
        %gather3A_485 = tpu.vector_load_idx %arg8[%broadcast_in_dim3A_484] : memref<1024xf32, #tpu.memory_space<vmem>>[vector<16xi32>], vector<16xf32>,
        %get3A_486 = arith.index_cast %add3A_483 : i32 to index
        %get3A_487 = arith.constant 0 : index
        %get3A_488 = tpu.vector_load %arg10[%get3A_486, %get3A_487] {strides = array<i32>} : memref<1024x32xbf16, #tpu.memory_space<vmem>>, vector<32xbf16>,
        %unpack3A_489 = tpu.unpack_subelements %get3A_488, 0 {pack_format = #tpu.pack_format<interleaved>} : vector<32xbf16> -> vector<16xf32>
        %unpack3A_490 = tpu.unpack_subelements %get3A_488, 1 {pack_format = #tpu.pack_format<interleaved>} : vector<32xbf16> -> vector<16xf32>
        %mul3A_491 = arith.mulf %gather3A_485, %unpack3A_489 : vector<16xf32>
        %add3A_492 = arith.addf %add3A_477, %mul3A_491 : vector<16xf32>
        %mul3A_493 = arith.mulf %gather3A_485, %unpack3A_490 : vector<16xf32>
        %add3A_494 = arith.addf %add3A_479, %mul3A_493 : vector<16xf32>
        %add3A_495 = arith.constant 64 : i32
        %add3A_496 = arith.addi %add3A_419, %add3A_495 : i32
        %add3A_497 = arith.constant 1 : i32
        %add3A_498 = arith.addi %add3A_496, %add3A_497 : i32
        %broadcast_in_dim3A_499 = vector.broadcast %add3A_498 : i32 to vector<16xi32>
        %gather3A_500 = tpu.vector_load_idx %arg8[%broadcast_in_dim3A_499] : memref<1024xf32, #tpu.memory_space<vmem>>[vector<16xi32>], vector<16xf32>,
        %get3A_501 = arith.index_cast %add3A_498 : i32 to index
        %get3A_502 = arith.constant 0 : index
        %get3A_503 = tpu.vector_load %arg10[%get3A_501, %get3A_502] {strides = array<i32>} : memref<1024x32xbf16, #tpu.memory_space<vmem>>, vector<32xbf16>,
        %unpack3A_504 = tpu.unpack_subelements %get3A_503, 0 {pack_format = #tpu.pack_format<interleaved>} : vector<32xbf16> -> vector<16xf32>
        %unpack3A_505 = tpu.unpack_subelements %get3A_503, 1 {pack_format = #tpu.pack_format<interleaved>} : vector<32xbf16> -> vector<16xf32>
        %mul3A_506 = arith.mulf %gather3A_500, %unpack3A_504 : vector<16xf32>
        %add3A_507 = arith.addf %add3A_492, %mul3A_506 : vector<16xf32>
        %mul3A_508 = arith.mulf %gather3A_500, %unpack3A_505 : vector<16xf32>
        %add3A_509 = arith.addf %add3A_494, %mul3A_508 : vector<16xf32>
        %add3A_510 = arith.constant 64 : i32
        %add3A_511 = arith.addi %add3A_419, %add3A_510 : i32
        %add3A_512 = arith.constant 2 : i32
        %add3A_513 = arith.addi %add3A_511, %add3A_512 : i32
        %broadcast_in_dim3A_514 = vector.broadcast %add3A_513 : i32 to vector<16xi32>
        %gather3A_515 = tpu.vector_load_idx %arg8[%broadcast_in_dim3A_514] : memref<1024xf32, #tpu.memory_space<vmem>>[vector<16xi32>], vector<16xf32>,
        %get3A_516 = arith.index_cast %add3A_513 : i32 to index
        %get3A_517 = arith.constant 0 : index
        %get3A_518 = tpu.vector_load %arg10[%get3A_516, %get3A_517] {strides = array<i32>} : memref<1024x32xbf16, #tpu.memory_space<vmem>>, vector<32xbf16>,
        %unpack3A_519 = tpu.unpack_subelements %get3A_518, 0 {pack_format = #tpu.pack_format<interleaved>} : vector<32xbf16> -> vector<16xf32>
        %unpack3A_520 = tpu.unpack_subelements %get3A_518, 1 {pack_format = #tpu.pack_format<interleaved>} : vector<32xbf16> -> vector<16xf32>
        %mul3A_521 = arith.mulf %gather3A_515, %unpack3A_519 : vector<16xf32>
        %add3A_522 = arith.addf %add3A_507, %mul3A_521 : vector<16xf32>
        %mul3A_523 = arith.mulf %gather3A_515, %unpack3A_520 : vector<16xf32>
        %add3A_524 = arith.addf %add3A_509, %mul3A_523 : vector<16xf32>
        %add3A_525 = arith.constant 64 : i32
        %add3A_526 = arith.addi %add3A_419, %add3A_525 : i32
        %add3A_527 = arith.constant 3 : i32
        %add3A_528 = arith.addi %add3A_526, %add3A_527 : i32
        %broadcast_in_dim3A_529 = vector.broadcast %add3A_528 : i32 to vector<16xi32>
        %gather3A_530 = tpu.vector_load_idx %arg8[%broadcast_in_dim3A_529] : memref<1024xf32, #tpu.memory_space<vmem>>[vector<16xi32>], vector<16xf32>,
        %get3A_531 = arith.index_cast %add3A_528 : i32 to index
        %get3A_532 = arith.constant 0 : index
        %get3A_533 = tpu.vector_load %arg10[%get3A_531, %get3A_532] {strides = array<i32>} : memref<1024x32xbf16, #tpu.memory_space<vmem>>, vector<32xbf16>,
        %unpack3A_534 = tpu.unpack_subelements %get3A_533, 0 {pack_format = #tpu.pack_format<interleaved>} : vector<32xbf16> -> vector<16xf32>
        %unpack3A_535 = tpu.unpack_subelements %get3A_533, 1 {pack_format = #tpu.pack_format<interleaved>} : vector<32xbf16> -> vector<16xf32>
        %mul3A_536 = arith.mulf %gather3A_530, %unpack3A_534 : vector<16xf32>
        %add3A_537 = arith.addf %add3A_522, %mul3A_536 : vector<16xf32>
        %mul3A_538 = arith.mulf %gather3A_530, %unpack3A_535 : vector<16xf32>
        %add3A_539 = arith.addf %add3A_524, %mul3A_538 : vector<16xf32>
        %add3A_540 = arith.constant 128 : i32
        %add3A_541 = arith.addi %add3A_419, %add3A_540 : i32
        %add3A_542 = arith.constant 0 : i32
        %add3A_543 = arith.addi %add3A_541, %add3A_542 : i32
        %broadcast_in_dim3A_544 = vector.broadcast %add3A_543 : i32 to vector<16xi32>
        %gather3A_545 = tpu.vector_load_idx %arg8[%broadcast_in_dim3A_544] : memref<1024xf32, #tpu.memory_space<vmem>>[vector<16xi32>], vector<16xf32>,
        %get3A_546 = arith.index_cast %add3A_543 : i32 to index
        %get3A_547 = arith.constant 0 : index
        %get3A_548 = tpu.vector_load %arg10[%get3A_546, %get3A_547] {strides = array<i32>} : memref<1024x32xbf16, #tpu.memory_space<vmem>>, vector<32xbf16>,
        %unpack3A_549 = tpu.unpack_subelements %get3A_548, 0 {pack_format = #tpu.pack_format<interleaved>} : vector<32xbf16> -> vector<16xf32>
        %unpack3A_550 = tpu.unpack_subelements %get3A_548, 1 {pack_format = #tpu.pack_format<interleaved>} : vector<32xbf16> -> vector<16xf32>
        %mul3A_551 = arith.mulf %gather3A_545, %unpack3A_549 : vector<16xf32>
        %add3A_552 = arith.addf %add3A_537, %mul3A_551 : vector<16xf32>
        %mul3A_553 = arith.mulf %gather3A_545, %unpack3A_550 : vector<16xf32>
        %add3A_554 = arith.addf %add3A_539, %mul3A_553 : vector<16xf32>
        %add3A_555 = arith.constant 128 : i32
        %add3A_556 = arith.addi %add3A_419, %add3A_555 : i32
        %add3A_557 = arith.constant 1 : i32
        %add3A_558 = arith.addi %add3A_556, %add3A_557 : i32
        %broadcast_in_dim3A_559 = vector.broadcast %add3A_558 : i32 to vector<16xi32>
        %gather3A_560 = tpu.vector_load_idx %arg8[%broadcast_in_dim3A_559] : memref<1024xf32, #tpu.memory_space<vmem>>[vector<16xi32>], vector<16xf32>,
        %get3A_561 = arith.index_cast %add3A_558 : i32 to index
        %get3A_562 = arith.constant 0 : index
        %get3A_563 = tpu.vector_load %arg10[%get3A_561, %get3A_562] {strides = array<i32>} : memref<1024x32xbf16, #tpu.memory_space<vmem>>, vector<32xbf16>,
        %unpack3A_564 = tpu.unpack_subelements %get3A_563, 0 {pack_format = #tpu.pack_format<interleaved>} : vector<32xbf16> -> vector<16xf32>
        %unpack3A_565 = tpu.unpack_subelements %get3A_563, 1 {pack_format = #tpu.pack_format<interleaved>} : vector<32xbf16> -> vector<16xf32>
        %mul3A_566 = arith.mulf %gather3A_560, %unpack3A_564 : vector<16xf32>
        %add3A_567 = arith.addf %add3A_552, %mul3A_566 : vector<16xf32>
        %mul3A_568 = arith.mulf %gather3A_560, %unpack3A_565 : vector<16xf32>
        %add3A_569 = arith.addf %add3A_554, %mul3A_568 : vector<16xf32>
        %add3A_570 = arith.constant 128 : i32
        %add3A_571 = arith.addi %add3A_419, %add3A_570 : i32
        %add3A_572 = arith.constant 2 : i32
        %add3A_573 = arith.addi %add3A_571, %add3A_572 : i32
        %broadcast_in_dim3A_574 = vector.broadcast %add3A_573 : i32 to vector<16xi32>
        %gather3A_575 = tpu.vector_load_idx %arg8[%broadcast_in_dim3A_574] : memref<1024xf32, #tpu.memory_space<vmem>>[vector<16xi32>], vector<16xf32>,
        %get3A_576 = arith.index_cast %add3A_573 : i32 to index
        %get3A_577 = arith.constant 0 : index
        %get3A_578 = tpu.vector_load %arg10[%get3A_576, %get3A_577] {strides = array<i32>} : memref<1024x32xbf16, #tpu.memory_space<vmem>>, vector<32xbf16>,
        %unpack3A_579 = tpu.unpack_subelements %get3A_578, 0 {pack_format = #tpu.pack_format<interleaved>} : vector<32xbf16> -> vector<16xf32>
        %unpack3A_580 = tpu.unpack_subelements %get3A_578, 1 {pack_format = #tpu.pack_format<interleaved>} : vector<32xbf16> -> vector<16xf32>
        %mul3A_581 = arith.mulf %gather3A_575, %unpack3A_579 : vector<16xf32>
        %add3A_582 = arith.addf %add3A_567, %mul3A_581 : vector<16xf32>
        %mul3A_583 = arith.mulf %gather3A_575, %unpack3A_580 : vector<16xf32>
        %add3A_584 = arith.addf %add3A_569, %mul3A_583 : vector<16xf32>
        %add3A_585 = arith.constant 128 : i32
        %add3A_586 = arith.addi %add3A_419, %add3A_585 : i32
        %add3A_587 = arith.constant 3 : i32
        %add3A_588 = arith.addi %add3A_586, %add3A_587 : i32
        %broadcast_in_dim3A_589 = vector.broadcast %add3A_588 : i32 to vector<16xi32>
        %gather3A_590 = tpu.vector_load_idx %arg8[%broadcast_in_dim3A_589] : memref<1024xf32, #tpu.memory_space<vmem>>[vector<16xi32>], vector<16xf32>,
        %get3A_591 = arith.index_cast %add3A_588 : i32 to index
        %get3A_592 = arith.constant 0 : index
        %get3A_593 = tpu.vector_load %arg10[%get3A_591, %get3A_592] {strides = array<i32>} : memref<1024x32xbf16, #tpu.memory_space<vmem>>, vector<32xbf16>,
        %unpack3A_594 = tpu.unpack_subelements %get3A_593, 0 {pack_format = #tpu.pack_format<interleaved>} : vector<32xbf16> -> vector<16xf32>
        %unpack3A_595 = tpu.unpack_subelements %get3A_593, 1 {pack_format = #tpu.pack_format<interleaved>} : vector<32xbf16> -> vector<16xf32>
        %mul3A_596 = arith.mulf %gather3A_590, %unpack3A_594 : vector<16xf32>
        %add3A_597 = arith.addf %add3A_582, %mul3A_596 : vector<16xf32>
        %mul3A_598 = arith.mulf %gather3A_590, %unpack3A_595 : vector<16xf32>
        %add3A_599 = arith.addf %add3A_584, %mul3A_598 : vector<16xf32>
        %add3A_600 = arith.constant 192 : i32
        %add3A_601 = arith.addi %add3A_419, %add3A_600 : i32
        %add3A_602 = arith.constant 0 : i32
        %add3A_603 = arith.addi %add3A_601, %add3A_602 : i32
        %broadcast_in_dim3A_604 = vector.broadcast %add3A_603 : i32 to vector<16xi32>
        %gather3A_605 = tpu.vector_load_idx %arg8[%broadcast_in_dim3A_604] : memref<1024xf32, #tpu.memory_space<vmem>>[vector<16xi32>], vector<16xf32>,
        %get3A_606 = arith.index_cast %add3A_603 : i32 to index
        %get3A_607 = arith.constant 0 : index
        %get3A_608 = tpu.vector_load %arg10[%get3A_606, %get3A_607] {strides = array<i32>} : memref<1024x32xbf16, #tpu.memory_space<vmem>>, vector<32xbf16>,
        %unpack3A_609 = tpu.unpack_subelements %get3A_608, 0 {pack_format = #tpu.pack_format<interleaved>} : vector<32xbf16> -> vector<16xf32>
        %unpack3A_610 = tpu.unpack_subelements %get3A_608, 1 {pack_format = #tpu.pack_format<interleaved>} : vector<32xbf16> -> vector<16xf32>
        %mul3A_611 = arith.mulf %gather3A_605, %unpack3A_609 : vector<16xf32>
        %add3A_612 = arith.addf %add3A_597, %mul3A_611 : vector<16xf32>
        %mul3A_613 = arith.mulf %gather3A_605, %unpack3A_610 : vector<16xf32>
        %add3A_614 = arith.addf %add3A_599, %mul3A_613 : vector<16xf32>
        %add3A_615 = arith.constant 192 : i32
        %add3A_616 = arith.addi %add3A_419, %add3A_615 : i32
        %add3A_617 = arith.constant 1 : i32
        %add3A_618 = arith.addi %add3A_616, %add3A_617 : i32
        %broadcast_in_dim3A_619 = vector.broadcast %add3A_618 : i32 to vector<16xi32>
        %gather3A_620 = tpu.vector_load_idx %arg8[%broadcast_in_dim3A_619] : memref<1024xf32, #tpu.memory_space<vmem>>[vector<16xi32>], vector<16xf32>,
        %get3A_621 = arith.index_cast %add3A_618 : i32 to index
        %get3A_622 = arith.constant 0 : index
        %get3A_623 = tpu.vector_load %arg10[%get3A_621, %get3A_622] {strides = array<i32>} : memref<1024x32xbf16, #tpu.memory_space<vmem>>, vector<32xbf16>,
        %unpack3A_624 = tpu.unpack_subelements %get3A_623, 0 {pack_format = #tpu.pack_format<interleaved>} : vector<32xbf16> -> vector<16xf32>
        %unpack3A_625 = tpu.unpack_subelements %get3A_623, 1 {pack_format = #tpu.pack_format<interleaved>} : vector<32xbf16> -> vector<16xf32>
        %mul3A_626 = arith.mulf %gather3A_620, %unpack3A_624 : vector<16xf32>
        %add3A_627 = arith.addf %add3A_612, %mul3A_626 : vector<16xf32>
        %mul3A_628 = arith.mulf %gather3A_620, %unpack3A_625 : vector<16xf32>
        %add3A_629 = arith.addf %add3A_614, %mul3A_628 : vector<16xf32>
        %add3A_630 = arith.constant 192 : i32
        %add3A_631 = arith.addi %add3A_419, %add3A_630 : i32
        %add3A_632 = arith.constant 2 : i32
        %add3A_633 = arith.addi %add3A_631, %add3A_632 : i32
        %broadcast_in_dim3A_634 = vector.broadcast %add3A_633 : i32 to vector<16xi32>
        %gather3A_635 = tpu.vector_load_idx %arg8[%broadcast_in_dim3A_634] : memref<1024xf32, #tpu.memory_space<vmem>>[vector<16xi32>], vector<16xf32>,
        %get3A_636 = arith.index_cast %add3A_633 : i32 to index
        %get3A_637 = arith.constant 0 : index
        %get3A_638 = tpu.vector_load %arg10[%get3A_636, %get3A_637] {strides = array<i32>} : memref<1024x32xbf16, #tpu.memory_space<vmem>>, vector<32xbf16>,
        %unpack3A_639 = tpu.unpack_subelements %get3A_638, 0 {pack_format = #tpu.pack_format<interleaved>} : vector<32xbf16> -> vector<16xf32>
        %unpack3A_640 = tpu.unpack_subelements %get3A_638, 1 {pack_format = #tpu.pack_format<interleaved>} : vector<32xbf16> -> vector<16xf32>
        %mul3A_641 = arith.mulf %gather3A_635, %unpack3A_639 : vector<16xf32>
        %add3A_642 = arith.addf %add3A_627, %mul3A_641 : vector<16xf32>
        %mul3A_643 = arith.mulf %gather3A_635, %unpack3A_640 : vector<16xf32>
        %add3A_644 = arith.addf %add3A_629, %mul3A_643 : vector<16xf32>
        %add3A_645 = arith.constant 192 : i32
        %add3A_646 = arith.addi %add3A_419, %add3A_645 : i32
        %add3A_647 = arith.constant 3 : i32
        %add3A_648 = arith.addi %add3A_646, %add3A_647 : i32
        %broadcast_in_dim3A_649 = vector.broadcast %add3A_648 : i32 to vector<16xi32>
        %gather3A_650 = tpu.vector_load_idx %arg8[%broadcast_in_dim3A_649] : memref<1024xf32, #tpu.memory_space<vmem>>[vector<16xi32>], vector<16xf32>,
        %get3A_651 = arith.index_cast %add3A_648 : i32 to index
        %get3A_652 = arith.constant 0 : index
        %get3A_653 = tpu.vector_load %arg10[%get3A_651, %get3A_652] {strides = array<i32>} : memref<1024x32xbf16, #tpu.memory_space<vmem>>, vector<32xbf16>,
        %unpack3A_654 = tpu.unpack_subelements %get3A_653, 0 {pack_format = #tpu.pack_format<interleaved>} : vector<32xbf16> -> vector<16xf32>
        %unpack3A_655 = tpu.unpack_subelements %get3A_653, 1 {pack_format = #tpu.pack_format<interleaved>} : vector<32xbf16> -> vector<16xf32>
        %mul3A_656 = arith.mulf %gather3A_650, %unpack3A_654 : vector<16xf32>
        %add3A_657 = arith.addf %add3A_642, %mul3A_656 : vector<16xf32>
        %mul3A_658 = arith.mulf %gather3A_650, %unpack3A_655 : vector<16xf32>
        %add3A_659 = arith.addf %add3A_644, %mul3A_658 : vector<16xf32>
        %mul3A_660 = arith.constant 4 : i32
        %mul3A_661 = arith.muli %select_n3A_395, %mul3A_660 : i32
        %add3A_662 = arith.addi %mul3A_661, %select_n3A : i32
        %mul3A_663 = arith.constant 8 : i32
        %mul3A_664 = arith.muli %add3A_662, %mul3A_663 : i32
        %add3A_665 = arith.addi %mul3A_664, %select_n3A_411 : i32
        %mul3A_666 = arith.constant 32 : i32
        %mul3A_667 = arith.muli %add3A_665, %mul3A_666 : i32
        %swap3A = arith.index_cast %mul3A_667 : i32 to index
        %swap3A_668 = tpu.vector_load %arg12[%swap3A] {strides = array<i32>} : memref<2048xf32, #tpu.memory_space<vmem>>, vector<16xf32>,
        tpu.vector_store %arg12[%swap3A], %add3A_657 {strides = array<i32>} : memref<2048xf32, #tpu.memory_space<vmem>>, vector<16xf32>,
        %add3A_669 = arith.constant 16 : i32
        %add3A_670 = arith.addi %mul3A_667, %add3A_669 : i32
        %swap3A_671 = arith.index_cast %add3A_670 : i32 to index
        %swap3A_672 = tpu.vector_load %arg12[%swap3A_671] {strides = array<i32>} : memref<2048xf32, #tpu.memory_space<vmem>>, vector<16xf32>,
        tpu.vector_store %arg12[%swap3A_671], %add3A_659 {strides = array<i32>} : memref<2048xf32, #tpu.memory_space<vmem>>, vector<16xf32>,
        %scan3A_673 = arith.constant 0 : i32
        scf.yield %scan3A_673 : i32
      }
      %scan3A_198 = arith.constant 64 : i32
      %mul3A_199 = arith.constant 320 : i32
      %mul3A_200 = arith.muli %add3A, %mul3A_199 : i32
      %min3A_201 = arith.constant 79 : i32
      %min3A_202 = arith.minsi %add3A_159, %min3A_201 : i32
      %mul3A_203 = arith.constant 4 : i32
      %mul3A_204 = arith.muli %min3A_202, %mul3A_203 : i32
      %add3A_205 = arith.addi %mul3A_200, %mul3A_204 : i32
      %mul3A_206 = arith.constant 256 : i32
      %mul3A_207 = arith.muli %add3A_205, %mul3A_206 : i32
      %dma_start3A_208 = arith.constant 0 : i32
      %dma_start3A_209 = tpu.memref_slice %arg12[%dma_start3A_208] : memref<2048xf32, #tpu.memory_space<vmem>> -> memref<1024xf32, #tpu.memory_space<vmem>>
      %dma_start3A_210 = tpu.memref_slice %arg5[%mul3A_207] : memref<5242880xf32, #tpu.memory_space<hbm>> -> memref<1024xf32, #tpu.memory_space<hbm>>
      %dma_start3A_211 = tpu.memref_slice %arg5[%mul3A_207] : memref<5242880xf32, #tpu.memory_space<hbm>> -> memref<1024xf32, #tpu.memory_space<hbm>>
      %dma_start3A_212 = arith.constant 0 : i32
      %dma_start3A_213 = tpu.memref_slice %arg12[%dma_start3A_212] : memref<2048xf32, #tpu.memory_space<vmem>> -> memref<1024xf32, #tpu.memory_space<vmem>>
      tpu.enqueue_dma source(%dma_start3A_213 : memref<1024xf32, #tpu.memory_space<vmem>>) target(%dma_start3A_211 : memref<1024xf32, #tpu.memory_space<hbm>>) target_semaphore(%arg18 : memref<!tpu.dma_semaphore, #tpu.memory_space<semaphore_mem>>)
      %add3A_214 = arith.constant 2621440 : i32
      %add3A_215 = arith.addi %add3A_214, %mul3A_207 : i32
      %dma_start3A_216 = arith.constant 1024 : i32
      %dma_start3A_217 = tpu.memref_slice %arg12[%dma_start3A_216] : memref<2048xf32, #tpu.memory_space<vmem>> -> memref<1024xf32, #tpu.memory_space<vmem>>
      %dma_start3A_218 = tpu.memref_slice %arg5[%add3A_215] : memref<5242880xf32, #tpu.memory_space<hbm>> -> memref<1024xf32, #tpu.memory_space<hbm>>
      %dma_start3A_219 = tpu.memref_slice %arg5[%add3A_215] : memref<5242880xf32, #tpu.memory_space<hbm>> -> memref<1024xf32, #tpu.memory_space<hbm>>
      %dma_start3A_220 = arith.constant 1024 : i32
      %dma_start3A_221 = tpu.memref_slice %arg12[%dma_start3A_220] : memref<2048xf32, #tpu.memory_space<vmem>> -> memref<1024xf32, #tpu.memory_space<vmem>>
      tpu.enqueue_dma source(%dma_start3A_221 : memref<1024xf32, #tpu.memory_space<vmem>>) target(%dma_start3A_219 : memref<1024xf32, #tpu.memory_space<hbm>>) target_semaphore(%arg18 : memref<!tpu.dma_semaphore, #tpu.memory_space<semaphore_mem>>)
      %add3A_222 = arith.constant 2 : i32
      %add3A_223 = arith.addi %add3A_159, %add3A_222 : i32
      %mul3A_224 = arith.constant 320 : i32
      %mul3A_225 = arith.muli %add3A, %mul3A_224 : i32
      %min3A_226 = arith.constant 79 : i32
      %min3A_227 = arith.minsi %add3A_223, %min3A_226 : i32
      %mul3A_228 = arith.constant 4 : i32
      %mul3A_229 = arith.muli %min3A_227, %mul3A_228 : i32
      %add3A_230 = arith.addi %mul3A_225, %mul3A_229 : i32
      %mul3A_231 = arith.constant 256 : i32
      %mul3A_232 = arith.muli %add3A_230, %mul3A_231 : i32
      %dma_start3A_233 = tpu.memref_slice %arg3[%mul3A_232] : memref<2621440xi32, #tpu.memory_space<hbm>> -> memref<1024xi32, #tpu.memory_space<hbm>>
      %dma_start3A_234 = tpu.memref_slice %arg3[%mul3A_232] : memref<2621440xi32, #tpu.memory_space<hbm>> -> memref<1024xi32, #tpu.memory_space<hbm>>
      tpu.enqueue_dma source(%dma_start3A_234 : memref<1024xi32, #tpu.memory_space<hbm>>) target(%arg6 : memref<1024xi32, #tpu.memory_space<vmem>>) target_semaphore(%arg14 : memref<!tpu.dma_semaphore, #tpu.memory_space<semaphore_mem>>)
      %mul3A_235 = arith.constant 320 : i32
      %mul3A_236 = arith.muli %add3A, %mul3A_235 : i32
      %min3A_237 = arith.constant 79 : i32
      %min3A_238 = arith.minsi %add3A_223, %min3A_237 : i32
      %mul3A_239 = arith.constant 4 : i32
      %mul3A_240 = arith.muli %min3A_238, %mul3A_239 : i32
      %add3A_241 = arith.addi %mul3A_236, %mul3A_240 : i32
      %mul3A_242 = arith.constant 256 : i32
      %mul3A_243 = arith.muli %add3A_241, %mul3A_242 : i32
      %dma_start3A_244 = tpu.memref_slice %arg4[%mul3A_243] : memref<2621440xf32, #tpu.memory_space<hbm>> -> memref<1024xf32, #tpu.memory_space<hbm>>
      %dma_start3A_245 = tpu.memref_slice %arg4[%mul3A_243] : memref<2621440xf32, #tpu.memory_space<hbm>> -> memref<1024xf32, #tpu.memory_space<hbm>>
      tpu.enqueue_dma source(%dma_start3A_245 : memref<1024xf32, #tpu.memory_space<hbm>>) target(%arg8 : memref<1024xf32, #tpu.memory_space<vmem>>) target_semaphore(%arg14 : memref<!tpu.dma_semaphore, #tpu.memory_space<semaphore_mem>>)
      %mul3A_246 = arith.constant 2 : i32
      %mul3A_247 = arith.muli %scan3A_154, %mul3A_246 : i32
      %add3A_248 = arith.constant 1 : i32
      %add3A_249 = arith.addi %mul3A_247, %add3A_248 : i32
      %dma_wait3A_250 = arith.constant 0 : i32
      %dma_wait3A_251 = arith.constant 0 : i32
      %dma_wait3A_252 = tpu.memref_slice %arg2[%dma_wait3A_250, %dma_wait3A_251] : memref<169728x32xbf16, #tpu.memory_space<hbm>> -> memref<169728x32xbf16, #tpu.memory_space<hbm>>
      tpu.wait_indirect_dma semaphore(%arg17 : memref<!tpu.dma_semaphore, #tpu.memory_space<semaphore_mem>>) src(%dma_wait3A_252 : memref<169728x32xbf16, #tpu.memory_space<hbm>>) dst(%arg11 : memref<1024x32xbf16, #tpu.memory_space<vmem>>)
      %add3A_253 = arith.constant 1 : i32
      %add3A_254 = arith.addi %add3A_249, %add3A_253 : i32
      %mul3A_255 = arith.constant 320 : i32
      %mul3A_256 = arith.muli %add3A, %mul3A_255 : i32
      %min3A_257 = arith.constant 79 : i32
      %min3A_258 = arith.minsi %add3A_254, %min3A_257 : i32
      %mul3A_259 = arith.constant 4 : i32
      %mul3A_260 = arith.muli %min3A_258, %mul3A_259 : i32
      %add3A_261 = arith.addi %mul3A_256, %mul3A_260 : i32
      %mul3A_262 = arith.constant 256 : i32
      %mul3A_263 = arith.muli %add3A_261, %mul3A_262 : i32
      %dma_wait3A_264 = tpu.memref_slice %arg3[%mul3A_263] : memref<2621440xi32, #tpu.memory_space<hbm>> -> memref<1024xi32, #tpu.memory_space<hbm>>
      %dma_wait3A_265 = tpu.memref_slice %arg3[%mul3A_263] : memref<2621440xi32, #tpu.memory_space<hbm>> -> memref<1024xi32, #tpu.memory_space<hbm>>
      tpu.wait_dma2 semaphore(%arg14 : memref<!tpu.dma_semaphore, #tpu.memory_space<semaphore_mem>>) src(%dma_wait3A_265 : memref<1024xi32, #tpu.memory_space<hbm>>) dst(%arg6 : memref<1024xi32, #tpu.memory_space<vmem>>)
      %mul3A_266 = arith.constant 320 : i32
      %mul3A_267 = arith.muli %add3A, %mul3A_266 : i32
      %min3A_268 = arith.constant 79 : i32
      %min3A_269 = arith.minsi %add3A_254, %min3A_268 : i32
      %mul3A_270 = arith.constant 4 : i32
      %mul3A_271 = arith.muli %min3A_269, %mul3A_270 : i32
      %add3A_272 = arith.addi %mul3A_267, %mul3A_271 : i32
      %mul3A_273 = arith.constant 256 : i32
      %mul3A_274 = arith.muli %add3A_272, %mul3A_273 : i32
      %dma_wait3A_275 = tpu.memref_slice %arg4[%mul3A_274] : memref<2621440xf32, #tpu.memory_space<hbm>> -> memref<1024xf32, #tpu.memory_space<hbm>>
      %dma_wait3A_276 = tpu.memref_slice %arg4[%mul3A_274] : memref<2621440xf32, #tpu.memory_space<hbm>> -> memref<1024xf32, #tpu.memory_space<hbm>>
      tpu.wait_dma2 semaphore(%arg14 : memref<!tpu.dma_semaphore, #tpu.memory_space<semaphore_mem>>) src(%dma_wait3A_276 : memref<1024xf32, #tpu.memory_space<hbm>>) dst(%arg8 : memref<1024xf32, #tpu.memory_space<vmem>>)
      %dma_start3A_277 = arith.constant 0 : i32
      %dma_start3A_278 = arith.constant 0 : i32
      %dma_start3A_279 = tpu.memref_slice %arg2[%dma_start3A_277, %dma_start3A_278] : memref<169728x32xbf16, #tpu.memory_space<hbm>> -> memref<169728x32xbf16, #tpu.memory_space<hbm>>
      tpu.enqueue_indirect_dma source(%dma_start3A_279 : memref<169728x32xbf16, #tpu.memory_space<hbm>>) target(%arg10 : memref<1024x32xbf16, #tpu.memory_space<vmem>>) offsets(%arg6 : memref<1024xi32, #tpu.memory_space<vmem>>) semaphore(%arg16 : memref<!tpu.dma_semaphore, #tpu.memory_space<semaphore_mem>>)
      %gt3A_280 = arith.constant 0 : i32
      %gt3A_281 = arith.cmpi sgt, %scan3A_154, %gt3A_280 : i32
      %convert_element_type3A_282 = arith.extui %gt3A_281 : i1 to i32
      %cond3A_283 = arith.constant 0 : i32
      %cond3A_284 = arith.cmpi ne, %convert_element_type3A_282, %cond3A_283 : i32
      scf.if %cond3A_284 {
        %sub3A = arith.constant 2 : i32
        %sub3A_340 = arith.subi %add3A_249, %sub3A : i32
        %mul3A_341 = arith.constant 320 : i32
        %mul3A_342 = arith.muli %add3A, %mul3A_341 : i32
        %min3A_343 = arith.constant 79 : i32
        %min3A_344 = arith.minsi %sub3A_340, %min3A_343 : i32
        %mul3A_345 = arith.constant 4 : i32
        %mul3A_346 = arith.muli %min3A_344, %mul3A_345 : i32
        %add3A_347 = arith.addi %mul3A_342, %mul3A_346 : i32
        %mul3A_348 = arith.constant 256 : i32
        %mul3A_349 = arith.muli %add3A_347, %mul3A_348 : i32
        %dma_wait3A_350 = arith.constant 0 : i32
        %dma_wait3A_351 = tpu.memref_slice %arg13[%dma_wait3A_350] : memref<2048xf32, #tpu.memory_space<vmem>> -> memref<1024xf32, #tpu.memory_space<vmem>>
        %dma_wait3A_352 = tpu.memref_slice %arg5[%mul3A_349] : memref<5242880xf32, #tpu.memory_space<hbm>> -> memref<1024xf32, #tpu.memory_space<hbm>>
        %dma_wait3A_353 = tpu.memref_slice %arg5[%mul3A_349] : memref<5242880xf32, #tpu.memory_space<hbm>> -> memref<1024xf32, #tpu.memory_space<hbm>>
        %dma_wait3A_354 = arith.constant 0 : i32
        %dma_wait3A_355 = tpu.memref_slice %arg13[%dma_wait3A_354] : memref<2048xf32, #tpu.memory_space<vmem>> -> memref<1024xf32, #tpu.memory_space<vmem>>
        tpu.wait_dma2 semaphore(%arg19 : memref<!tpu.dma_semaphore, #tpu.memory_space<semaphore_mem>>) src(%dma_wait3A_355 : memref<1024xf32, #tpu.memory_space<vmem>>) dst(%dma_wait3A_353 : memref<1024xf32, #tpu.memory_space<hbm>>)
        %add3A_356 = arith.constant 2621440 : i32
        %add3A_357 = arith.addi %add3A_356, %mul3A_349 : i32
        %dma_wait3A_358 = arith.constant 1024 : i32
        %dma_wait3A_359 = tpu.memref_slice %arg13[%dma_wait3A_358] : memref<2048xf32, #tpu.memory_space<vmem>> -> memref<1024xf32, #tpu.memory_space<vmem>>
        %dma_wait3A_360 = tpu.memref_slice %arg5[%add3A_357] : memref<5242880xf32, #tpu.memory_space<hbm>> -> memref<1024xf32, #tpu.memory_space<hbm>>
        %dma_wait3A_361 = tpu.memref_slice %arg5[%add3A_357] : memref<5242880xf32, #tpu.memory_space<hbm>> -> memref<1024xf32, #tpu.memory_space<hbm>>
        %dma_wait3A_362 = arith.constant 1024 : i32
        %dma_wait3A_363 = tpu.memref_slice %arg13[%dma_wait3A_362] : memref<2048xf32, #tpu.memory_space<vmem>> -> memref<1024xf32, #tpu.memory_space<vmem>>
        tpu.wait_dma2 semaphore(%arg19 : memref<!tpu.dma_semaphore, #tpu.memory_space<semaphore_mem>>) src(%dma_wait3A_363 : memref<1024xf32, #tpu.memory_space<vmem>>) dst(%dma_wait3A_361 : memref<1024xf32, #tpu.memory_space<hbm>>)
      } else {
      }
      %scan3A_285 = arith.constant 0 : i32
      %scan3A_286 = arith.constant 0 : i32
      %scan3A_287 = arith.constant 64 : i32
      %scan3A_288 = arith.addi %scan3A_286, %scan3A_287 : i32
      %scan3A_289 = arith.constant 1 : i32
      %scan3A_290 = scf.for %scan3A_340 = %scan3A_286 to %scan3A_288 step %scan3A_289 iter_args(%scan3A_341 = %scan3A_285) -> (i32)  : i32 {
        %jit3A = arith.constant 16 : i32
        %div3A = arith.divsi %scan3A_340, %jit3A : i32
        %sign3A = arith.constant 0 : i32
        %sign3A_342 = arith.cmpi sgt, %scan3A_340, %sign3A : i32
        %sign3A_343 = arith.extui %sign3A_342 : i1 to i32
        %sign3A_344 = arith.constant 0 : i32
        %sign3A_345 = arith.cmpi slt, %scan3A_340, %sign3A_344 : i32
        %sign3A_346 = arith.extui %sign3A_345 : i1 to i32
        %sign3A_347 = arith.subi %sign3A_343, %sign3A_346 : i32
        %sign3A_348 = arith.constant 0 : i32
        %sign3A_349 = arith.cmpi sgt, %jit3A, %sign3A_348 : i32
        %sign3A_350 = arith.extui %sign3A_349 : i1 to i32
        %sign3A_351 = arith.constant 0 : i32
        %sign3A_352 = arith.cmpi slt, %jit3A, %sign3A_351 : i32
        %sign3A_353 = arith.extui %sign3A_352 : i1 to i32
        %sign3A_354 = arith.subi %sign3A_350, %sign3A_353 : i32
        %ne3A = arith.cmpi ne, %sign3A_347, %sign3A_354 : i32
        %rem3A = arith.remsi %scan3A_340, %jit3A : i32
        %ne3A_355 = arith.constant 0 : i32
        %ne3A_356 = arith.cmpi ne, %rem3A, %ne3A_355 : i32
        %and3A = arith.andi %ne3A, %ne3A_356 : i1
        %sub3A = arith.constant 1 : i32
        %sub3A_357 = arith.subi %div3A, %sub3A : i32
        %select_n3A = arith.select %and3A, %sub3A_357, %div3A : i32
        %jit3A_358 = arith.constant 16 : i32
        %eq3A = arith.constant 0 : i32
        %eq3A_359 = arith.cmpi eq, %jit3A_358, %eq3A : i32
        %jit3A_360 = arith.constant 1 : i32
        %select_n3A_361 = arith.select %eq3A_359, %jit3A_360, %jit3A_358 : i32
        %rem3A_362 = arith.remsi %scan3A_340, %select_n3A_361 : i32
        %ne3A_363 = arith.constant 0 : i32
        %ne3A_364 = arith.cmpi ne, %rem3A_362, %ne3A_363 : i32
        %lt3A = arith.constant 0 : i32
        %lt3A_365 = arith.cmpi slt, %rem3A_362, %lt3A : i32
        %lt3A_366 = arith.constant 0 : i32
        %lt3A_367 = arith.cmpi slt, %select_n3A_361, %lt3A_366 : i32
        %ne3A_368 = arith.xori %lt3A_365, %lt3A_367 : i1
        %and3A_369 = arith.andi %ne3A_368, %ne3A_364 : i1
        %add3A_370 = arith.addi %rem3A_362, %select_n3A_361 : i32
        %select_n3A_371 = arith.select %and3A_369, %add3A_370, %rem3A_362 : i32
        %jit3A_372 = arith.constant 8 : i32
        %div3A_373 = arith.divsi %select_n3A_371, %jit3A_372 : i32
        %sign3A_374 = arith.constant 0 : i32
        %sign3A_375 = arith.cmpi sgt, %select_n3A_371, %sign3A_374 : i32
        %sign3A_376 = arith.extui %sign3A_375 : i1 to i32
        %sign3A_377 = arith.constant 0 : i32
        %sign3A_378 = arith.cmpi slt, %select_n3A_371, %sign3A_377 : i32
        %sign3A_379 = arith.extui %sign3A_378 : i1 to i32
        %sign3A_380 = arith.subi %sign3A_376, %sign3A_379 : i32
        %sign3A_381 = arith.constant 0 : i32
        %sign3A_382 = arith.cmpi sgt, %jit3A_372, %sign3A_381 : i32
        %sign3A_383 = arith.extui %sign3A_382 : i1 to i32
        %sign3A_384 = arith.constant 0 : i32
        %sign3A_385 = arith.cmpi slt, %jit3A_372, %sign3A_384 : i32
        %sign3A_386 = arith.extui %sign3A_385 : i1 to i32
        %sign3A_387 = arith.subi %sign3A_383, %sign3A_386 : i32
        %ne3A_388 = arith.cmpi ne, %sign3A_380, %sign3A_387 : i32
        %rem3A_389 = arith.remsi %select_n3A_371, %jit3A_372 : i32
        %ne3A_390 = arith.constant 0 : i32
        %ne3A_391 = arith.cmpi ne, %rem3A_389, %ne3A_390 : i32
        %and3A_392 = arith.andi %ne3A_388, %ne3A_391 : i1
        %sub3A_393 = arith.constant 1 : i32
        %sub3A_394 = arith.subi %div3A_373, %sub3A_393 : i32
        %select_n3A_395 = arith.select %and3A_392, %sub3A_394, %div3A_373 : i32
        %jit3A_396 = arith.constant 8 : i32
        %eq3A_397 = arith.constant 0 : i32
        %eq3A_398 = arith.cmpi eq, %jit3A_396, %eq3A_397 : i32
        %jit3A_399 = arith.constant 1 : i32
        %select_n3A_400 = arith.select %eq3A_398, %jit3A_399, %jit3A_396 : i32
        %rem3A_401 = arith.remsi %select_n3A_371, %select_n3A_400 : i32
        %ne3A_402 = arith.constant 0 : i32
        %ne3A_403 = arith.cmpi ne, %rem3A_401, %ne3A_402 : i32
        %lt3A_404 = arith.constant 0 : i32
        %lt3A_405 = arith.cmpi slt, %rem3A_401, %lt3A_404 : i32
        %lt3A_406 = arith.constant 0 : i32
        %lt3A_407 = arith.cmpi slt, %select_n3A_400, %lt3A_406 : i32
        %ne3A_408 = arith.xori %lt3A_405, %lt3A_407 : i1
        %and3A_409 = arith.andi %ne3A_408, %ne3A_403 : i1
        %add3A_410 = arith.addi %rem3A_401, %select_n3A_400 : i32
        %select_n3A_411 = arith.select %and3A_409, %add3A_410, %rem3A_401 : i32
        %mul3A_412 = arith.constant 256 : i32
        %mul3A_413 = arith.muli %select_n3A, %mul3A_412 : i32
        %mul3A_414 = arith.constant 8 : i32
        %mul3A_415 = arith.muli %select_n3A_411, %mul3A_414 : i32
        %add3A_416 = arith.addi %mul3A_413, %mul3A_415 : i32
        %mul3A_417 = arith.constant 4 : i32
        %mul3A_418 = arith.muli %select_n3A_395, %mul3A_417 : i32
        %add3A_419 = arith.addi %add3A_416, %mul3A_418 : i32
        %broadcast_in_dim3A = arith.constant 0.000000e+00 : f32
        %broadcast_in_dim3A_420 = vector.broadcast %broadcast_in_dim3A : f32 to vector<16xf32>
        %broadcast_in_dim3A_421 = arith.constant 0.000000e+00 : f32
        %broadcast_in_dim3A_422 = vector.broadcast %broadcast_in_dim3A_421 : f32 to vector<16xf32>
        %add3A_423 = arith.constant 0 : i32
        %add3A_424 = arith.addi %add3A_419, %add3A_423 : i32
        %add3A_425 = arith.constant 0 : i32
        %add3A_426 = arith.addi %add3A_424, %add3A_425 : i32
        %broadcast_in_dim3A_427 = vector.broadcast %add3A_426 : i32 to vector<16xi32>
        %gather3A = tpu.vector_load_idx %arg9[%broadcast_in_dim3A_427] : memref<1024xf32, #tpu.memory_space<vmem>>[vector<16xi32>], vector<16xf32>,
        %get3A = arith.index_cast %add3A_426 : i32 to index
        %get3A_428 = arith.constant 0 : index
        %get3A_429 = tpu.vector_load %arg11[%get3A, %get3A_428] {strides = array<i32>} : memref<1024x32xbf16, #tpu.memory_space<vmem>>, vector<32xbf16>,
        %unpack3A = tpu.unpack_subelements %get3A_429, 0 {pack_format = #tpu.pack_format<interleaved>} : vector<32xbf16> -> vector<16xf32>
        %unpack3A_430 = tpu.unpack_subelements %get3A_429, 1 {pack_format = #tpu.pack_format<interleaved>} : vector<32xbf16> -> vector<16xf32>
        %mul3A_431 = arith.mulf %gather3A, %unpack3A : vector<16xf32>
        %add3A_432 = arith.addf %broadcast_in_dim3A_420, %mul3A_431 : vector<16xf32>
        %mul3A_433 = arith.mulf %gather3A, %unpack3A_430 : vector<16xf32>
        %add3A_434 = arith.addf %broadcast_in_dim3A_422, %mul3A_433 : vector<16xf32>
        %add3A_435 = arith.constant 0 : i32
        %add3A_436 = arith.addi %add3A_419, %add3A_435 : i32
        %add3A_437 = arith.constant 1 : i32
        %add3A_438 = arith.addi %add3A_436, %add3A_437 : i32
        %broadcast_in_dim3A_439 = vector.broadcast %add3A_438 : i32 to vector<16xi32>
        %gather3A_440 = tpu.vector_load_idx %arg9[%broadcast_in_dim3A_439] : memref<1024xf32, #tpu.memory_space<vmem>>[vector<16xi32>], vector<16xf32>,
        %get3A_441 = arith.index_cast %add3A_438 : i32 to index
        %get3A_442 = arith.constant 0 : index
        %get3A_443 = tpu.vector_load %arg11[%get3A_441, %get3A_442] {strides = array<i32>} : memref<1024x32xbf16, #tpu.memory_space<vmem>>, vector<32xbf16>,
        %unpack3A_444 = tpu.unpack_subelements %get3A_443, 0 {pack_format = #tpu.pack_format<interleaved>} : vector<32xbf16> -> vector<16xf32>
        %unpack3A_445 = tpu.unpack_subelements %get3A_443, 1 {pack_format = #tpu.pack_format<interleaved>} : vector<32xbf16> -> vector<16xf32>
        %mul3A_446 = arith.mulf %gather3A_440, %unpack3A_444 : vector<16xf32>
        %add3A_447 = arith.addf %add3A_432, %mul3A_446 : vector<16xf32>
        %mul3A_448 = arith.mulf %gather3A_440, %unpack3A_445 : vector<16xf32>
        %add3A_449 = arith.addf %add3A_434, %mul3A_448 : vector<16xf32>
        %add3A_450 = arith.constant 0 : i32
        %add3A_451 = arith.addi %add3A_419, %add3A_450 : i32
        %add3A_452 = arith.constant 2 : i32
        %add3A_453 = arith.addi %add3A_451, %add3A_452 : i32
        %broadcast_in_dim3A_454 = vector.broadcast %add3A_453 : i32 to vector<16xi32>
        %gather3A_455 = tpu.vector_load_idx %arg9[%broadcast_in_dim3A_454] : memref<1024xf32, #tpu.memory_space<vmem>>[vector<16xi32>], vector<16xf32>,
        %get3A_456 = arith.index_cast %add3A_453 : i32 to index
        %get3A_457 = arith.constant 0 : index
        %get3A_458 = tpu.vector_load %arg11[%get3A_456, %get3A_457] {strides = array<i32>} : memref<1024x32xbf16, #tpu.memory_space<vmem>>, vector<32xbf16>,
        %unpack3A_459 = tpu.unpack_subelements %get3A_458, 0 {pack_format = #tpu.pack_format<interleaved>} : vector<32xbf16> -> vector<16xf32>
        %unpack3A_460 = tpu.unpack_subelements %get3A_458, 1 {pack_format = #tpu.pack_format<interleaved>} : vector<32xbf16> -> vector<16xf32>
        %mul3A_461 = arith.mulf %gather3A_455, %unpack3A_459 : vector<16xf32>
        %add3A_462 = arith.addf %add3A_447, %mul3A_461 : vector<16xf32>
        %mul3A_463 = arith.mulf %gather3A_455, %unpack3A_460 : vector<16xf32>
        %add3A_464 = arith.addf %add3A_449, %mul3A_463 : vector<16xf32>
        %add3A_465 = arith.constant 0 : i32
        %add3A_466 = arith.addi %add3A_419, %add3A_465 : i32
        %add3A_467 = arith.constant 3 : i32
        %add3A_468 = arith.addi %add3A_466, %add3A_467 : i32
        %broadcast_in_dim3A_469 = vector.broadcast %add3A_468 : i32 to vector<16xi32>
        %gather3A_470 = tpu.vector_load_idx %arg9[%broadcast_in_dim3A_469] : memref<1024xf32, #tpu.memory_space<vmem>>[vector<16xi32>], vector<16xf32>,
        %get3A_471 = arith.index_cast %add3A_468 : i32 to index
        %get3A_472 = arith.constant 0 : index
        %get3A_473 = tpu.vector_load %arg11[%get3A_471, %get3A_472] {strides = array<i32>} : memref<1024x32xbf16, #tpu.memory_space<vmem>>, vector<32xbf16>,
        %unpack3A_474 = tpu.unpack_subelements %get3A_473, 0 {pack_format = #tpu.pack_format<interleaved>} : vector<32xbf16> -> vector<16xf32>
        %unpack3A_475 = tpu.unpack_subelements %get3A_473, 1 {pack_format = #tpu.pack_format<interleaved>} : vector<32xbf16> -> vector<16xf32>
        %mul3A_476 = arith.mulf %gather3A_470, %unpack3A_474 : vector<16xf32>
        %add3A_477 = arith.addf %add3A_462, %mul3A_476 : vector<16xf32>
        %mul3A_478 = arith.mulf %gather3A_470, %unpack3A_475 : vector<16xf32>
        %add3A_479 = arith.addf %add3A_464, %mul3A_478 : vector<16xf32>
        %add3A_480 = arith.constant 64 : i32
        %add3A_481 = arith.addi %add3A_419, %add3A_480 : i32
        %add3A_482 = arith.constant 0 : i32
        %add3A_483 = arith.addi %add3A_481, %add3A_482 : i32
        %broadcast_in_dim3A_484 = vector.broadcast %add3A_483 : i32 to vector<16xi32>
        %gather3A_485 = tpu.vector_load_idx %arg9[%broadcast_in_dim3A_484] : memref<1024xf32, #tpu.memory_space<vmem>>[vector<16xi32>], vector<16xf32>,
        %get3A_486 = arith.index_cast %add3A_483 : i32 to index
        %get3A_487 = arith.constant 0 : index
        %get3A_488 = tpu.vector_load %arg11[%get3A_486, %get3A_487] {strides = array<i32>} : memref<1024x32xbf16, #tpu.memory_space<vmem>>, vector<32xbf16>,
        %unpack3A_489 = tpu.unpack_subelements %get3A_488, 0 {pack_format = #tpu.pack_format<interleaved>} : vector<32xbf16> -> vector<16xf32>
        %unpack3A_490 = tpu.unpack_subelements %get3A_488, 1 {pack_format = #tpu.pack_format<interleaved>} : vector<32xbf16> -> vector<16xf32>
        %mul3A_491 = arith.mulf %gather3A_485, %unpack3A_489 : vector<16xf32>
        %add3A_492 = arith.addf %add3A_477, %mul3A_491 : vector<16xf32>
        %mul3A_493 = arith.mulf %gather3A_485, %unpack3A_490 : vector<16xf32>
        %add3A_494 = arith.addf %add3A_479, %mul3A_493 : vector<16xf32>
        %add3A_495 = arith.constant 64 : i32
        %add3A_496 = arith.addi %add3A_419, %add3A_495 : i32
        %add3A_497 = arith.constant 1 : i32
        %add3A_498 = arith.addi %add3A_496, %add3A_497 : i32
        %broadcast_in_dim3A_499 = vector.broadcast %add3A_498 : i32 to vector<16xi32>
        %gather3A_500 = tpu.vector_load_idx %arg9[%broadcast_in_dim3A_499] : memref<1024xf32, #tpu.memory_space<vmem>>[vector<16xi32>], vector<16xf32>,
        %get3A_501 = arith.index_cast %add3A_498 : i32 to index
        %get3A_502 = arith.constant 0 : index
        %get3A_503 = tpu.vector_load %arg11[%get3A_501, %get3A_502] {strides = array<i32>} : memref<1024x32xbf16, #tpu.memory_space<vmem>>, vector<32xbf16>,
        %unpack3A_504 = tpu.unpack_subelements %get3A_503, 0 {pack_format = #tpu.pack_format<interleaved>} : vector<32xbf16> -> vector<16xf32>
        %unpack3A_505 = tpu.unpack_subelements %get3A_503, 1 {pack_format = #tpu.pack_format<interleaved>} : vector<32xbf16> -> vector<16xf32>
        %mul3A_506 = arith.mulf %gather3A_500, %unpack3A_504 : vector<16xf32>
        %add3A_507 = arith.addf %add3A_492, %mul3A_506 : vector<16xf32>
        %mul3A_508 = arith.mulf %gather3A_500, %unpack3A_505 : vector<16xf32>
        %add3A_509 = arith.addf %add3A_494, %mul3A_508 : vector<16xf32>
        %add3A_510 = arith.constant 64 : i32
        %add3A_511 = arith.addi %add3A_419, %add3A_510 : i32
        %add3A_512 = arith.constant 2 : i32
        %add3A_513 = arith.addi %add3A_511, %add3A_512 : i32
        %broadcast_in_dim3A_514 = vector.broadcast %add3A_513 : i32 to vector<16xi32>
        %gather3A_515 = tpu.vector_load_idx %arg9[%broadcast_in_dim3A_514] : memref<1024xf32, #tpu.memory_space<vmem>>[vector<16xi32>], vector<16xf32>,
        %get3A_516 = arith.index_cast %add3A_513 : i32 to index
        %get3A_517 = arith.constant 0 : index
        %get3A_518 = tpu.vector_load %arg11[%get3A_516, %get3A_517] {strides = array<i32>} : memref<1024x32xbf16, #tpu.memory_space<vmem>>, vector<32xbf16>,
        %unpack3A_519 = tpu.unpack_subelements %get3A_518, 0 {pack_format = #tpu.pack_format<interleaved>} : vector<32xbf16> -> vector<16xf32>
        %unpack3A_520 = tpu.unpack_subelements %get3A_518, 1 {pack_format = #tpu.pack_format<interleaved>} : vector<32xbf16> -> vector<16xf32>
        %mul3A_521 = arith.mulf %gather3A_515, %unpack3A_519 : vector<16xf32>
        %add3A_522 = arith.addf %add3A_507, %mul3A_521 : vector<16xf32>
        %mul3A_523 = arith.mulf %gather3A_515, %unpack3A_520 : vector<16xf32>
        %add3A_524 = arith.addf %add3A_509, %mul3A_523 : vector<16xf32>
        %add3A_525 = arith.constant 64 : i32
        %add3A_526 = arith.addi %add3A_419, %add3A_525 : i32
        %add3A_527 = arith.constant 3 : i32
        %add3A_528 = arith.addi %add3A_526, %add3A_527 : i32
        %broadcast_in_dim3A_529 = vector.broadcast %add3A_528 : i32 to vector<16xi32>
        %gather3A_530 = tpu.vector_load_idx %arg9[%broadcast_in_dim3A_529] : memref<1024xf32, #tpu.memory_space<vmem>>[vector<16xi32>], vector<16xf32>,
        %get3A_531 = arith.index_cast %add3A_528 : i32 to index
        %get3A_532 = arith.constant 0 : index
        %get3A_533 = tpu.vector_load %arg11[%get3A_531, %get3A_532] {strides = array<i32>} : memref<1024x32xbf16, #tpu.memory_space<vmem>>, vector<32xbf16>,
        %unpack3A_534 = tpu.unpack_subelements %get3A_533, 0 {pack_format = #tpu.pack_format<interleaved>} : vector<32xbf16> -> vector<16xf32>
        %unpack3A_535 = tpu.unpack_subelements %get3A_533, 1 {pack_format = #tpu.pack_format<interleaved>} : vector<32xbf16> -> vector<16xf32>
        %mul3A_536 = arith.mulf %gather3A_530, %unpack3A_534 : vector<16xf32>
        %add3A_537 = arith.addf %add3A_522, %mul3A_536 : vector<16xf32>
        %mul3A_538 = arith.mulf %gather3A_530, %unpack3A_535 : vector<16xf32>
        %add3A_539 = arith.addf %add3A_524, %mul3A_538 : vector<16xf32>
        %add3A_540 = arith.constant 128 : i32
        %add3A_541 = arith.addi %add3A_419, %add3A_540 : i32
        %add3A_542 = arith.constant 0 : i32
        %add3A_543 = arith.addi %add3A_541, %add3A_542 : i32
        %broadcast_in_dim3A_544 = vector.broadcast %add3A_543 : i32 to vector<16xi32>
        %gather3A_545 = tpu.vector_load_idx %arg9[%broadcast_in_dim3A_544] : memref<1024xf32, #tpu.memory_space<vmem>>[vector<16xi32>], vector<16xf32>,
        %get3A_546 = arith.index_cast %add3A_543 : i32 to index
        %get3A_547 = arith.constant 0 : index
        %get3A_548 = tpu.vector_load %arg11[%get3A_546, %get3A_547] {strides = array<i32>} : memref<1024x32xbf16, #tpu.memory_space<vmem>>, vector<32xbf16>,
        %unpack3A_549 = tpu.unpack_subelements %get3A_548, 0 {pack_format = #tpu.pack_format<interleaved>} : vector<32xbf16> -> vector<16xf32>
        %unpack3A_550 = tpu.unpack_subelements %get3A_548, 1 {pack_format = #tpu.pack_format<interleaved>} : vector<32xbf16> -> vector<16xf32>
        %mul3A_551 = arith.mulf %gather3A_545, %unpack3A_549 : vector<16xf32>
        %add3A_552 = arith.addf %add3A_537, %mul3A_551 : vector<16xf32>
        %mul3A_553 = arith.mulf %gather3A_545, %unpack3A_550 : vector<16xf32>
        %add3A_554 = arith.addf %add3A_539, %mul3A_553 : vector<16xf32>
        %add3A_555 = arith.constant 128 : i32
        %add3A_556 = arith.addi %add3A_419, %add3A_555 : i32
        %add3A_557 = arith.constant 1 : i32
        %add3A_558 = arith.addi %add3A_556, %add3A_557 : i32
        %broadcast_in_dim3A_559 = vector.broadcast %add3A_558 : i32 to vector<16xi32>
        %gather3A_560 = tpu.vector_load_idx %arg9[%broadcast_in_dim3A_559] : memref<1024xf32, #tpu.memory_space<vmem>>[vector<16xi32>], vector<16xf32>,
        %get3A_561 = arith.index_cast %add3A_558 : i32 to index
        %get3A_562 = arith.constant 0 : index
        %get3A_563 = tpu.vector_load %arg11[%get3A_561, %get3A_562] {strides = array<i32>} : memref<1024x32xbf16, #tpu.memory_space<vmem>>, vector<32xbf16>,
        %unpack3A_564 = tpu.unpack_subelements %get3A_563, 0 {pack_format = #tpu.pack_format<interleaved>} : vector<32xbf16> -> vector<16xf32>
        %unpack3A_565 = tpu.unpack_subelements %get3A_563, 1 {pack_format = #tpu.pack_format<interleaved>} : vector<32xbf16> -> vector<16xf32>
        %mul3A_566 = arith.mulf %gather3A_560, %unpack3A_564 : vector<16xf32>
        %add3A_567 = arith.addf %add3A_552, %mul3A_566 : vector<16xf32>
        %mul3A_568 = arith.mulf %gather3A_560, %unpack3A_565 : vector<16xf32>
        %add3A_569 = arith.addf %add3A_554, %mul3A_568 : vector<16xf32>
        %add3A_570 = arith.constant 128 : i32
        %add3A_571 = arith.addi %add3A_419, %add3A_570 : i32
        %add3A_572 = arith.constant 2 : i32
        %add3A_573 = arith.addi %add3A_571, %add3A_572 : i32
        %broadcast_in_dim3A_574 = vector.broadcast %add3A_573 : i32 to vector<16xi32>
        %gather3A_575 = tpu.vector_load_idx %arg9[%broadcast_in_dim3A_574] : memref<1024xf32, #tpu.memory_space<vmem>>[vector<16xi32>], vector<16xf32>,
        %get3A_576 = arith.index_cast %add3A_573 : i32 to index
        %get3A_577 = arith.constant 0 : index
        %get3A_578 = tpu.vector_load %arg11[%get3A_576, %get3A_577] {strides = array<i32>} : memref<1024x32xbf16, #tpu.memory_space<vmem>>, vector<32xbf16>,
        %unpack3A_579 = tpu.unpack_subelements %get3A_578, 0 {pack_format = #tpu.pack_format<interleaved>} : vector<32xbf16> -> vector<16xf32>
        %unpack3A_580 = tpu.unpack_subelements %get3A_578, 1 {pack_format = #tpu.pack_format<interleaved>} : vector<32xbf16> -> vector<16xf32>
        %mul3A_581 = arith.mulf %gather3A_575, %unpack3A_579 : vector<16xf32>
        %add3A_582 = arith.addf %add3A_567, %mul3A_581 : vector<16xf32>
        %mul3A_583 = arith.mulf %gather3A_575, %unpack3A_580 : vector<16xf32>
        %add3A_584 = arith.addf %add3A_569, %mul3A_583 : vector<16xf32>
        %add3A_585 = arith.constant 128 : i32
        %add3A_586 = arith.addi %add3A_419, %add3A_585 : i32
        %add3A_587 = arith.constant 3 : i32
        %add3A_588 = arith.addi %add3A_586, %add3A_587 : i32
        %broadcast_in_dim3A_589 = vector.broadcast %add3A_588 : i32 to vector<16xi32>
        %gather3A_590 = tpu.vector_load_idx %arg9[%broadcast_in_dim3A_589] : memref<1024xf32, #tpu.memory_space<vmem>>[vector<16xi32>], vector<16xf32>,
        %get3A_591 = arith.index_cast %add3A_588 : i32 to index
        %get3A_592 = arith.constant 0 : index
        %get3A_593 = tpu.vector_load %arg11[%get3A_591, %get3A_592] {strides = array<i32>} : memref<1024x32xbf16, #tpu.memory_space<vmem>>, vector<32xbf16>,
        %unpack3A_594 = tpu.unpack_subelements %get3A_593, 0 {pack_format = #tpu.pack_format<interleaved>} : vector<32xbf16> -> vector<16xf32>
        %unpack3A_595 = tpu.unpack_subelements %get3A_593, 1 {pack_format = #tpu.pack_format<interleaved>} : vector<32xbf16> -> vector<16xf32>
        %mul3A_596 = arith.mulf %gather3A_590, %unpack3A_594 : vector<16xf32>
        %add3A_597 = arith.addf %add3A_582, %mul3A_596 : vector<16xf32>
        %mul3A_598 = arith.mulf %gather3A_590, %unpack3A_595 : vector<16xf32>
        %add3A_599 = arith.addf %add3A_584, %mul3A_598 : vector<16xf32>
        %add3A_600 = arith.constant 192 : i32
        %add3A_601 = arith.addi %add3A_419, %add3A_600 : i32
        %add3A_602 = arith.constant 0 : i32
        %add3A_603 = arith.addi %add3A_601, %add3A_602 : i32
        %broadcast_in_dim3A_604 = vector.broadcast %add3A_603 : i32 to vector<16xi32>
        %gather3A_605 = tpu.vector_load_idx %arg9[%broadcast_in_dim3A_604] : memref<1024xf32, #tpu.memory_space<vmem>>[vector<16xi32>], vector<16xf32>,
        %get3A_606 = arith.index_cast %add3A_603 : i32 to index
        %get3A_607 = arith.constant 0 : index
        %get3A_608 = tpu.vector_load %arg11[%get3A_606, %get3A_607] {strides = array<i32>} : memref<1024x32xbf16, #tpu.memory_space<vmem>>, vector<32xbf16>,
        %unpack3A_609 = tpu.unpack_subelements %get3A_608, 0 {pack_format = #tpu.pack_format<interleaved>} : vector<32xbf16> -> vector<16xf32>
        %unpack3A_610 = tpu.unpack_subelements %get3A_608, 1 {pack_format = #tpu.pack_format<interleaved>} : vector<32xbf16> -> vector<16xf32>
        %mul3A_611 = arith.mulf %gather3A_605, %unpack3A_609 : vector<16xf32>
        %add3A_612 = arith.addf %add3A_597, %mul3A_611 : vector<16xf32>
        %mul3A_613 = arith.mulf %gather3A_605, %unpack3A_610 : vector<16xf32>
        %add3A_614 = arith.addf %add3A_599, %mul3A_613 : vector<16xf32>
        %add3A_615 = arith.constant 192 : i32
        %add3A_616 = arith.addi %add3A_419, %add3A_615 : i32
        %add3A_617 = arith.constant 1 : i32
        %add3A_618 = arith.addi %add3A_616, %add3A_617 : i32
        %broadcast_in_dim3A_619 = vector.broadcast %add3A_618 : i32 to vector<16xi32>
        %gather3A_620 = tpu.vector_load_idx %arg9[%broadcast_in_dim3A_619] : memref<1024xf32, #tpu.memory_space<vmem>>[vector<16xi32>], vector<16xf32>,
        %get3A_621 = arith.index_cast %add3A_618 : i32 to index
        %get3A_622 = arith.constant 0 : index
        %get3A_623 = tpu.vector_load %arg11[%get3A_621, %get3A_622] {strides = array<i32>} : memref<1024x32xbf16, #tpu.memory_space<vmem>>, vector<32xbf16>,
        %unpack3A_624 = tpu.unpack_subelements %get3A_623, 0 {pack_format = #tpu.pack_format<interleaved>} : vector<32xbf16> -> vector<16xf32>
        %unpack3A_625 = tpu.unpack_subelements %get3A_623, 1 {pack_format = #tpu.pack_format<interleaved>} : vector<32xbf16> -> vector<16xf32>
        %mul3A_626 = arith.mulf %gather3A_620, %unpack3A_624 : vector<16xf32>
        %add3A_627 = arith.addf %add3A_612, %mul3A_626 : vector<16xf32>
        %mul3A_628 = arith.mulf %gather3A_620, %unpack3A_625 : vector<16xf32>
        %add3A_629 = arith.addf %add3A_614, %mul3A_628 : vector<16xf32>
        %add3A_630 = arith.constant 192 : i32
        %add3A_631 = arith.addi %add3A_419, %add3A_630 : i32
        %add3A_632 = arith.constant 2 : i32
        %add3A_633 = arith.addi %add3A_631, %add3A_632 : i32
        %broadcast_in_dim3A_634 = vector.broadcast %add3A_633 : i32 to vector<16xi32>
        %gather3A_635 = tpu.vector_load_idx %arg9[%broadcast_in_dim3A_634] : memref<1024xf32, #tpu.memory_space<vmem>>[vector<16xi32>], vector<16xf32>,
        %get3A_636 = arith.index_cast %add3A_633 : i32 to index
        %get3A_637 = arith.constant 0 : index
        %get3A_638 = tpu.vector_load %arg11[%get3A_636, %get3A_637] {strides = array<i32>} : memref<1024x32xbf16, #tpu.memory_space<vmem>>, vector<32xbf16>,
        %unpack3A_639 = tpu.unpack_subelements %get3A_638, 0 {pack_format = #tpu.pack_format<interleaved>} : vector<32xbf16> -> vector<16xf32>
        %unpack3A_640 = tpu.unpack_subelements %get3A_638, 1 {pack_format = #tpu.pack_format<interleaved>} : vector<32xbf16> -> vector<16xf32>
        %mul3A_641 = arith.mulf %gather3A_635, %unpack3A_639 : vector<16xf32>
        %add3A_642 = arith.addf %add3A_627, %mul3A_641 : vector<16xf32>
        %mul3A_643 = arith.mulf %gather3A_635, %unpack3A_640 : vector<16xf32>
        %add3A_644 = arith.addf %add3A_629, %mul3A_643 : vector<16xf32>
        %add3A_645 = arith.constant 192 : i32
        %add3A_646 = arith.addi %add3A_419, %add3A_645 : i32
        %add3A_647 = arith.constant 3 : i32
        %add3A_648 = arith.addi %add3A_646, %add3A_647 : i32
        %broadcast_in_dim3A_649 = vector.broadcast %add3A_648 : i32 to vector<16xi32>
        %gather3A_650 = tpu.vector_load_idx %arg9[%broadcast_in_dim3A_649] : memref<1024xf32, #tpu.memory_space<vmem>>[vector<16xi32>], vector<16xf32>,
        %get3A_651 = arith.index_cast %add3A_648 : i32 to index
        %get3A_652 = arith.constant 0 : index
        %get3A_653 = tpu.vector_load %arg11[%get3A_651, %get3A_652] {strides = array<i32>} : memref<1024x32xbf16, #tpu.memory_space<vmem>>, vector<32xbf16>,
        %unpack3A_654 = tpu.unpack_subelements %get3A_653, 0 {pack_format = #tpu.pack_format<interleaved>} : vector<32xbf16> -> vector<16xf32>
        %unpack3A_655 = tpu.unpack_subelements %get3A_653, 1 {pack_format = #tpu.pack_format<interleaved>} : vector<32xbf16> -> vector<16xf32>
        %mul3A_656 = arith.mulf %gather3A_650, %unpack3A_654 : vector<16xf32>
        %add3A_657 = arith.addf %add3A_642, %mul3A_656 : vector<16xf32>
        %mul3A_658 = arith.mulf %gather3A_650, %unpack3A_655 : vector<16xf32>
        %add3A_659 = arith.addf %add3A_644, %mul3A_658 : vector<16xf32>
        %mul3A_660 = arith.constant 4 : i32
        %mul3A_661 = arith.muli %select_n3A_395, %mul3A_660 : i32
        %add3A_662 = arith.addi %mul3A_661, %select_n3A : i32
        %mul3A_663 = arith.constant 8 : i32
        %mul3A_664 = arith.muli %add3A_662, %mul3A_663 : i32
        %add3A_665 = arith.addi %mul3A_664, %select_n3A_411 : i32
        %mul3A_666 = arith.constant 32 : i32
        %mul3A_667 = arith.muli %add3A_665, %mul3A_666 : i32
        %swap3A = arith.index_cast %mul3A_667 : i32 to index
        %swap3A_668 = tpu.vector_load %arg13[%swap3A] {strides = array<i32>} : memref<2048xf32, #tpu.memory_space<vmem>>, vector<16xf32>,
        tpu.vector_store %arg13[%swap3A], %add3A_657 {strides = array<i32>} : memref<2048xf32, #tpu.memory_space<vmem>>, vector<16xf32>,
        %add3A_669 = arith.constant 16 : i32
        %add3A_670 = arith.addi %mul3A_667, %add3A_669 : i32
        %swap3A_671 = arith.index_cast %add3A_670 : i32 to index
        %swap3A_672 = tpu.vector_load %arg13[%swap3A_671] {strides = array<i32>} : memref<2048xf32, #tpu.memory_space<vmem>>, vector<16xf32>,
        tpu.vector_store %arg13[%swap3A_671], %add3A_659 {strides = array<i32>} : memref<2048xf32, #tpu.memory_space<vmem>>, vector<16xf32>,
        %scan3A_673 = arith.constant 0 : i32
        scf.yield %scan3A_673 : i32
      }
      %scan3A_291 = arith.constant 64 : i32
      %mul3A_292 = arith.constant 320 : i32
      %mul3A_293 = arith.muli %add3A, %mul3A_292 : i32
      %min3A_294 = arith.constant 79 : i32
      %min3A_295 = arith.minsi %add3A_249, %min3A_294 : i32
      %mul3A_296 = arith.constant 4 : i32
      %mul3A_297 = arith.muli %min3A_295, %mul3A_296 : i32
      %add3A_298 = arith.addi %mul3A_293, %mul3A_297 : i32
      %mul3A_299 = arith.constant 256 : i32
      %mul3A_300 = arith.muli %add3A_298, %mul3A_299 : i32
      %dma_start3A_301 = arith.constant 0 : i32
      %dma_start3A_302 = tpu.memref_slice %arg13[%dma_start3A_301] : memref<2048xf32, #tpu.memory_space<vmem>> -> memref<1024xf32, #tpu.memory_space<vmem>>
      %dma_start3A_303 = tpu.memref_slice %arg5[%mul3A_300] : memref<5242880xf32, #tpu.memory_space<hbm>> -> memref<1024xf32, #tpu.memory_space<hbm>>
      %dma_start3A_304 = tpu.memref_slice %arg5[%mul3A_300] : memref<5242880xf32, #tpu.memory_space<hbm>> -> memref<1024xf32, #tpu.memory_space<hbm>>
      %dma_start3A_305 = arith.constant 0 : i32
      %dma_start3A_306 = tpu.memref_slice %arg13[%dma_start3A_305] : memref<2048xf32, #tpu.memory_space<vmem>> -> memref<1024xf32, #tpu.memory_space<vmem>>
      tpu.enqueue_dma source(%dma_start3A_306 : memref<1024xf32, #tpu.memory_space<vmem>>) target(%dma_start3A_304 : memref<1024xf32, #tpu.memory_space<hbm>>) target_semaphore(%arg19 : memref<!tpu.dma_semaphore, #tpu.memory_space<semaphore_mem>>)
      %add3A_307 = arith.constant 2621440 : i32
      %add3A_308 = arith.addi %add3A_307, %mul3A_300 : i32
      %dma_start3A_309 = arith.constant 1024 : i32
      %dma_start3A_310 = tpu.memref_slice %arg13[%dma_start3A_309] : memref<2048xf32, #tpu.memory_space<vmem>> -> memref<1024xf32, #tpu.memory_space<vmem>>
      %dma_start3A_311 = tpu.memref_slice %arg5[%add3A_308] : memref<5242880xf32, #tpu.memory_space<hbm>> -> memref<1024xf32, #tpu.memory_space<hbm>>
      %dma_start3A_312 = tpu.memref_slice %arg5[%add3A_308] : memref<5242880xf32, #tpu.memory_space<hbm>> -> memref<1024xf32, #tpu.memory_space<hbm>>
      %dma_start3A_313 = arith.constant 1024 : i32
      %dma_start3A_314 = tpu.memref_slice %arg13[%dma_start3A_313] : memref<2048xf32, #tpu.memory_space<vmem>> -> memref<1024xf32, #tpu.memory_space<vmem>>
      tpu.enqueue_dma source(%dma_start3A_314 : memref<1024xf32, #tpu.memory_space<vmem>>) target(%dma_start3A_312 : memref<1024xf32, #tpu.memory_space<hbm>>) target_semaphore(%arg19 : memref<!tpu.dma_semaphore, #tpu.memory_space<semaphore_mem>>)
      %add3A_315 = arith.constant 2 : i32
      %add3A_316 = arith.addi %add3A_249, %add3A_315 : i32
      %mul3A_317 = arith.constant 320 : i32
      %mul3A_318 = arith.muli %add3A, %mul3A_317 : i32
      %min3A_319 = arith.constant 79 : i32
      %min3A_320 = arith.minsi %add3A_316, %min3A_319 : i32
      %mul3A_321 = arith.constant 4 : i32
      %mul3A_322 = arith.muli %min3A_320, %mul3A_321 : i32
      %add3A_323 = arith.addi %mul3A_318, %mul3A_322 : i32
      %mul3A_324 = arith.constant 256 : i32
      %mul3A_325 = arith.muli %add3A_323, %mul3A_324 : i32
      %dma_start3A_326 = tpu.memref_slice %arg3[%mul3A_325] : memref<2621440xi32, #tpu.memory_space<hbm>> -> memref<1024xi32, #tpu.memory_space<hbm>>
      %dma_start3A_327 = tpu.memref_slice %arg3[%mul3A_325] : memref<2621440xi32, #tpu.memory_space<hbm>> -> memref<1024xi32, #tpu.memory_space<hbm>>
      tpu.enqueue_dma source(%dma_start3A_327 : memref<1024xi32, #tpu.memory_space<hbm>>) target(%arg7 : memref<1024xi32, #tpu.memory_space<vmem>>) target_semaphore(%arg15 : memref<!tpu.dma_semaphore, #tpu.memory_space<semaphore_mem>>)
      %mul3A_328 = arith.constant 320 : i32
      %mul3A_329 = arith.muli %add3A, %mul3A_328 : i32
      %min3A_330 = arith.constant 79 : i32
      %min3A_331 = arith.minsi %add3A_316, %min3A_330 : i32
      %mul3A_332 = arith.constant 4 : i32
      %mul3A_333 = arith.muli %min3A_331, %mul3A_332 : i32
      %add3A_334 = arith.addi %mul3A_329, %mul3A_333 : i32
      %mul3A_335 = arith.constant 256 : i32
      %mul3A_336 = arith.muli %add3A_334, %mul3A_335 : i32
      %dma_start3A_337 = tpu.memref_slice %arg4[%mul3A_336] : memref<2621440xf32, #tpu.memory_space<hbm>> -> memref<1024xf32, #tpu.memory_space<hbm>>
      %dma_start3A_338 = tpu.memref_slice %arg4[%mul3A_336] : memref<2621440xf32, #tpu.memory_space<hbm>> -> memref<1024xf32, #tpu.memory_space<hbm>>
      tpu.enqueue_dma source(%dma_start3A_338 : memref<1024xf32, #tpu.memory_space<hbm>>) target(%arg9 : memref<1024xf32, #tpu.memory_space<vmem>>) target_semaphore(%arg15 : memref<!tpu.dma_semaphore, #tpu.memory_space<semaphore_mem>>)
      %scan3A_339 = arith.constant 0 : i32
      scf.yield %scan3A_339 : i32
    }
    %scan3A_78 = arith.constant 40 : i32
    %dma_wait3A_79 = arith.constant 0 : i32
    %dma_wait3A_80 = arith.constant 0 : i32
    %dma_wait3A_81 = tpu.memref_slice %arg2[%dma_wait3A_79, %dma_wait3A_80] : memref<169728x32xbf16, #tpu.memory_space<hbm>> -> memref<169728x32xbf16, #tpu.memory_space<hbm>>
    tpu.wait_indirect_dma semaphore(%arg16 : memref<!tpu.dma_semaphore, #tpu.memory_space<semaphore_mem>>) src(%dma_wait3A_81 : memref<169728x32xbf16, #tpu.memory_space<hbm>>) dst(%arg10 : memref<1024x32xbf16, #tpu.memory_space<vmem>>)
    %mul3A_82 = arith.constant 320 : i32
    %mul3A_83 = arith.muli %add3A, %mul3A_82 : i32
    %min3A_84 = arith.constant 80 : i32
    %min3A_85 = arith.constant 79 : i32
    %min3A_86 = arith.minsi %min3A_84, %min3A_85 : i32
    %mul3A_87 = arith.constant 4 : i32
    %mul3A_88 = arith.muli %min3A_86, %mul3A_87 : i32
    %add3A_89 = arith.addi %mul3A_83, %mul3A_88 : i32
    %mul3A_90 = arith.constant 256 : i32
    %mul3A_91 = arith.muli %add3A_89, %mul3A_90 : i32
    %dma_wait3A_92 = tpu.memref_slice %arg3[%mul3A_91] : memref<2621440xi32, #tpu.memory_space<hbm>> -> memref<1024xi32, #tpu.memory_space<hbm>>
    %dma_wait3A_93 = tpu.memref_slice %arg3[%mul3A_91] : memref<2621440xi32, #tpu.memory_space<hbm>> -> memref<1024xi32, #tpu.memory_space<hbm>>
    tpu.wait_dma2 semaphore(%arg15 : memref<!tpu.dma_semaphore, #tpu.memory_space<semaphore_mem>>) src(%dma_wait3A_93 : memref<1024xi32, #tpu.memory_space<hbm>>) dst(%arg7 : memref<1024xi32, #tpu.memory_space<vmem>>)
    %mul3A_94 = arith.constant 320 : i32
    %mul3A_95 = arith.muli %add3A, %mul3A_94 : i32
    %min3A_96 = arith.constant 80 : i32
    %min3A_97 = arith.constant 79 : i32
    %min3A_98 = arith.minsi %min3A_96, %min3A_97 : i32
    %mul3A_99 = arith.constant 4 : i32
    %mul3A_100 = arith.muli %min3A_98, %mul3A_99 : i32
    %add3A_101 = arith.addi %mul3A_95, %mul3A_100 : i32
    %mul3A_102 = arith.constant 256 : i32
    %mul3A_103 = arith.muli %add3A_101, %mul3A_102 : i32
    %dma_wait3A_104 = tpu.memref_slice %arg4[%mul3A_103] : memref<2621440xf32, #tpu.memory_space<hbm>> -> memref<1024xf32, #tpu.memory_space<hbm>>
    %dma_wait3A_105 = tpu.memref_slice %arg4[%mul3A_103] : memref<2621440xf32, #tpu.memory_space<hbm>> -> memref<1024xf32, #tpu.memory_space<hbm>>
    tpu.wait_dma2 semaphore(%arg15 : memref<!tpu.dma_semaphore, #tpu.memory_space<semaphore_mem>>) src(%dma_wait3A_105 : memref<1024xf32, #tpu.memory_space<hbm>>) dst(%arg9 : memref<1024xf32, #tpu.memory_space<vmem>>)
    %mul3A_106 = arith.constant 320 : i32
    %mul3A_107 = arith.muli %add3A, %mul3A_106 : i32
    %min3A_108 = arith.constant 78 : i32
    %min3A_109 = arith.constant 79 : i32
    %min3A_110 = arith.minsi %min3A_108, %min3A_109 : i32
    %mul3A_111 = arith.constant 4 : i32
    %mul3A_112 = arith.muli %min3A_110, %mul3A_111 : i32
    %add3A_113 = arith.addi %mul3A_107, %mul3A_112 : i32
    %mul3A_114 = arith.constant 256 : i32
    %mul3A_115 = arith.muli %add3A_113, %mul3A_114 : i32
    %dma_wait3A_116 = arith.constant 0 : i32
    %dma_wait3A_117 = tpu.memref_slice %arg12[%dma_wait3A_116] : memref<2048xf32, #tpu.memory_space<vmem>> -> memref<1024xf32, #tpu.memory_space<vmem>>
    %dma_wait3A_118 = tpu.memref_slice %arg5[%mul3A_115] : memref<5242880xf32, #tpu.memory_space<hbm>> -> memref<1024xf32, #tpu.memory_space<hbm>>
    %dma_wait3A_119 = tpu.memref_slice %arg5[%mul3A_115] : memref<5242880xf32, #tpu.memory_space<hbm>> -> memref<1024xf32, #tpu.memory_space<hbm>>
    %dma_wait3A_120 = arith.constant 0 : i32
    %dma_wait3A_121 = tpu.memref_slice %arg12[%dma_wait3A_120] : memref<2048xf32, #tpu.memory_space<vmem>> -> memref<1024xf32, #tpu.memory_space<vmem>>
    tpu.wait_dma2 semaphore(%arg18 : memref<!tpu.dma_semaphore, #tpu.memory_space<semaphore_mem>>) src(%dma_wait3A_121 : memref<1024xf32, #tpu.memory_space<vmem>>) dst(%dma_wait3A_119 : memref<1024xf32, #tpu.memory_space<hbm>>)
    %add3A_122 = arith.constant 2621440 : i32
    %add3A_123 = arith.addi %add3A_122, %mul3A_115 : i32
    %dma_wait3A_124 = arith.constant 1024 : i32
    %dma_wait3A_125 = tpu.memref_slice %arg12[%dma_wait3A_124] : memref<2048xf32, #tpu.memory_space<vmem>> -> memref<1024xf32, #tpu.memory_space<vmem>>
    %dma_wait3A_126 = tpu.memref_slice %arg5[%add3A_123] : memref<5242880xf32, #tpu.memory_space<hbm>> -> memref<1024xf32, #tpu.memory_space<hbm>>
    %dma_wait3A_127 = tpu.memref_slice %arg5[%add3A_123] : memref<5242880xf32, #tpu.memory_space<hbm>> -> memref<1024xf32, #tpu.memory_space<hbm>>
    %dma_wait3A_128 = arith.constant 1024 : i32
    %dma_wait3A_129 = tpu.memref_slice %arg12[%dma_wait3A_128] : memref<2048xf32, #tpu.memory_space<vmem>> -> memref<1024xf32, #tpu.memory_space<vmem>>
    tpu.wait_dma2 semaphore(%arg18 : memref<!tpu.dma_semaphore, #tpu.memory_space<semaphore_mem>>) src(%dma_wait3A_129 : memref<1024xf32, #tpu.memory_space<vmem>>) dst(%dma_wait3A_127 : memref<1024xf32, #tpu.memory_space<hbm>>)
    %mul3A_130 = arith.constant 320 : i32
    %mul3A_131 = arith.muli %add3A, %mul3A_130 : i32
    %min3A_132 = arith.constant 79 : i32
    %min3A_133 = arith.constant 79 : i32
    %min3A_134 = arith.minsi %min3A_132, %min3A_133 : i32
    %mul3A_135 = arith.constant 4 : i32
    %mul3A_136 = arith.muli %min3A_134, %mul3A_135 : i32
    %add3A_137 = arith.addi %mul3A_131, %mul3A_136 : i32
    %mul3A_138 = arith.constant 256 : i32
    %mul3A_139 = arith.muli %add3A_137, %mul3A_138 : i32
    %dma_wait3A_140 = arith.constant 0 : i32
    %dma_wait3A_141 = tpu.memref_slice %arg13[%dma_wait3A_140] : memref<2048xf32, #tpu.memory_space<vmem>> -> memref<1024xf32, #tpu.memory_space<vmem>>
    %dma_wait3A_142 = tpu.memref_slice %arg5[%mul3A_139] : memref<5242880xf32, #tpu.memory_space<hbm>> -> memref<1024xf32, #tpu.memory_space<hbm>>
    %dma_wait3A_143 = tpu.memref_slice %arg5[%mul3A_139] : memref<5242880xf32, #tpu.memory_space<hbm>> -> memref<1024xf32, #tpu.memory_space<hbm>>
    %dma_wait3A_144 = arith.constant 0 : i32
    %dma_wait3A_145 = tpu.memref_slice %arg13[%dma_wait3A_144] : memref<2048xf32, #tpu.memory_space<vmem>> -> memref<1024xf32, #tpu.memory_space<vmem>>
    tpu.wait_dma2 semaphore(%arg19 : memref<!tpu.dma_semaphore, #tpu.memory_space<semaphore_mem>>) src(%dma_wait3A_145 : memref<1024xf32, #tpu.memory_space<vmem>>) dst(%dma_wait3A_143 : memref<1024xf32, #tpu.memory_space<hbm>>)
    %add3A_146 = arith.constant 2621440 : i32
    %add3A_147 = arith.addi %add3A_146, %mul3A_139 : i32
    %dma_wait3A_148 = arith.constant 1024 : i32
    %dma_wait3A_149 = tpu.memref_slice %arg13[%dma_wait3A_148] : memref<2048xf32, #tpu.memory_space<vmem>> -> memref<1024xf32, #tpu.memory_space<vmem>>
    %dma_wait3A_150 = tpu.memref_slice %arg5[%add3A_147] : memref<5242880xf32, #tpu.memory_space<hbm>> -> memref<1024xf32, #tpu.memory_space<hbm>>
    %dma_wait3A_151 = tpu.memref_slice %arg5[%add3A_147] : memref<5242880xf32, #tpu.memory_space<hbm>> -> memref<1024xf32, #tpu.memory_space<hbm>>
    %dma_wait3A_152 = arith.constant 1024 : i32
    %dma_wait3A_153 = tpu.memref_slice %arg13[%dma_wait3A_152] : memref<2048xf32, #tpu.memory_space<vmem>> -> memref<1024xf32, #tpu.memory_space<vmem>>
    tpu.wait_dma2 semaphore(%arg19 : memref<!tpu.dma_semaphore, #tpu.memory_space<semaphore_mem>>) src(%dma_wait3A_153 : memref<1024xf32, #tpu.memory_space<vmem>>) dst(%dma_wait3A_151 : memref<1024xf32, #tpu.memory_space<hbm>>)
    return
  }
}

module attributes {stable_mosaic.version = 14 : i64} {
  func.func @_vproj_body(%arg0: i32, %arg1: memref<200x256xf32, #tpu.memory_space<vmem>>, %arg2: memref<256x256xf32, #tpu.memory_space<vmem>>, %arg3: memref<1x256xf32, #tpu.memory_space<vmem>>, %arg4: memref<200x256xbf16, #tpu.memory_space<vmem>>) attributes {dimension_semantics = [#tpu.dimension_semantics<arbitrary>], iteration_bounds = array<i64: 100>, scalar_prefetch = 0 : i64, scratch_operands = 0 : i64, tpu.core_type = #tpu.core_type<tc>, window_params = [{transform_indices = @transform_0, window_bounds = array<i64: 200, 256>}, {pipeline_mode = #tpu.pipeline_mode<synchronous>, transform_indices = @transform_1, window_bounds = array<i64: 256, 256>}, {pipeline_mode = #tpu.pipeline_mode<synchronous>, transform_indices = @transform_2, window_bounds = array<i64: 1, 256>}, {transform_indices = @transform_3, window_bounds = array<i64: 200, 256>}]} {
    %get3A = arith.constant 0 : index
    %get3A_0 = arith.constant 0 : index
    %get3A_1 = vector.load %arg1[%get3A, %get3A_0] : memref<200x256xf32, #tpu.memory_space<vmem>>, vector<200x256xf32>
    %get3A_2 = arith.constant 0 : index
    %get3A_3 = arith.constant 0 : index
    %get3A_4 = vector.load %arg2[%get3A_2, %get3A_3] : memref<256x256xf32, #tpu.memory_space<vmem>>, vector<256x256xf32>
    %dot_general3A = arith.constant dense<0.000000e+00> : vector<200x256xf32>
    %dot_general3A_5 = tpu.matmul %get3A_1, %get3A_4, %dot_general3A {dimension_numbers = #tpu.dot_dimension_numbers<[1], [0], [0], [1], [0, 0, 1, 1], [], []>, transpose_lhs_hint = false} : vector<200x256xf32>, vector<256x256xf32>, vector<200x256xf32> -> vector<200x256xf32>
    %get3A_6 = arith.constant 0 : index
    %get3A_7 = arith.constant 0 : index
    %get3A_8 = vector.load %arg3[%get3A_6, %get3A_7] : memref<1x256xf32, #tpu.memory_space<vmem>>, vector<1x256xf32>
    %add3A = vector.broadcast %get3A_8 : vector<1x256xf32> to vector<200x256xf32>
    %add3A_9 = arith.addf %dot_general3A_5, %add3A : vector<200x256xf32>
    %convert_element_type3A = arith.truncf %add3A_9 : vector<200x256xf32> to vector<200x256xbf16>
    %swap3A = arith.constant 0 : index
    %swap3A_10 = arith.constant 0 : index
    %swap3A_11 = vector.load %arg4[%swap3A, %swap3A_10] : memref<200x256xbf16, #tpu.memory_space<vmem>>, vector<200x256xbf16>
    tpu.vector_store %arg4[%swap3A, %swap3A_10], %convert_element_type3A {strides = array<i32>} : memref<200x256xbf16, #tpu.memory_space<vmem>>, vector<200x256xbf16>,
    return
  }
  func.func @transform_0(%arg0: i32) -> (i32, i32) {
    %c0_i32 = arith.constant 0 : i32
    %c0_i32_0 = arith.constant 0 : i32
    return %arg0, %c0_i32 : i32, i32
  }
  func.func @transform_1(%arg0: i32) -> (i32, i32) {
    %c0_i32 = arith.constant 0 : i32
    %c0_i32_0 = arith.constant 0 : i32
    %c0_i32_1 = arith.constant 0 : i32
    return %c0_i32, %c0_i32_0 : i32, i32
  }
  func.func @transform_2(%arg0: i32) -> (i32, i32) {
    %c0_i32 = arith.constant 0 : i32
    %c0_i32_0 = arith.constant 0 : i32
    %c0_i32_1 = arith.constant 0 : i32
    return %c0_i32, %c0_i32_0 : i32, i32
  }
  func.func @transform_3(%arg0: i32) -> (i32, i32) {
    %c0_i32 = arith.constant 0 : i32
    %c0_i32_0 = arith.constant 0 : i32
    return %arg0, %c0_i32 : i32, i32
  }
}

module attributes {stable_mosaic.version = 14 : i64} {
  func.func @_prep_body(%arg0: i32, %arg1: memref<32x256xf32, #tpu.memory_space<vmem>>, %arg2: memref<32x256xf32, #tpu.memory_space<vmem>>, %arg3: memref<32x2xf32, #tpu.memory_space<vmem>>, %arg4: memref<256x64xf32, #tpu.memory_space<vmem>>, %arg5: memref<256x64xf32, #tpu.memory_space<vmem>>, %arg6: memref<256x64xf32, #tpu.memory_space<vmem>>, %arg7: memref<256x64xf32, #tpu.memory_space<vmem>>, %arg8: memref<256x64xf32, #tpu.memory_space<vmem>>, %arg9: memref<256x64xf32, #tpu.memory_space<vmem>>, %arg10: memref<1x64xf32, #tpu.memory_space<vmem>>, %arg11: memref<1x64xf32, #tpu.memory_space<vmem>>, %arg12: memref<1x64xf32, #tpu.memory_space<vmem>>, %arg13: memref<64x64xf32, #tpu.memory_space<vmem>>, %arg14: memref<32x256xi32, #tpu.memory_space<vmem>>, %arg15: memref<32x256xf32, #tpu.memory_space<vmem>>) attributes {dimension_semantics = [#tpu.dimension_semantics<arbitrary>], iteration_bounds = array<i64: 320>, scalar_prefetch = 0 : i64, scratch_operands = 0 : i64, tpu.core_type = #tpu.core_type<tc>, window_params = [{transform_indices = @transform_0, window_bounds = array<i64: 32, 256>}, {transform_indices = @transform_1, window_bounds = array<i64: 32, 256>}, {transform_indices = @transform_2, window_bounds = array<i64: 32, 2>}, {pipeline_mode = #tpu.pipeline_mode<synchronous>, transform_indices = @transform_3, window_bounds = array<i64: 256, 64>}, {pipeline_mode = #tpu.pipeline_mode<synchronous>, transform_indices = @transform_4, window_bounds = array<i64: 256, 64>}, {pipeline_mode = #tpu.pipeline_mode<synchronous>, transform_indices = @transform_5, window_bounds = array<i64: 256, 64>}, {pipeline_mode = #tpu.pipeline_mode<synchronous>, transform_indices = @transform_6, window_bounds = array<i64: 256, 64>}, {pipeline_mode = #tpu.pipeline_mode<synchronous>, transform_indices = @transform_7, window_bounds = array<i64: 256, 64>}, {pipeline_mode = #tpu.pipeline_mode<synchronous>, transform_indices = @transform_8, window_bounds = array<i64: 256, 64>}, {pipeline_mode = #tpu.pipeline_mode<synchronous>, transform_indices = @transform_9, window_bounds = array<i64: 1, 64>}, {pipeline_mode = #tpu.pipeline_mode<synchronous>, transform_indices = @transform_10, window_bounds = array<i64: 1, 64>}, {pipeline_mode = #tpu.pipeline_mode<synchronous>, transform_indices = @transform_11, window_bounds = array<i64: 1, 64>}, {pipeline_mode = #tpu.pipeline_mode<synchronous>, transform_indices = @transform_12, window_bounds = array<i64: 64, 64>}, {transform_indices = @transform_13, window_bounds = array<i64: 32, 256>}, {transform_indices = @transform_14, window_bounds = array<i64: 32, 256>}]} {
    %get3A = arith.constant 0 : index
    %get3A_0 = arith.constant 0 : index
    %get3A_1 = vector.load %arg1[%get3A, %get3A_0] : memref<32x256xf32, #tpu.memory_space<vmem>>, vector<32x256xf32>
    %get3A_2 = arith.constant 0 : index
    %get3A_3 = arith.constant 0 : index
    %get3A_4 = vector.load %arg2[%get3A_2, %get3A_3] : memref<32x256xf32, #tpu.memory_space<vmem>>, vector<32x256xf32>
    %get3A_5 = arith.constant 0 : index
    %get3A_6 = arith.constant 0 : index
    %get3A_7 = vector.load %arg4[%get3A_5, %get3A_6] : memref<256x64xf32, #tpu.memory_space<vmem>>, vector<256x64xf32>
    %dot_general3A = arith.constant dense<0.000000e+00> : vector<32x64xf32>
    %dot_general3A_8 = tpu.matmul %get3A_1, %get3A_7, %dot_general3A {dimension_numbers = #tpu.dot_dimension_numbers<[1], [0], [0], [1], [0, 0, 1, 1], [], []>, transpose_lhs_hint = false} : vector<32x256xf32>, vector<256x64xf32>, vector<32x64xf32> -> vector<32x64xf32>
    %get3A_9 = arith.constant 0 : index
    %get3A_10 = arith.constant 0 : index
    %get3A_11 = vector.load %arg5[%get3A_9, %get3A_10] : memref<256x64xf32, #tpu.memory_space<vmem>>, vector<256x64xf32>
    %dot_general3A_12 = arith.constant dense<0.000000e+00> : vector<32x64xf32>
    %dot_general3A_13 = tpu.matmul %get3A_4, %get3A_11, %dot_general3A_12 {dimension_numbers = #tpu.dot_dimension_numbers<[1], [0], [0], [1], [0, 0, 1, 1], [], []>, transpose_lhs_hint = false} : vector<32x256xf32>, vector<256x64xf32>, vector<32x64xf32> -> vector<32x64xf32>
    %add3A = arith.addf %dot_general3A_8, %dot_general3A_13 : vector<32x64xf32>
    %get3A_14 = arith.constant 0 : index
    %get3A_15 = arith.constant 0 : index
    %get3A_16 = vector.load %arg10[%get3A_14, %get3A_15] : memref<1x64xf32, #tpu.memory_space<vmem>>, vector<1x64xf32>
    %add3A_17 = vector.broadcast %get3A_16 : vector<1x64xf32> to vector<32x64xf32>
    %add3A_18 = arith.addf %add3A, %add3A_17 : vector<32x64xf32>
    %get3A_19 = arith.constant 0 : index
    %get3A_20 = arith.constant 0 : index
    %get3A_21 = vector.load %arg6[%get3A_19, %get3A_20] : memref<256x64xf32, #tpu.memory_space<vmem>>, vector<256x64xf32>
    %dot_general3A_22 = arith.constant dense<0.000000e+00> : vector<32x64xf32>
    %dot_general3A_23 = tpu.matmul %get3A_1, %get3A_21, %dot_general3A_22 {dimension_numbers = #tpu.dot_dimension_numbers<[1], [0], [0], [1], [0, 0, 1, 1], [], []>, transpose_lhs_hint = false} : vector<32x256xf32>, vector<256x64xf32>, vector<32x64xf32> -> vector<32x64xf32>
    %get3A_24 = arith.constant 0 : index
    %get3A_25 = arith.constant 0 : index
    %get3A_26 = vector.load %arg7[%get3A_24, %get3A_25] : memref<256x64xf32, #tpu.memory_space<vmem>>, vector<256x64xf32>
    %dot_general3A_27 = arith.constant dense<0.000000e+00> : vector<32x64xf32>
    %dot_general3A_28 = tpu.matmul %get3A_4, %get3A_26, %dot_general3A_27 {dimension_numbers = #tpu.dot_dimension_numbers<[1], [0], [0], [1], [0, 0, 1, 1], [], []>, transpose_lhs_hint = false} : vector<32x256xf32>, vector<256x64xf32>, vector<32x64xf32> -> vector<32x64xf32>
    %add3A_29 = arith.addf %dot_general3A_23, %dot_general3A_28 : vector<32x64xf32>
    %get3A_30 = arith.constant 0 : index
    %get3A_31 = arith.constant 0 : index
    %get3A_32 = vector.load %arg11[%get3A_30, %get3A_31] : memref<1x64xf32, #tpu.memory_space<vmem>>, vector<1x64xf32>
    %add3A_33 = vector.broadcast %get3A_32 : vector<1x64xf32> to vector<32x64xf32>
    %add3A_34 = arith.addf %add3A_29, %add3A_33 : vector<32x64xf32>
    %get3A_35 = arith.constant 0 : index
    %get3A_36 = arith.constant 0 : index
    %get3A_37 = vector.load %arg8[%get3A_35, %get3A_36] : memref<256x64xf32, #tpu.memory_space<vmem>>, vector<256x64xf32>
    %dot_general3A_38 = arith.constant dense<0.000000e+00> : vector<32x64xf32>
    %dot_general3A_39 = tpu.matmul %get3A_1, %get3A_37, %dot_general3A_38 {dimension_numbers = #tpu.dot_dimension_numbers<[1], [0], [0], [1], [0, 0, 1, 1], [], []>, transpose_lhs_hint = false} : vector<32x256xf32>, vector<256x64xf32>, vector<32x64xf32> -> vector<32x64xf32>
    %get3A_40 = arith.constant 0 : index
    %get3A_41 = arith.constant 0 : index
    %get3A_42 = vector.load %arg9[%get3A_40, %get3A_41] : memref<256x64xf32, #tpu.memory_space<vmem>>, vector<256x64xf32>
    %dot_general3A_43 = arith.constant dense<0.000000e+00> : vector<32x64xf32>
    %dot_general3A_44 = tpu.matmul %get3A_4, %get3A_42, %dot_general3A_43 {dimension_numbers = #tpu.dot_dimension_numbers<[1], [0], [0], [1], [0, 0, 1, 1], [], []>, transpose_lhs_hint = false} : vector<32x256xf32>, vector<256x64xf32>, vector<32x64xf32> -> vector<32x64xf32>
    %add3A_45 = arith.addf %dot_general3A_39, %dot_general3A_44 : vector<32x64xf32>
    %get3A_46 = arith.constant 0 : index
    %get3A_47 = arith.constant 0 : index
    %get3A_48 = vector.load %arg12[%get3A_46, %get3A_47] : memref<1x64xf32, #tpu.memory_space<vmem>>, vector<1x64xf32>
    %add3A_49 = vector.broadcast %get3A_48 : vector<1x64xf32> to vector<32x64xf32>
    %add3A_50 = arith.addf %add3A_45, %add3A_49 : vector<32x64xf32>
    %reduce_max3A = arith.constant dense<0xFF800000> : vector<32xf32>
    %reduce_max3A_51 = vector.multi_reduction <maximumf>, %add3A_50, %reduce_max3A [1] : vector<32x64xf32> to vector<32xf32>
    %broadcast_in_dim3A = vector.shape_cast %reduce_max3A_51 : vector<32xf32> to vector<32x1xf32>
    %sub3A = vector.broadcast %broadcast_in_dim3A : vector<32x1xf32> to vector<32x64xf32>
    %sub3A_52 = arith.subf %add3A_50, %sub3A : vector<32x64xf32>
    %exp3A = math.exp %sub3A_52 : vector<32x64xf32>
    %get3A_53 = arith.constant 0 : index
    %get3A_54 = arith.constant 0 : index
    %get3A_55 = vector.load %arg13[%get3A_53, %get3A_54] : memref<64x64xf32, #tpu.memory_space<vmem>>, vector<64x64xf32>
    %dot_general3A_56 = arith.constant dense<0.000000e+00> : vector<32x64xf32>
    %dot_general3A_57 = tpu.matmul %exp3A, %get3A_55, %dot_general3A_56 {dimension_numbers = #tpu.dot_dimension_numbers<[1], [0], [0], [1], [0, 0, 1, 1], [], []>, transpose_lhs_hint = false} : vector<32x64xf32>, vector<64x64xf32>, vector<32x64xf32> -> vector<32x64xf32>
    %div3A = arith.divf %exp3A, %dot_general3A_57 : vector<32x64xf32>
    %get3A_58 = arith.constant 0 : index
    %get3A_59 = arith.constant 0 : index
    %get3A_60 = vector.load %arg3[%get3A_58, %get3A_59] : memref<32x2xf32, #tpu.memory_space<vmem>>, vector<32x2xf32>
    %slice3A = vector.extract_strided_slice %get3A_60 {offsets = [0, 0], sizes = [32, 1], strides = [1, 1]} : vector<32x2xf32> to vector<32x1xf32>
    %div3A_61 = arith.constant 1.000000e+02 : f32
    %div3A_62 = vector.broadcast %div3A_61 : f32 to vector<32x64xf32>
    %div3A_63 = arith.divf %add3A_18, %div3A_62 : vector<32x64xf32>
    %add3A_64 = vector.broadcast %slice3A : vector<32x1xf32> to vector<32x64xf32>
    %add3A_65 = arith.addf %add3A_64, %div3A_63 : vector<32x64xf32>
    %mul3A = arith.constant 1.000000e+02 : f32
    %mul3A_66 = vector.broadcast %mul3A : f32 to vector<32x64xf32>
    %mul3A_67 = arith.mulf %add3A_65, %mul3A_66 : vector<32x64xf32>
    %sub3A_68 = arith.constant 5.000000e-01 : f32
    %sub3A_69 = vector.broadcast %sub3A_68 : f32 to vector<32x64xf32>
    %sub3A_70 = arith.subf %mul3A_67, %sub3A_69 : vector<32x64xf32>
    %slice3A_71 = vector.extract_strided_slice %get3A_60 {offsets = [0, 1], sizes = [32, 1], strides = [1, 1]} : vector<32x2xf32> to vector<32x1xf32>
    %div3A_72 = arith.constant 1.000000e+02 : f32
    %div3A_73 = vector.broadcast %div3A_72 : f32 to vector<32x64xf32>
    %div3A_74 = arith.divf %add3A_34, %div3A_73 : vector<32x64xf32>
    %add3A_75 = vector.broadcast %slice3A_71 : vector<32x1xf32> to vector<32x64xf32>
    %add3A_76 = arith.addf %add3A_75, %div3A_74 : vector<32x64xf32>
    %mul3A_77 = arith.constant 1.000000e+02 : f32
    %mul3A_78 = vector.broadcast %mul3A_77 : f32 to vector<32x64xf32>
    %mul3A_79 = arith.mulf %add3A_76, %mul3A_78 : vector<32x64xf32>
    %sub3A_80 = arith.constant 5.000000e-01 : f32
    %sub3A_81 = vector.broadcast %sub3A_80 : f32 to vector<32x64xf32>
    %sub3A_82 = arith.subf %mul3A_79, %sub3A_81 : vector<32x64xf32>
    %floor3A = math.floor %sub3A_70 : vector<32x64xf32>
    %floor3A_83 = math.floor %sub3A_82 : vector<32x64xf32>
    %sub3A_84 = arith.subf %sub3A_70, %floor3A : vector<32x64xf32>
    %sub3A_85 = arith.subf %sub3A_82, %floor3A_83 : vector<32x64xf32>
    %jit3A = arith.constant -1.000000e+00 : f32
    %jit3A_86 = arith.constant 1.000000e+02 : f32
    %max3A = vector.broadcast %jit3A : f32 to vector<32x64xf32>
    %max3A_87 = arith.maximumf %max3A, %floor3A : vector<32x64xf32>
    %min3A = vector.broadcast %jit3A_86 : f32 to vector<32x64xf32>
    %min3A_88 = arith.minimumf %min3A, %max3A_87 : vector<32x64xf32>
    %convert_element_type3A = arith.fptosi %min3A_88 : vector<32x64xf32> to vector<32x64xi32>
    %add3A_89 = arith.constant 1 : i32
    %add3A_90 = vector.broadcast %add3A_89 : i32 to vector<32x64xi32>
    %add3A_91 = arith.addi %convert_element_type3A, %add3A_90 : vector<32x64xi32>
    %jit3A_92 = arith.constant -1.000000e+00 : f32
    %jit3A_93 = arith.constant 1.000000e+02 : f32
    %max3A_94 = vector.broadcast %jit3A_92 : f32 to vector<32x64xf32>
    %max3A_95 = arith.maximumf %max3A_94, %floor3A_83 : vector<32x64xf32>
    %min3A_96 = vector.broadcast %jit3A_93 : f32 to vector<32x64xf32>
    %min3A_97 = arith.minimumf %min3A_96, %max3A_95 : vector<32x64xf32>
    %convert_element_type3A_98 = arith.fptosi %min3A_97 : vector<32x64xf32> to vector<32x64xi32>
    %add3A_99 = arith.constant 1 : i32
    %add3A_100 = vector.broadcast %add3A_99 : i32 to vector<32x64xi32>
    %add3A_101 = arith.addi %convert_element_type3A_98, %add3A_100 : vector<32x64xi32>
    %iota3A = tpu.iota {dimensions = array<i32: 1>} : vector<32x64xi32>
    %jit3A_102 = arith.constant 8 : i32
    %div3A_103 = vector.broadcast %jit3A_102 : i32 to vector<32x64xi32>
    %div3A_104 = arith.divsi %iota3A, %div3A_103 : vector<32x64xi32>
    %sign3A = arith.constant 0 : i32
    %sign3A_105 = vector.broadcast %sign3A : i32 to vector<32x64xi32>
    %sign3A_106 = arith.cmpi sgt, %iota3A, %sign3A_105 : vector<32x64xi32>
    %sign3A_107 = arith.extui %sign3A_106 : vector<32x64xi1> to vector<32x64xi32>
    %sign3A_108 = arith.constant 0 : i32
    %sign3A_109 = vector.broadcast %sign3A_108 : i32 to vector<32x64xi32>
    %sign3A_110 = arith.cmpi slt, %iota3A, %sign3A_109 : vector<32x64xi32>
    %sign3A_111 = arith.extui %sign3A_110 : vector<32x64xi1> to vector<32x64xi32>
    %sign3A_112 = arith.subi %sign3A_107, %sign3A_111 : vector<32x64xi32>
    %sign3A_113 = arith.constant 0 : i32
    %sign3A_114 = arith.cmpi sgt, %jit3A_102, %sign3A_113 : i32
    %sign3A_115 = arith.extui %sign3A_114 : i1 to i32
    %sign3A_116 = arith.constant 0 : i32
    %sign3A_117 = arith.cmpi slt, %jit3A_102, %sign3A_116 : i32
    %sign3A_118 = arith.extui %sign3A_117 : i1 to i32
    %sign3A_119 = arith.subi %sign3A_115, %sign3A_118 : i32
    %ne3A = vector.broadcast %sign3A_119 : i32 to vector<32x64xi32>
    %ne3A_120 = arith.cmpi ne, %sign3A_112, %ne3A : vector<32x64xi32>
    %rem3A = vector.broadcast %jit3A_102 : i32 to vector<32x64xi32>
    %rem3A_121 = arith.remsi %iota3A, %rem3A : vector<32x64xi32>
    %ne3A_122 = arith.constant 0 : i32
    %ne3A_123 = vector.broadcast %ne3A_122 : i32 to vector<32x64xi32>
    %ne3A_124 = arith.cmpi ne, %rem3A_121, %ne3A_123 : vector<32x64xi32>
    %and3A = arith.andi %ne3A_120, %ne3A_124 : vector<32x64xi1>
    %sub3A_125 = arith.constant 1 : i32
    %sub3A_126 = vector.broadcast %sub3A_125 : i32 to vector<32x64xi32>
    %sub3A_127 = arith.subi %div3A_104, %sub3A_126 : vector<32x64xi32>
    %select_n3A = arith.select %and3A, %sub3A_127, %div3A_104 : vector<32x64xi1>, vector<32x64xi32>
    %jit3A_128 = arith.constant 8 : i32
    %eq3A = arith.constant 0 : i32
    %eq3A_129 = arith.cmpi eq, %jit3A_128, %eq3A : i32
    %jit3A_130 = arith.constant 1 : i32
    %select_n3A_131 = arith.select %eq3A_129, %jit3A_130, %jit3A_128 : i32
    %rem3A_132 = vector.broadcast %select_n3A_131 : i32 to vector<32x64xi32>
    %rem3A_133 = arith.remsi %iota3A, %rem3A_132 : vector<32x64xi32>
    %ne3A_134 = arith.constant 0 : i32
    %ne3A_135 = vector.broadcast %ne3A_134 : i32 to vector<32x64xi32>
    %ne3A_136 = arith.cmpi ne, %rem3A_133, %ne3A_135 : vector<32x64xi32>
    %lt3A = arith.constant 0 : i32
    %lt3A_137 = vector.broadcast %lt3A : i32 to vector<32x64xi32>
    %lt3A_138 = arith.cmpi slt, %rem3A_133, %lt3A_137 : vector<32x64xi32>
    %lt3A_139 = arith.constant 0 : i32
    %lt3A_140 = arith.cmpi slt, %select_n3A_131, %lt3A_139 : i32
    %ne3A_141 = vector.broadcast %lt3A_140 : i1 to vector<32x64xi1>
    %ne3A_142 = vector.broadcast %ne3A_141 : vector<32x64xi1> to vector<32x64xi1>
    %ne3A_143 = arith.xori %lt3A_138, %ne3A_142 : vector<32x64xi1>
    %and3A_144 = arith.andi %ne3A_143, %ne3A_136 : vector<32x64xi1>
    %add3A_145 = vector.broadcast %select_n3A_131 : i32 to vector<32x64xi32>
    %add3A_146 = arith.addi %rem3A_133, %add3A_145 : vector<32x64xi32>
    %select_n3A_147 = arith.select %and3A_144, %add3A_146, %rem3A_133 : vector<32x64xi1>, vector<32x64xi32>
    %jit3A_148 = arith.constant 4 : i32
    %div3A_149 = vector.broadcast %jit3A_148 : i32 to vector<32x64xi32>
    %div3A_150 = arith.divsi %select_n3A_147, %div3A_149 : vector<32x64xi32>
    %sign3A_151 = arith.constant 0 : i32
    %sign3A_152 = vector.broadcast %sign3A_151 : i32 to vector<32x64xi32>
    %sign3A_153 = arith.cmpi sgt, %select_n3A_147, %sign3A_152 : vector<32x64xi32>
    %sign3A_154 = arith.extui %sign3A_153 : vector<32x64xi1> to vector<32x64xi32>
    %sign3A_155 = arith.constant 0 : i32
    %sign3A_156 = vector.broadcast %sign3A_155 : i32 to vector<32x64xi32>
    %sign3A_157 = arith.cmpi slt, %select_n3A_147, %sign3A_156 : vector<32x64xi32>
    %sign3A_158 = arith.extui %sign3A_157 : vector<32x64xi1> to vector<32x64xi32>
    %sign3A_159 = arith.subi %sign3A_154, %sign3A_158 : vector<32x64xi32>
    %sign3A_160 = arith.constant 0 : i32
    %sign3A_161 = arith.cmpi sgt, %jit3A_148, %sign3A_160 : i32
    %sign3A_162 = arith.extui %sign3A_161 : i1 to i32
    %sign3A_163 = arith.constant 0 : i32
    %sign3A_164 = arith.cmpi slt, %jit3A_148, %sign3A_163 : i32
    %sign3A_165 = arith.extui %sign3A_164 : i1 to i32
    %sign3A_166 = arith.subi %sign3A_162, %sign3A_165 : i32
    %ne3A_167 = vector.broadcast %sign3A_166 : i32 to vector<32x64xi32>
    %ne3A_168 = arith.cmpi ne, %sign3A_159, %ne3A_167 : vector<32x64xi32>
    %rem3A_169 = vector.broadcast %jit3A_148 : i32 to vector<32x64xi32>
    %rem3A_170 = arith.remsi %select_n3A_147, %rem3A_169 : vector<32x64xi32>
    %ne3A_171 = arith.constant 0 : i32
    %ne3A_172 = vector.broadcast %ne3A_171 : i32 to vector<32x64xi32>
    %ne3A_173 = arith.cmpi ne, %rem3A_170, %ne3A_172 : vector<32x64xi32>
    %and3A_174 = arith.andi %ne3A_168, %ne3A_173 : vector<32x64xi1>
    %sub3A_175 = arith.constant 1 : i32
    %sub3A_176 = vector.broadcast %sub3A_175 : i32 to vector<32x64xi32>
    %sub3A_177 = arith.subi %div3A_150, %sub3A_176 : vector<32x64xi32>
    %select_n3A_178 = arith.select %and3A_174, %sub3A_177, %div3A_150 : vector<32x64xi1>, vector<32x64xi32>
    %mul3A_179 = arith.constant 84864 : i32
    %mul3A_180 = vector.broadcast %mul3A_179 : i32 to vector<32x64xi32>
    %mul3A_181 = arith.muli %select_n3A_178, %mul3A_180 : vector<32x64xi32>
    %mul3A_182 = arith.constant 832 : i32
    %mul3A_183 = vector.broadcast %mul3A_182 : i32 to vector<32x64xi32>
    %mul3A_184 = arith.muli %add3A_101, %mul3A_183 : vector<32x64xi32>
    %add3A_185 = arith.addi %mul3A_181, %mul3A_184 : vector<32x64xi32>
    %mul3A_186 = arith.constant 8 : i32
    %mul3A_187 = vector.broadcast %mul3A_186 : i32 to vector<32x64xi32>
    %mul3A_188 = arith.muli %add3A_91, %mul3A_187 : vector<32x64xi32>
    %add3A_189 = arith.addi %add3A_185, %mul3A_188 : vector<32x64xi32>
    %add3A_190 = arith.addi %add3A_189, %select_n3A : vector<32x64xi32>
    %add3A_191 = arith.constant 8 : i32
    %add3A_192 = vector.broadcast %add3A_191 : i32 to vector<32x64xi32>
    %add3A_193 = arith.addi %add3A_190, %add3A_192 : vector<32x64xi32>
    %add3A_194 = arith.constant 832 : i32
    %add3A_195 = vector.broadcast %add3A_194 : i32 to vector<32x64xi32>
    %add3A_196 = arith.addi %add3A_190, %add3A_195 : vector<32x64xi32>
    %add3A_197 = arith.constant 832 : i32
    %add3A_198 = vector.broadcast %add3A_197 : i32 to vector<32x64xi32>
    %add3A_199 = arith.addi %add3A_190, %add3A_198 : vector<32x64xi32>
    %add3A_200 = arith.constant 8 : i32
    %add3A_201 = vector.broadcast %add3A_200 : i32 to vector<32x64xi32>
    %add3A_202 = arith.addi %add3A_199, %add3A_201 : vector<32x64xi32>
    %sub3A_203 = arith.constant 1.000000e+00 : f32
    %sub3A_204 = vector.broadcast %sub3A_203 : f32 to vector<32x64xf32>
    %sub3A_205 = arith.subf %sub3A_204, %sub3A_85 : vector<32x64xf32>
    %mul3A_206 = arith.mulf %div3A, %sub3A_205 : vector<32x64xf32>
    %sub3A_207 = arith.constant 1.000000e+00 : f32
    %sub3A_208 = vector.broadcast %sub3A_207 : f32 to vector<32x64xf32>
    %sub3A_209 = arith.subf %sub3A_208, %sub3A_84 : vector<32x64xf32>
    %mul3A_210 = arith.mulf %mul3A_206, %sub3A_209 : vector<32x64xf32>
    %sub3A_211 = arith.constant 1.000000e+00 : f32
    %sub3A_212 = vector.broadcast %sub3A_211 : f32 to vector<32x64xf32>
    %sub3A_213 = arith.subf %sub3A_212, %sub3A_85 : vector<32x64xf32>
    %mul3A_214 = arith.mulf %div3A, %sub3A_213 : vector<32x64xf32>
    %mul3A_215 = arith.mulf %mul3A_214, %sub3A_84 : vector<32x64xf32>
    %mul3A_216 = arith.mulf %div3A, %sub3A_85 : vector<32x64xf32>
    %sub3A_217 = arith.constant 1.000000e+00 : f32
    %sub3A_218 = vector.broadcast %sub3A_217 : f32 to vector<32x64xf32>
    %sub3A_219 = arith.subf %sub3A_218, %sub3A_84 : vector<32x64xf32>
    %mul3A_220 = arith.mulf %mul3A_216, %sub3A_219 : vector<32x64xf32>
    %mul3A_221 = arith.mulf %div3A, %sub3A_85 : vector<32x64xf32>
    %mul3A_222 = arith.mulf %mul3A_221, %sub3A_84 : vector<32x64xf32>
    %mul3A_223 = arith.constant 32 : i32
    %mul3A_224 = arith.muli %arg0, %mul3A_223 : i32
    %iota3A_225 = tpu.iota {dimensions = array<i32: 0>} : vector<32x64xi32>
    %add3A_226 = vector.broadcast %mul3A_224 : i32 to vector<32x64xi32>
    %add3A_227 = arith.addi %add3A_226, %iota3A_225 : vector<32x64xi32>
    %lt3A_228 = arith.constant 10000 : i32
    %lt3A_229 = vector.broadcast %lt3A_228 : i32 to vector<32x64xi32>
    %lt3A_230 = arith.cmpi slt, %add3A_227, %lt3A_229 : vector<32x64xi32>
    %jit3A_231 = arith.constant 0 : i32
    %broadcast_in_dim3A_232 = vector.broadcast %jit3A_231 : i32 to vector<32x64xi32>
    %select_n3A_233 = arith.select %lt3A_230, %add3A_190, %broadcast_in_dim3A_232 : vector<32x64xi1>, vector<32x64xi32>
    %jit3A_234 = arith.constant 0 : i32
    %broadcast_in_dim3A_235 = vector.broadcast %jit3A_234 : i32 to vector<32x64xi32>
    %select_n3A_236 = arith.select %lt3A_230, %add3A_193, %broadcast_in_dim3A_235 : vector<32x64xi1>, vector<32x64xi32>
    %jit3A_237 = arith.constant 0 : i32
    %broadcast_in_dim3A_238 = vector.broadcast %jit3A_237 : i32 to vector<32x64xi32>
    %select_n3A_239 = arith.select %lt3A_230, %add3A_196, %broadcast_in_dim3A_238 : vector<32x64xi1>, vector<32x64xi32>
    %jit3A_240 = arith.constant 0 : i32
    %broadcast_in_dim3A_241 = vector.broadcast %jit3A_240 : i32 to vector<32x64xi32>
    %select_n3A_242 = arith.select %lt3A_230, %add3A_202, %broadcast_in_dim3A_241 : vector<32x64xi1>, vector<32x64xi32>
    %concatenate3A = tpu.concatenate %select_n3A_233, %select_n3A_236, %select_n3A_239, %select_n3A_242 in 1 : vector<32x64xi32>, vector<32x64xi32>, vector<32x64xi32>, vector<32x64xi32> -> vector<32x256xi32>
    %swap3A = arith.constant 0 : index
    %swap3A_243 = arith.constant 0 : index
    %swap3A_244 = vector.load %arg14[%swap3A, %swap3A_243] : memref<32x256xi32, #tpu.memory_space<vmem>>, vector<32x256xi32>
    tpu.vector_store %arg14[%swap3A, %swap3A_243], %concatenate3A {strides = array<i32>} : memref<32x256xi32, #tpu.memory_space<vmem>>, vector<32x256xi32>,
    %jit3A_245 = arith.constant 0.000000e+00 : f32
    %broadcast_in_dim3A_246 = vector.broadcast %jit3A_245 : f32 to vector<32x64xf32>
    %select_n3A_247 = arith.select %lt3A_230, %mul3A_210, %broadcast_in_dim3A_246 : vector<32x64xi1>, vector<32x64xf32>
    %jit3A_248 = arith.constant 0.000000e+00 : f32
    %broadcast_in_dim3A_249 = vector.broadcast %jit3A_248 : f32 to vector<32x64xf32>
    %select_n3A_250 = arith.select %lt3A_230, %mul3A_215, %broadcast_in_dim3A_249 : vector<32x64xi1>, vector<32x64xf32>
    %jit3A_251 = arith.constant 0.000000e+00 : f32
    %broadcast_in_dim3A_252 = vector.broadcast %jit3A_251 : f32 to vector<32x64xf32>
    %select_n3A_253 = arith.select %lt3A_230, %mul3A_220, %broadcast_in_dim3A_252 : vector<32x64xi1>, vector<32x64xf32>
    %jit3A_254 = arith.constant 0.000000e+00 : f32
    %broadcast_in_dim3A_255 = vector.broadcast %jit3A_254 : f32 to vector<32x64xf32>
    %select_n3A_256 = arith.select %lt3A_230, %mul3A_222, %broadcast_in_dim3A_255 : vector<32x64xi1>, vector<32x64xf32>
    %concatenate3A_257 = tpu.concatenate %select_n3A_247, %select_n3A_250, %select_n3A_253, %select_n3A_256 in 1 : vector<32x64xf32>, vector<32x64xf32>, vector<32x64xf32>, vector<32x64xf32> -> vector<32x256xf32>
    %swap3A_258 = arith.constant 0 : index
    %swap3A_259 = arith.constant 0 : index
    %swap3A_260 = vector.load %arg15[%swap3A_258, %swap3A_259] : memref<32x256xf32, #tpu.memory_space<vmem>>, vector<32x256xf32>
    tpu.vector_store %arg15[%swap3A_258, %swap3A_259], %concatenate3A_257 {strides = array<i32>} : memref<32x256xf32, #tpu.memory_space<vmem>>, vector<32x256xf32>,
    return
  }
  func.func @transform_0(%arg0: i32) -> (i32, i32) {
    %c0_i32 = arith.constant 0 : i32
    %c0_i32_0 = arith.constant 0 : i32
    return %arg0, %c0_i32 : i32, i32
  }
  func.func @transform_1(%arg0: i32) -> (i32, i32) {
    %c0_i32 = arith.constant 0 : i32
    %c0_i32_0 = arith.constant 0 : i32
    return %arg0, %c0_i32 : i32, i32
  }
  func.func @transform_2(%arg0: i32) -> (i32, i32) {
    %c0_i32 = arith.constant 0 : i32
    %c0_i32_0 = arith.constant 0 : i32
    return %arg0, %c0_i32 : i32, i32
  }
  func.func @transform_3(%arg0: i32) -> (i32, i32) {
    %c0_i32 = arith.constant 0 : i32
    %c0_i32_0 = arith.constant 0 : i32
    %c0_i32_1 = arith.constant 0 : i32
    return %c0_i32, %c0_i32_0 : i32, i32
  }
  func.func @transform_4(%arg0: i32) -> (i32, i32) {
    %c0_i32 = arith.constant 0 : i32
    %c0_i32_0 = arith.constant 0 : i32
    %c0_i32_1 = arith.constant 0 : i32
    return %c0_i32, %c0_i32_0 : i32, i32
  }
  func.func @transform_5(%arg0: i32) -> (i32, i32) {
    %c0_i32 = arith.constant 0 : i32
    %c0_i32_0 = arith.constant 0 : i32
    %c0_i32_1 = arith.constant 0 : i32
    return %c0_i32, %c0_i32_0 : i32, i32
  }
  func.func @transform_6(%arg0: i32) -> (i32, i32) {
    %c0_i32 = arith.constant 0 : i32
    %c0_i32_0 = arith.constant 0 : i32
    %c0_i32_1 = arith.constant 0 : i32
    return %c0_i32, %c0_i32_0 : i32, i32
  }
  func.func @transform_7(%arg0: i32) -> (i32, i32) {
    %c0_i32 = arith.constant 0 : i32
    %c0_i32_0 = arith.constant 0 : i32
    %c0_i32_1 = arith.constant 0 : i32
    return %c0_i32, %c0_i32_0 : i32, i32
  }
  func.func @transform_8(%arg0: i32) -> (i32, i32) {
    %c0_i32 = arith.constant 0 : i32
    %c0_i32_0 = arith.constant 0 : i32
    %c0_i32_1 = arith.constant 0 : i32
    return %c0_i32, %c0_i32_0 : i32, i32
  }
  func.func @transform_9(%arg0: i32) -> (i32, i32) {
    %c0_i32 = arith.constant 0 : i32
    %c0_i32_0 = arith.constant 0 : i32
    %c0_i32_1 = arith.constant 0 : i32
    return %c0_i32, %c0_i32_0 : i32, i32
  }
  func.func @transform_10(%arg0: i32) -> (i32, i32) {
    %c0_i32 = arith.constant 0 : i32
    %c0_i32_0 = arith.constant 0 : i32
    %c0_i32_1 = arith.constant 0 : i32
    return %c0_i32, %c0_i32_0 : i32, i32
  }
  func.func @transform_11(%arg0: i32) -> (i32, i32) {
    %c0_i32 = arith.constant 0 : i32
    %c0_i32_0 = arith.constant 0 : i32
    %c0_i32_1 = arith.constant 0 : i32
    return %c0_i32, %c0_i32_0 : i32, i32
  }
  func.func @transform_12(%arg0: i32) -> (i32, i32) {
    %c0_i32 = arith.constant 0 : i32
    %c0_i32_0 = arith.constant 0 : i32
    %c0_i32_1 = arith.constant 0 : i32
    return %c0_i32, %c0_i32_0 : i32, i32
  }
  func.func @transform_13(%arg0: i32) -> (i32, i32) {
    %c0_i32 = arith.constant 0 : i32
    %c0_i32_0 = arith.constant 0 : i32
    return %arg0, %c0_i32 : i32, i32
  }
  func.func @transform_14(%arg0: i32) -> (i32, i32) {
    %c0_i32 = arith.constant 0 : i32
    %c0_i32_0 = arith.constant 0 : i32
    return %arg0, %c0_i32 : i32, i32
  }
}

module attributes {stable_mosaic.version = 14 : i64} {
  func.func @_out_body(%arg0: i32, %arg1: memref<2x80x256xf32, #tpu.memory_space<vmem>>, %arg2: memref<80x256xf32, #tpu.memory_space<vmem>>, %arg3: memref<256x256xf32, #tpu.memory_space<vmem>>, %arg4: memref<1x256xf32, #tpu.memory_space<vmem>>, %arg5: memref<80x256xf32, #tpu.memory_space<vmem>>) attributes {dimension_semantics = [#tpu.dimension_semantics<arbitrary>], iteration_bounds = array<i64: 125>, scalar_prefetch = 0 : i64, scratch_operands = 0 : i64, tpu.core_type = #tpu.core_type<tc>, window_params = [{transform_indices = @transform_0, window_bounds = array<i64: 2, 80, 256>}, {transform_indices = @transform_1, window_bounds = array<i64: 80, 256>}, {pipeline_mode = #tpu.pipeline_mode<synchronous>, transform_indices = @transform_2, window_bounds = array<i64: 256, 256>}, {pipeline_mode = #tpu.pipeline_mode<synchronous>, transform_indices = @transform_3, window_bounds = array<i64: 1, 256>}, {transform_indices = @transform_4, window_bounds = array<i64: 80, 256>}]} {
    %get3A = arith.constant 0 : index
    %get3A_0 = arith.constant 0 : index
    %get3A_1 = arith.constant 0 : index
    %get3A_2 = vector.load %arg1[%get3A, %get3A_0, %get3A_1] : memref<2x80x256xf32, #tpu.memory_space<vmem>>, vector<2x80x256xf32>
    %slice3A = vector.extract_strided_slice %get3A_2 {offsets = [0, 0, 0], sizes = [1, 80, 256], strides = [1, 1, 1]} : vector<2x80x256xf32> to vector<1x80x256xf32>
    %squeeze3A = vector.shape_cast %slice3A : vector<1x80x256xf32> to vector<80x256xf32>
    %slice3A_3 = vector.extract_strided_slice %get3A_2 {offsets = [1, 0, 0], sizes = [1, 80, 256], strides = [1, 1, 1]} : vector<2x80x256xf32> to vector<1x80x256xf32>
    %squeeze3A_4 = vector.shape_cast %slice3A_3 : vector<1x80x256xf32> to vector<80x256xf32>
    %add3A = arith.addf %squeeze3A, %squeeze3A_4 : vector<80x256xf32>
    %mul3A = arith.constant 5.000000e-01 : f32
    %mul3A_5 = vector.broadcast %mul3A : f32 to vector<80x256xf32>
    %mul3A_6 = arith.mulf %add3A, %mul3A_5 : vector<80x256xf32>
    %get3A_7 = arith.constant 0 : index
    %get3A_8 = arith.constant 0 : index
    %get3A_9 = vector.load %arg3[%get3A_7, %get3A_8] : memref<256x256xf32, #tpu.memory_space<vmem>>, vector<256x256xf32>
    %dot_general3A = arith.constant dense<0.000000e+00> : vector<80x256xf32>
    %dot_general3A_10 = tpu.matmul %mul3A_6, %get3A_9, %dot_general3A {dimension_numbers = #tpu.dot_dimension_numbers<[1], [0], [0], [1], [0, 0, 1, 1], [], []>, transpose_lhs_hint = false} : vector<80x256xf32>, vector<256x256xf32>, vector<80x256xf32> -> vector<80x256xf32>
    %get3A_11 = arith.constant 0 : index
    %get3A_12 = arith.constant 0 : index
    %get3A_13 = vector.load %arg4[%get3A_11, %get3A_12] : memref<1x256xf32, #tpu.memory_space<vmem>>, vector<1x256xf32>
    %add3A_14 = vector.broadcast %get3A_13 : vector<1x256xf32> to vector<80x256xf32>
    %add3A_15 = arith.addf %dot_general3A_10, %add3A_14 : vector<80x256xf32>
    %get3A_16 = arith.constant 0 : index
    %get3A_17 = arith.constant 0 : index
    %get3A_18 = vector.load %arg2[%get3A_16, %get3A_17] : memref<80x256xf32, #tpu.memory_space<vmem>>, vector<80x256xf32>
    %add3A_19 = arith.addf %add3A_15, %get3A_18 : vector<80x256xf32>
    %swap3A = arith.constant 0 : index
    %swap3A_20 = arith.constant 0 : index
    %swap3A_21 = vector.load %arg5[%swap3A, %swap3A_20] : memref<80x256xf32, #tpu.memory_space<vmem>>, vector<80x256xf32>
    tpu.vector_store %arg5[%swap3A, %swap3A_20], %add3A_19 {strides = array<i32>} : memref<80x256xf32, #tpu.memory_space<vmem>>, vector<80x256xf32>,
    return
  }
  func.func @transform_0(%arg0: i32) -> (i32, i32, i32) {
    %c0_i32 = arith.constant 0 : i32
    %c0_i32_0 = arith.constant 0 : i32
    %c0_i32_1 = arith.constant 0 : i32
    return %c0_i32, %arg0, %c0_i32_0 : i32, i32, i32
  }
  func.func @transform_1(%arg0: i32) -> (i32, i32) {
    %c0_i32 = arith.constant 0 : i32
    %c0_i32_0 = arith.constant 0 : i32
    return %arg0, %c0_i32 : i32, i32
  }
  func.func @transform_2(%arg0: i32) -> (i32, i32) {
    %c0_i32 = arith.constant 0 : i32
    %c0_i32_0 = arith.constant 0 : i32
    %c0_i32_1 = arith.constant 0 : i32
    return %c0_i32, %c0_i32_0 : i32, i32
  }
  func.func @transform_3(%arg0: i32) -> (i32, i32) {
    %c0_i32 = arith.constant 0 : i32
    %c0_i32_0 = arith.constant 0 : i32
    %c0_i32_1 = arith.constant 0 : i32
    return %c0_i32, %c0_i32_0 : i32, i32
  }
  func.func @transform_4(%arg0: i32) -> (i32, i32) {
    %c0_i32 = arith.constant 0 : i32
    %c0_i32_0 = arith.constant 0 : i32
    return %arg0, %c0_i32 : i32, i32
  }
}

</mosaic_0001>

<sc_bundles>
// kernel: kernel.6.cloned.1.call-start
scs
__scs_entry_jumppad:
0x0: {  	(pc) =	sbr.rel $0x88, $3  }
0x1: {  	(tag) =	ssettag $0x0;
	lr =	simm.s32 $0x1  }
0x2: {  	[smem:$0x3F96] =	sst lr;
	_ =	strace $0xD0000000  }
0x3: {  	_ = 	snop  }
0x4: {  	_ = 	snop  }
0x5: {  	_ = 	snop  }
0x6: {  	_ = 	snop  }
0x7: {  	_ = 	snop  }
__scs_overlays_trampoline_lowered:
0x8: {  	[smem:$0x3FA5] =	sst s0  }
0x9: {  	[smem:$0x3FA6] =	sst s1  }
0xa: {  	[smem:$0x3FA7] =	sst s2  }
0xb: {  	[smem:$0x3FA8] =	sst s3  }
0xc: {  	[smem:$0x3FA9] =	sst s4  }
0xd: {  	[smem:$0x3FAA] =	sst s5  }
0xe: {  	[smem:$0x3FAB] =	sst s6  }
0xf: {  	[smem:$0x3FAC] =	sst s7  }
0x10: {  	[smem:$0x3FAD] =	sst s8  }
0x11: {  	[smem:$0x3FAE] =	sst s9;
	s0 =	simm.s32 @!p0 $0x0  }
0x12: {  	s1 =	sld [smem:$0x3F94];
	s0 =	simm.s32 @p0 $0x1  }
0x13: {  	[smem:$0x3FAF] =	sst s0;
	s0 =	simm.s32 @!p1 $0x0  }
0x14: {  	s2 =	sld [smem:$0x3F93];
	s0 =	simm.s32 @p1 $0x1  }
0x15: {  	[smem:$0x3FB0] =	sst s0;
	s0 =	simm.s32 @!p2 $0x0  }
0x16: {  	s3 =	sld [smem:$0x3FDB];
	s0 =	simm.s32 @p2 $0x1  }
0x17: {  	s4 =	simm.s32 $0x1BF5;
	[smem:$0x3FB2] =	sst s0  }
0x18: {  	s0 =	sld [smem:$0x3F95];
	_ =	swait.ge [sflag:s4], $0x0  }
0x19: {  	s7 =	sld [smem:$0x3F96]  }
0x1a: {  	s8 =	sadd.s32 $0xFFFFE003, lr  }
0x1b: {  	s9 =	sadd.s32 $0xFFFFFEF7, lr;
	s5 =	simm.s32 $0xFFFFFFFF;
	p2 =	slt.u32 s8, $0xFFFFF086  }
0x1c: {  	p1 =	slt.u32 s9, $0xF7A;
	s5 =	simm.s32 @!p2 $0x0  }
0x1d: {  	s5 =	simm.s32 @p1 $0x1;
	p0 =	seq.s32 s7, s2  }
0x1e: {  	s7 =	smul.u32 @!p0 $0xF7A, s2;
	p2 =	seq.s32 @!p0 s5, $0x0  }
0x1f: {  	s9 =	smul.u32 $0xF7A, s1;
	s8 =	simm.s32 @!p0 $0x1BF5;
	p2 =	por !p2, p0  }
0x20: {  	[sflag:s8] =	ssyncset.s32 @!p0 $0xFFFFF086;
	s6 =	sadd.s32 @!p0 s3, s7;
	s7 =	simm.s32 @!p0 $0x108  }
0x21: {  	s3 =	sadd.s32 s3, s9;
	s6 =	sadd.s32 @!p0 $0x88, s6;
	s7 =	simm.s32 @p2 $0x1082  }
0x22: {  	[simem:s7], [sflag:s8] =	dma.local @!p0 [hbm:s6], $0xF7A  }
0x23: {  	s9 =	sor.u32 $0xD0000000, s2;
	s6 =	simm.s32 $0x108;
	_ =	swait.ge @!p0 [sflag:s8], $0x0  }
0x24: {  	s3 =	sadd.s32 $0x88, s3;
	s6 =	simm.s32 @!p1 $0x1082;
	[sflag:s4] =	ssyncset.s32 $0xFFFFF086  }
0x25: {  	[simem:s6], [sflag:s4] =	dma.local [hbm:s3], $0xF7A  }
0x26: {  	[smem:$0x3F96] =	sst s1;
	(tag) =	ssettag s2;
	_ =	strace s9  }
0x27: {  	s1 =	sld [smem:$0x3FA6]  }
0x28: {  	s2 =	sld [smem:$0x3FA7]  }
0x29: {  	s4 =	sld [smem:$0x3FA9]  }
0x2a: {  	p0 =	seq.s32 s5, $0x0;
	s5 =	sld [smem:$0x3FAA]  }
0x2b: {  	s6 =	sld [smem:$0x3FAB]  }
0x2c: {  	s7 =	sld [smem:$0x3FAC]  }
0x2d: {  	s3 =	simm.s32 $0x108;
	s8 =	sld [smem:$0x3FAD]  }
0x2e: {  	s3 =	simm.s32 @!p0 $0x1082;
	s9 =	sld [smem:$0x3FAE]  }
0x2f: {  	lr =	sadd.s32 s0, s3;
	s0 =	sld [smem:$0x3FA5]  }
0x30: {  	s3 =	sld [smem:$0x3FA8]  }
0x31: {  	[smem:$0x3FB1] =	sst s10  }
0x32: {  	s10 =	sld [smem:$0x3FAF];
	_ =	sdelay $0x3  }
0x33: {  	p0 =	seq.s32 s10, $0x1;
	s10 =	sld [smem:$0x3FB1];
	_ =	sdelay $0x3  }
0x34: {  	[smem:$0x3FB1] =	sst s10  }
0x35: {  	s10 =	sld [smem:$0x3FB0];
	_ =	sdelay $0x3  }
0x36: {  	p1 =	seq.s32 s10, $0x1;
	s10 =	sld [smem:$0x3FB1];
	_ =	sdelay $0x3  }
0x37: {  	[smem:$0x3FB1] =	sst s10  }
0x38: {  	s10 =	sld [smem:$0x3FB2]  }
0x39: {  	_ = 	snop;
	(pc) =	sbr.ind lr, $3  }
0x3a: {  	_ = 	snop  }
0x3b: {  	_ = 	snop  }
0x3c: {  	p2 =	seq.s32 s10, $0x1;
	s10 =	sld [smem:$0x3FB1]  }
0x3d: {  	_ =	shalt  }
0x3e: {  	_ =	shalt  }
0x3f: {  	_ =	shalt  }
0x40: {  	_ =	shalt  }
0x41: {  	_ =	shalt  }
0x42: {  	_ =	shalt  }
0x43: {  	_ =	shalt  }
0x44: {  	_ =	shalt  }
0x45: {  	_ =	shalt  }
0x46: {  	_ =	shalt  }
0x47: {  	_ =	shalt  }
0x48: {  	_ =	shalt  }
0x49: {  	_ =	shalt  }
0x4a: {  	_ =	shalt  }
0x4b: {  	_ =	shalt  }
0x4c: {  	_ =	shalt  }
0x4d: {  	_ =	shalt  }
0x4e: {  	_ =	shalt  }
0x4f: {  	_ =	shalt  }
0x50: {  	_ =	shalt  }
0x51: {  	_ =	shalt  }
0x52: {  	_ =	shalt  }
0x53: {  	_ =	shalt  }
0x54: {  	_ =	shalt  }
0x55: {  	_ =	shalt  }
0x56: {  	_ =	shalt  }
0x57: {  	_ =	shalt  }
0x58: {  	_ =	shalt  }
0x59: {  	_ =	shalt  }
0x5a: {  	_ =	shalt  }
0x5b: {  	_ =	shalt  }
0x5c: {  	_ =	shalt  }
0x5d: {  	_ =	shalt  }
0x5e: {  	_ =	shalt  }
0x5f: {  	_ =	shalt  }
0x60: {  	_ =	shalt  }
0x61: {  	_ =	shalt  }
0x62: {  	_ =	shalt  }
0x63: {  	_ =	shalt  }
0x64: {  	_ =	shalt  }
0x65: {  	_ =	shalt  }
0x66: {  	_ =	shalt  }
0x67: {  	_ =	shalt  }
0x68: {  	_ =	shalt  }
0x69: {  	_ =	shalt  }
0x6a: {  	_ =	shalt  }
0x6b: {  	_ =	shalt  }
0x6c: {  	_ =	shalt  }
0x6d: {  	_ =	shalt  }
0x6e: {  	_ =	shalt  }
0x6f: {  	_ =	shalt  }
0x70: {  	_ =	shalt  }
0x71: {  	_ =	shalt  }
0x72: {  	_ =	shalt  }
0x73: {  	_ =	shalt  }
0x74: {  	_ =	shalt  }
0x75: {  	_ =	shalt  }
0x76: {  	_ =	shalt  }
0x77: {  	_ =	shalt  }
0x78: {  	_ =	shalt  }
0x79: {  	_ =	shalt  }
0x7a: {  	_ =	shalt  }
0x7b: {  	_ =	shalt  }
0x7c: {  	_ =	shalt  }
0x7d: {  	_ =	shalt  }
0x7e: {  	_ =	shalt  }
0x7f: {  	_ =	shalt  }
0x80: {  	_ =	shalt  }
0x81: {  	_ =	shalt  }
0x82: {  	_ =	shalt  }
0x83: {  	_ =	shalt  }
0x84: {  	_ =	shalt  }
0x85: {  	_ =	shalt  }
0x86: {  	_ =	shalt  }
0x87: {  	_ =	shalt  }
.Lfunc_end0:
.L_simem_size_0:
called_computation_lowered:
.L_overlay_start_0:
0x88: {  	s2 =	sld [smem:$0x3FD9]  }
0x89: {  	s3 =	sld [smem:$0x3FFE];
	_ =	sdelay $0x1  }
0x8a: {  	s1 =	srdreg.scid  }
0x8b: {  	s0 =	sand.u32 $0x1, s1  }
0x8c: {  	s16 =	sshll.u32 s0, $0xA;
	s2 =	sadd.s32 s3, s2  }
0x8d: {  	s2 =	sadd.s32 s2, s16  }
0x8e: {  	[smem:$0x3FBD] =	sst s2  }
0x8f: {  	_ = 	snop  }
0x90: {  	(tm) =	ssettm $0x1  }
0x91: {  	s17 =	sld [smem:$0x3FFB];
	_ =	sdelay $0x3  }
0x92: {  	_ =	strace s17  }
0x93: {  	s2 =	sld [smem:$0x3FFC];
	_ =	sdelay $0x3  }
0x94: {  	_ =	strace s2  }
0x95: {  	s2 =	sld [smem:$0x3FFD];
	_ =	sdelay $0x3  }
0x96: {  	_ =	strace s2  }
0x97: {  	_ =	strace $0x8FFFFFFF  }
0x98: {  	s18 =	sld [smem:$0x3FDB];
	_ =	sdelay $0x1  }
0x99: {  	s19 =	simm.s32 $_scs_section_size  }
0x9a: {  	s4 =	simm.s32 $_size__tile_overlayer_lowered;
	s5 =	simm.s32 $_tile_overlayer_lowered  }
0x9b: {  	s22 =	simm.s32 $0x1BFF;
	s21 =	sshll.u32 s5, $0x1;
	s2 =	sadd.s32 s19, s18  }
0x9c: {  	s6 =	simm.s32 $0x0;
	s20 =	sshll.u32 s4, $0x1;
	s4 =	sadd.s32 s21, s2  }
0x9d: {  	[timem:s6], [sflag:s22] =	dma.local [hbm:s4], s20  }
0x9e: {  	_ =	swait.ge [sflag:s22], s20  }
0x9f: {  	s3 =	ssub.s32 $0x0, s20;
	[sflag:s22] =	ssyncset.done $0x0  }
0xa0: {  	[sflag:s22] =	ssyncadd.s32 s3;
	_ =	sdelay $0x1  }
0xa1: {  	s23 =	simm.s32 $0x1B8B  }
0xa2: {  	_ =	swait.ge [sflag:s23], $0x1  }
0xa3: {  	[sflag:s23] =	ssyncset.done $0x0  }
0xa4: {  	s25 =	simm.s32 $0x1B8E;
	s24 =	sld [smem:$0x3FFE];
	[sflag:s23] =	ssyncadd.s32 $0xFFFFFFFF  }
0xa5: {  	s26 =	simm.s32 $execute0_lowered;
	[smem:$0x3FD2] =	sst s25  }
0xa6: {  	s4 =	sshll.u32 s26, $0x1;
	_ =	strace $0x80000046;
	[dreg:$0x1] =	wrdreg $0xFFFFFFFF  }
0xa7: {  	s28 =	simm.s32 $_size_execute0_lowered;
	s2 =	sadd.s32 s2, s4;
	[dreg:$0x0] =	wrdreg $0x0  }
0xa8: {  	s4 =	sshll.u32 s28, $0x1;
	[dreg:$0x2] =	wrdreg s2  }
0xa9: {  	[dreg:$0x3] =	wrdreg s4  }
0xaa: {  	[dreg:$0x4] =	wrdreg $0xC0  }
0xab: {  	_ =	task [dreg:s6], $0x5FFFF  }
0xac: {  	[dreg:$0x1] =	wrdreg $0xFFFFFFFF  }
0xad: {  	[dreg:$0x0] =	wrdreg $0x60  }
0xae: {  	[dreg:$0x2] =	wrdreg s24  }
0xaf: {  	[dreg:$0x3] =	wrdreg $0x9  }
0xb0: {  	_ =	task.clear_ibuf [dreg:s6], $0x4FFFF;
	_ =	strace $0x90000046  }
0xb1: {  	s29 =	simm.s32 $0x9;
	_ =	strace $0x80000048  }
0xb2: {  	_ =	swait.ge [sflag:s29], $0x1  }
0xb3: {  	[sflag:s29] =	ssyncadd.s32 $0xFFFFFFFF  }
0xb4: {  	_ =	strace $0x90000048  }
0xb5: {  	_ =	sfence  }
0xb6: {  	s30 =	sld [smem:$0x0];
	_ =	sdelay $0x2  }
0xb7: {  	s31 =	sshll.u32 s1, $0xD;
	s1 =	sshrl.u32 s1, $0x2  }
0xb8: {  	s3 =	sand.u32 $0x4000, s31;
	s1 =	sadd.s32 s1, s30  }
0xb9: {  	s0 =	sor.u32 s3, s0;
	s1 =	sshll.u32 s1, $0x11  }
0xba: {  	s0 =	sor.u32 s1, s0  }
0xbb: {  	s0 =	sadd.s32 $0x8F2B, s0  }
0xbc: {  	[sflag:s0] =	ssyncadd.remote.s32 $0x1  }
0xbd: {  	_ =	sfence.sel $0xFFFF  }
0xbe: {  	[dreg:$0x0] =	wrdreg $0xFFFFFFFF;
	(pc) =	sbr.abs _section_cstart, $3  }
0xbf: {  	[dreg:$0x1] =	wrdreg $0xFFFFFFFF  }
0xc0: {  	_ =	task.clear_ibuf [dreg:s6], $0x2FFFF;
	_ =	strace $0x9FFFFFFF  }
0xc1: {  	(tm) =	ssettm $0x7FFFFFFF  }
tec
execute0_lowered:
.L_overlay_start_1:
0x0: {  	(tag) =	ssettag $0x1  }
0x1: {  	s0 =	rddreg [dreg:$0x0];
	s3 =	simm.s32 $0x0;
	s1 =	srdreg.scid  }
0x2: {  	s2 =	stileid.u32;
	[smem:$0x7FF] =	sst s3  }
0x3: {  	s1 =	sand.u32 $0x1, s1;
	s2 =	sshll.u32 s2, $0x1;
	s23 =	sadd.s32 $0x2400, s0  }
0x4: {  	s4 =	sadd.s32 $0x55200, s0;
	s5 =	sadd.s32 $0xA5200, s0;
	s0 =	sadd.s32 $0xF5200, s0  }
0x5: {  	_ =	strace $0x80000047;
	[smem:$0x7F1] =	sst s23;
	s2 =	sor.u32 s1, s2  }
0x6: {  	[smem:$0x7F2] =	sst s0;
	s24 =	smul.u32 $0x2800, s2  }
0x7: {  	[smem:$0x7F5] =	sst s4;
	s2 =	smul.u32 $0x14000, s2  }
0x8: {  	[smem:$0x7F7] =	sst s5  }
0x9: {  	s6 =	sadd.s32 s4, s24;
	[smem:$0x7FB] =	sst s2  }
0xa: {  	s3 =	sadd.s32 s5, s24;
	[smem:$0x7F3] =	sst s6  }
0xb: {  	s1 =	ssub.s32 $0x2, s1;
	s29 =	sor.u32 $0x400, s2;
	[smem:$0x7F4] =	sst s3  }
0xc: {  	s25 =	sshrl.u32 s1, $0x1;
	s30 =	sor.u32 $0x800, s2;
	[smem:$0x7F9] =	sst s29  }
0xd: {  	s0 =	ssub.s32 s1, s25;
	s31 =	sor.u32 $0xC00, s2;
	[smem:$0x7FA] =	sst s30  }
0xe: {  	s26 =	sor.u32 $0x80, s24;
	s0 =	smax.u32 s0, $0x1;
	[smem:$0x7FC] =	sst s31  }
0xf: {  	s21 =	simm.s32 $0xC00;
	s28 =	sadd.s32 s4, s26;
	[smem:$0x7FD] =	sst s0  }
0x10: {  	s2 =	simm.s32 $0x800;
	s1 =	sadd.s32 s5, s26;
	[smem:$0x7F6] =	sst s28  }
0x11: {  	s3 =	simm.s32 $0x400;
	s4 =	simm.s32 $0x0;
	[smem:$0x7F8] =	sst s1  }
.LBB2_1:
0x12: {  	s1 =	sld [smem:$0x7F3];
	_ =	sdelay $0x1  }
0x13: {  	s0 =	simm.s32 $0x0;
	s25 =	sld [smem:$0x7F4]  }
0x14: {  	[tilespmem:s0], [sflag:$0x1] =	stream.linear.gather [hbm4b:s1+s0], $0x400, $0x38;
	[tilespmem:$0xA000] =	vst v63  }
0x15: {  	[smem:$0x7F0] =	sst s4;
	s26 =	simm.s32 $0x1  }
0x16: {  	[tilespmem:s2], [sflag:$0x1] =	stream.linear.gather [hbm4b:s25+s0], $0x400, $0x38;
	[tilespmem:$0xA000] =	vst v63  }
0x17: {  	_ =	swait.ge [sflag:s26], $0x400  }
0x18: {  	[sflag:s26] =	ssyncset.done $0x0  }
0x19: {  	[sflag:s26] =	ssyncadd.s32 $0xFFFFFC00  }
0x1a: {  	_ =	swait.ge [sflag:s26], $0x400  }
0x1b: {  	s28 =	sld [smem:$0x7F1]  }
0x1c: {  	[sflag:s26] =	ssyncset.done $0x0  }
0x1d: {  	s29 =	simm.s32 $0x1000;
	s30 =	sld [smem:$0x7F6];
	[sflag:s26] =	ssyncadd.s32 $0xFFFFFC00  }
0x1e: {  	[tilespmem:s29], [sflag:$0x3] =	stream.indirect.gather [hbm4b:s28+s3], $0x10, s0, s3, $0xb8;
	[tilespmem:$0xA000] =	vst v63  }
0x1f: {  	s31 =	sld [smem:$0x7F8]  }
0x20: {  	[tilespmem:s3], [sflag:$0x2] =	stream.linear.gather [hbm4b:s30+s0], $0x400, $0x38;
	[tilespmem:$0xA000] =	vst v63  }
0x21: {  	s2 =	simm.s32 $0x0  }
0x22: {  	[tilespmem:s21], [sflag:$0x2] =	stream.linear.gather [hbm4b:s31+s0], $0x400, $0x38;
	[tilespmem:$0xA000] =	vst v63  }
.LBB2_2:
0x23: {  	[smem:$0x7EC] =	sst s2;
	s0 =	simm.s32 $0x3  }
0x24: {  	_ =	swait.ge [sflag:s0], $0x4000  }
0x25: {  	[sflag:s0] =	ssyncset.done $0x0  }
0x26: {  	s5 =	simm.s32 $0x2;
	[sflag:s0] =	ssyncadd.s32 $0xFFFFC000  }
0x27: {  	s1 =	simm.s32 $0x5000;
	p0 =	seq.s32 s2, $0x0;
	_ =	swait.ge [sflag:s5], $0x400  }
0x28: {  	s7 =	simm.s32 $0x0;
	s8 =	simm.s32 $0x0;
	[sflag:s5] =	ssyncset.done $0x0  }
0x29: {  	s11 =	simm.s32 $0x0;
	s12 =	simm.s32 $0x1;
	[sflag:s5] =	ssyncadd.s32 $0xFFFFFC00  }
0x2a: {  	s15 =	simm.s32 $0x0;
	s22 =	simm.s32 $0x2;
	_ =	swait.ge [sflag:s5], $0x400  }
0x2b: {  	s10 =	sand.u32 $0x7, s7;
	s17 =	sand.u32 $0x4, s11;
	s6 =	sld [smem:$0x7F1]  }
0x2c: {  	s16 =	sand.u32 $0x7, s12;
	s7 =	simm.s32 $0x0;
	[sflag:s5] =	ssyncset.done $0x0  }
0x2d: {  	s29 =	sand.u32 $0x7, s22;
	s9 =	sshll.u32 s10, $0x3;
	[sflag:s5] =	ssyncadd.s32 $0xFFFFFC00  }
0x2e: {  	[tilespmem:s1], [sflag:$0x4] =	stream.indirect.gather [hbm4b:s6+s3], $0x10, s3, s3, $0xb8;
	[tilespmem:$0xA000] =	vst v63  }
0x2f: {  	s30 =	sand.u32 $0x4, s7;
	s0 =	simm.s32 @!p0 $0x5;
	s1 =	sor.u32 s9, s8  }
0x30: {  	s6 =	sshll.u32 s16, $0x3;
	s8 =	sshll.u32 s29, $0x3;
	_ =	swait.ge @!p0 [sflag:s0], $0x400  }
0x31: {  	s18 =	sor.u32 s17, s1;
	s1 =	sor.u32 s6, s15;
	[sflag:s0] =	ssyncset.done @!p0 $0x0  }
0x32: {  	s13 =	sor.u32 $0x1, s18;
	s23 =	sor.u32 $0x81, s18;
	s20 =	sor.u32 $0x2, s18  }
0x33: {  	s21 =	sor.u32 $0x3, s18;
	s24 =	sor.u32 $0x40, s18;
	s3 =	sor.u32 $0x41, s18  }
0x34: {  	s9 =	sor.u32 $0x42, s18;
	s31 =	sor.u32 $0x80, s18;
	s28 =	sor.u32 $0x82, s18  }
0x35: {  	s14 =	sor.u32 $0xC0, s18;
	s4 =	sor.u32 $0xC1, s18;
	s19 =	sor.u32 $0xC2, s18  }
0x36: {  	s6 =	sor.u32 s30, s1;
	s2 =	sshll.u32 s18, $0x4;
	[sflag:s0] =	ssyncadd.s32 @!p0 $0xFFFFFC00  }
0x37: {  	v0 =	vmov s18;
	v1 =	vmov s13;
	s1 =	sor.u32 $0x1, s6;
	s15 =	sor.u32 $0x81, s6;
	_ =	swait.ge @!p0 [sflag:s0], $0x400  }
0x38: {  	v0 =	vbroadcast v0, $0x0;
	v2 =	vmov s23;
	v4 =	vmov s24;
	s25 =	sor.u32 $0x2, s6;
	s12 =	sor.u32 $0x3, s6;
	[smem:$0x7E4] =	sst s14  }
0x39: {  	v5 =	vmov s3;
	v29 =	vmov s21;
	v7 =	vmov s9;
	s11 =	sor.u32 $0x40, s6;
	s26 =	sor.u32 $0x41, s6;
	[smem:$0x7E5] =	sst s4  }
0x3a: {  	v6 =	vmov s19;
	v8 =	vmov s6;
	s7 =	sor.u32 $0x80, s6;
	s22 =	sshll.u32 s13, $0x4;
	v3 =	vbroadcast v1, $0x0;
	[smem:$0x7E6] =	sst s19  }
0x3b: {  	s5 =	sor.u32 $0x82, s6;
	s13 =	sor.u32 $0xC0, s6;
	v1 =	vmov s20;
	v30 =	vbroadcast v4, $0x0;
	v28 =	vbroadcast v5, $0x0;
	[smem:$0x7E9] =	sst s25  }
0x3c: {  	s3 =	sshll.u32 s3, $0x4;
	v4 =	vmov s14;
	v14 =	vbroadcast v8, $0x0;
	v8 =	vmov s1;
	s22 =	sand.u32 $0x3FFFF3D0, s22;
	[smem:$0x7E8] =	sst s26  }
0x3d: {  	v9 =	vmov s11;
	[sflag:s0] =	ssyncset.done @!p0 $0x0;
	v15 =	vbroadcast v8, $0x0;
	v8 =	vmov s25;
	[smem:$0x7EA] =	sst s5;
	s25 =	sor.u32 $0xC2, s6  }
0x3e: {  	v5 =	vmov s4;
	v11 =	vbroadcast v9, $0x0;
	v9 =	vmov s26;
	s26 =	simm.s32 $0x1;
	[sflag:s0] =	ssyncadd.s32 @!p0 $0xFFFFFC00;
	[dreg:$0x2] =	wrdreg s25  }
0x3f: {  	v12 =	vmov s15;
	v18 =	vmov s5;
	v21 =	vmov s25;
	s5 =	sand.u32 $0x4, s26;
	s25 =	sand.u32 $0x3FFFF3C0, s2;
	s26 =	sshll.u32 s20, $0x4;
	v32 =	vld [tilespmem:s22+$0x1000]  }
0x40: {  	v13 =	vmov s12;
	v23 =	vbroadcast v6, $0x0;
	v34 =	vbroadcast v2, $0x0;
	[smem:$0x7E7] =	sst s1;
	s0 =	sshll.u32 s24, $0x4;
	v33 =	vld [tilespmem:s25+$0x1000];
	s25 =	sand.u32 $0x3FFFF3E0, s26  }
0x41: {  	v19 =	vmov s13;
	v40 =	vbroadcast v7, $0x0;
	v31 =	vbroadcast v1, $0x0;
	s4 =	simm.s32 $0x0;
	[smem:$0x7EB] =	sst s13;
	s0 =	sand.u32 $0x3FFFF7C0, s0;
	v37 =	vld [tilespmem:s25+$0x1000]  }
0x42: {  	v1 =	vmov s31;
	s19 =	sor.u32 $0xC1, s6;
	v26 =	vbroadcast v4, $0x0;
	v24 =	vbroadcast v5, $0x0;
	s1 =	sor.u32 $0x43, s18;
	s2 =	simm.s32 $0x800;
	v43 =	vld [tilespmem:s0+$0x1000]  }
0x43: {  	v25 =	vbroadcast v1, $0x0;
	v1 =	vmov s28;
	s14 =	sor.u32 s8, s4;
	s8 =	sor.u32 $0x42, s6;
	v10 =	vbroadcast v9, $0x0;
	s26 =	sshll.u32 s21, $0x4;
	v29 =	vld.idx.msk [tilespmem:v29+s2+$0x0], $0xffff  }
0x44: {  	v9 =	vmov s7;
	v17 =	vbroadcast v8, $0x0;
	[dreg:$0x4] =	wrdreg s19;
	v20 =	vmov s19;
	s4 =	sor.u32 $0x83, s18;
	s26 =	sand.u32 $0x3FFFF3F0, s26;
	v36 =	vld.idx.msk [tilespmem:v0+s2+$0x0], $0xffff  }
0x45: {  	s19 =	sor.u32 $0xC3, s18;
	v38 =	vmov s1;
	v16 =	vmov s8;
	v9 =	vbroadcast v9, $0x0;
	s13 =	sor.u32 s5, s14;
	s0 =	sand.u32 $0x3FFFF7D0, s3;
	v41 =	vld [tilespmem:s26+$0x1000]  }
0x46: {  	v22 =	vmov s19;
	v27 =	vmov s4;
	v4 =	vmov s13;
	s14 =	sor.u32 $0x1, s13;
	s20 =	sor.u32 $0x81, s13;
	v58 =	vld [tilespmem:s0+$0x1000]  }
0x47: {  	v35 =	vbroadcast v1, $0x0;
	s18 =	sor.u32 $0x2, s13;
	s25 =	sor.u32 $0x40, s13;
	s3 =	sshll.u32 s9, $0x4;
	v1 =	vmov s14;
	v5 =	vbroadcast v4, $0x0;
	v39 =	vld.idx.msk [tilespmem:v3+s2+$0x0], $0xffff  }
0x48: {  	s22 =	sor.u32 $0x3, s13;
	s24 =	sor.u32 $0x42, s13;
	v4 =	vmov s20;
	v0 =	vmov s18;
	v2 =	vmov s25;
	s0 =	sand.u32 $0x3FFFF7E0, s3;
	v30 =	vld.idx.msk [tilespmem:v30+s2+$0x0], $0xffff  }
0x49: {  	s21 =	sor.u32 $0x41, s13;
	v8 =	vmov s24;
	v6 =	vbroadcast v1, $0x0;
	v1 =	vmov s22;
	v60 =	vld [tilespmem:s0+$0x1000]  }
0x4a: {  	s15 =	sshll.u32 s15, $0x4;
	s26 =	sor.u32 $0x80, s13;
	v3 =	vmov s21;
	v2 =	vbroadcast v2, $0x0;
	v7 =	vbroadcast v0, $0x0;
	v28 =	vld.idx.msk [tilespmem:v28+s2+$0x0], $0xffff  }
0x4b: {  	[dreg:$0x11] =	wrdreg s15;
	s15 =	sshll.u32 s7, $0x4;
	s9 =	sshll.u32 s1, $0x4;
	v44 =	vmov s26;
	v3 =	vbroadcast v3, $0x0;
	v31 =	vld.idx.msk [tilespmem:v31+s2+$0x0], $0xffff;
	v0 =	vunpack.i.u.bf16.f32 v33  }
0x4c: {  	[dreg:$0x17] =	wrdreg s15;
	s1 =	sshll.u32 s31, $0x4;
	s0 =	sand.u32 $0x3FFFF7F0, s9;
	v40 =	vld.idx.msk [tilespmem:v40+s2+$0x0], $0xffff;
	v42 =	vunpack.i.u.bf16.f32 v32;
	v33 =	vunpack.i.l.bf16.f32 v33;
	v45 =	vmul.f32 v0, v36  }
0x4d: {  	s3 =	sadd.s32 $0x0, s17;
	s17 =	sshll.u32 s10, $0x5;
	s15 =	sshll.u32 s14, $0x4;
	v61 =	vld [tilespmem:s0+$0x1000];
	v32 =	vunpack.i.l.bf16.f32 v32;
	v59 =	vunpack.i.u.bf16.f32 v37;
	v33 =	vmul.f32 v33, v36  }
0x4e: {  	s9 =	sshll.u32 s23, $0x4;
	s23 =	sshll.u32 s28, $0x4;
	s0 =	sand.u32 $0x3FFFFBC0, s1;
	v38 =	vld.idx.msk [tilespmem:v38+s2+$0x0], $0xffff;
	v37 =	vunpack.i.l.bf16.f32 v37;
	v42 =	vmul.f32 v42, v39;
	v45 =	vadd.f32 $0.0e+00, v45  }
0x4f: {  	s1 =	sand.u32 $0x3FFFFBD0, s9;
	s2 =	sadd.s32 $0x0, s30;
	v47 =	vld [tilespmem:s0+$0x1000];
	s0 =	sshll.u32 s3, $0x8;
	v62 =	vunpack.i.u.bf16.f32 v43;
	v32 =	vmul.f32 v32, v39;
	v33 =	vadd.f32 $0.0e+00, v33  }
0x50: {  	s9 =	sand.u32 $0x3FFFFBE0, s23;
	s23 =	sshll.u32 s4, $0x4;
	s0 =	sand.u32 $0x3FFFFF00, s0;
	v0 =	vbroadcast v44, $0x0;
	v44 =	vmul.f32 v59, v31;
	v42 =	vadd.f32 v42, v45  }
0x51: {  	s30 =	sadd.s32 $0x0, s5;
	s5 =	sld [smem:$0x7E5];
	v46 =	vunpack.i.u.bf16.f32 v41;
	s10 =	sor.u32 s17, s0;
	v31 =	vmul.f32 v37, v31;
	v32 =	vadd.f32 v32, v33  }
0x52: {  	v41 =	vunpack.i.l.bf16.f32 v41;
	s0 =	sshll.u32 s2, $0x8;
	s2 =	sand.u32 $0x3FFFFBF0, s23;
	s23 =	sld [smem:$0x7E6];
	v63 =	vmul.f32 v46, v29;
	v42 =	vadd.f32 v44, v42  }
0x53: {  	s28 =	simm.s32 $0x800;
	s4 =	sshll.u32 s29, $0x5;
	v43 =	vunpack.i.l.bf16.f32 v43;
	v29 =	vmul.f32 v41, v29;
	v52 =	vld [tilespmem:s2+$0x1000];
	s2 =	sld [smem:$0x7E4];
	v31 =	vadd.f32 v31, v32  }
0x54: {  	s3 =	sshll.u32 s30, $0x8;
	v48 =	vunpack.i.u.bf16.f32 v58;
	s17 =	sshll.u32 s16, $0x5;
	s0 =	sand.u32 $0x3FFFFF00, s0;
	v37 =	vmul.f32 v62, v30;
	v42 =	vadd.f32 v63, v42  }
0x55: {  	v36 =	vunpack.i.l.bf16.f32 v58;
	v30 =	vmul.f32 v43, v30;
	s0 =	sor.u32 s17, s0;
	s17 =	sshll.u32 s12, $0x4;
	s12 =	sld [smem:$0x7E9];
	v29 =	vadd.f32 v29, v31  }
0x56: {  	v25 =	vld.idx.msk [tilespmem:v25+s28+$0x0], $0xffff;
	v49 =	vunpack.i.u.bf16.f32 v60;
	v41 =	vmul.f32 v48, v28;
	[dreg:$0x6] =	wrdreg s0;
	s30 =	sshll.u32 s23, $0x4;
	s0 =	sshll.u32 s2, $0x4;
	v37 =	vadd.f32 v37, v42  }
0x57: {  	v34 =	vld.idx.msk [tilespmem:v34+s28+$0x0], $0xffff;
	v39 =	vunpack.i.l.bf16.f32 v60;
	v28 =	vmul.f32 v36, v28;
	s2 =	sshll.u32 s11, $0x4;
	s11 =	sld [smem:$0x7E8];
	s0 =	sand.u32 $0x3FFFFFC0, s0;
	v29 =	vadd.f32 v30, v29  }
0x58: {  	v50 =	vunpack.i.u.bf16.f32 v61;
	v51 =	vmul.f32 v49, v40;
	v31 =	vld [tilespmem:s1+$0x1000];
	s1 =	sand.u32 $0x3FFFFF00, s3;
	s3 =	sshll.u32 s12, $0x4;
	s12 =	sshll.u32 s22, $0x4;
	v37 =	vadd.f32 v41, v37  }
0x59: {  	v53 =	vunpack.i.u.bf16.f32 v47;
	v54 =	vld [tilespmem:s0+$0x1000];
	s22 =	sand.u32 $0x3FFFF3D0, s15;
	s29 =	sor.u32 s4, s1;
	s4 =	sld [smem:$0x7E7];
	v28 =	vadd.f32 v28, v29;
	v29 =	vmul.f32 v39, v40  }
0x5a: {  	v36 =	vmul.f32 v50, v38;
	v33 =	vunpack.i.l.bf16.f32 v61;
	s0 =	sshll.u32 s5, $0x4;
	s1 =	sand.u32 $0x3FFFF3F0, s17;
	s17 =	sld [smem:$0x7EA];
	v30 =	vld [tilespmem:s9+$0x1000];
	v37 =	vadd.f32 v51, v37  }
0x5b: {  	v35 =	vld.idx.msk [tilespmem:v35+s28+$0x0], $0xffff;
	v56 =	vmul.f32 v53, v25;
	s0 =	sand.u32 $0x3FFFFFD0, s0;
	[dreg:$0xd] =	wrdreg s22;
	s9 =	sshll.u32 s6, $0x4;
	v28 =	vadd.f32 v29, v28;
	v29 =	vmul.f32 v33, v38  }
0x5c: {  	v32 =	vunpack.i.l.bf16.f32 v47;
	v59 =	vunpack.i.u.bf16.f32 v52;
	s16 =	sand.u32 $0x3FFFF3C0, s9;
	s9 =	sand.u32 $0x3FFFFFE0, s30;
	s30 =	sshll.u32 s19, $0x4;
	v36 =	vadd.f32 v36, v37  }
0x5d: {  	v27 =	vld.idx.msk [tilespmem:v27+s28+$0x0], $0xffff;
	v25 =	vmul.f32 v32, v25;
	s19 =	sshll.u32 s20, $0x4;
	s20 =	sand.u32 $0x3FFFF3F0, s12;
	s12 =	sld [smem:$0x7EC];
	v55 =	vunpack.i.u.bf16.f32 v31;
	v28 =	vadd.f32 v29, v28  }
0x5e: {  	v26 =	vld.idx.msk [tilespmem:v26+s28+$0x0], $0xffff;
	s23 =	sand.u32 $0x3FFFF3E0, s3;
	s3 =	sshll.u32 s17, $0x4;
	[dreg:$0x8] =	wrdreg s20;
	v31 =	vunpack.i.l.bf16.f32 v31;
	v58 =	vmul.f32 v55, v34;
	v36 =	vadd.f32 v56, v36  }
0x5f: {  	s31 =	sshll.u32 s11, $0x4;
	s17 =	sshll.u32 s25, $0x4;
	[dreg:$0x15] =	wrdreg s3;
	v57 =	vunpack.i.u.bf16.f32 v30;
	v29 =	vld [tilespmem:s0+$0x1000];
	v25 =	vadd.f32 v25, v28;
	v28 =	vmul.f32 v31, v34  }
0x60: {  	v24 =	vld.idx.msk [tilespmem:v24+s28+$0x0], $0xffff;
	s5 =	sshll.u32 s4, $0x4;
	s4 =	sand.u32 $0x3FFFFFF0, s30;
	[dreg:$0x7] =	wrdreg s17;
	v30 =	vunpack.i.l.bf16.f32 v30;
	v32 =	vmul.f32 v57, v35;
	v36 =	vadd.f32 v58, v36  }
0x61: {  	v60 =	vunpack.i.l.bf16.f32 v52;
	s20 =	sshll.u32 s12, $0xB;
	s0 =	sand.u32 $0x3FFFF3D0, s5;
	s5 =	sshll.u32 s13, $0x4;
	v31 =	vld [tilespmem:s9+$0x1000];
	v25 =	vadd.f32 v28, v25;
	v28 =	vmul.f32 v30, v35  }
0x62: {  	v23 =	vld.idx.msk [tilespmem:v23+s28+$0x0], $0xffff;
	s25 =	sshll.u32 s18, $0x4;
	v33 =	vunpack.i.l.bf16.f32 v54;
	[smem:$0x7EE] =	sst s20;
	s11 =	sand.u32 $0x3FFFF3C0, s5;
	v34 =	vmul.f32 v59, v27;
	v32 =	vadd.f32 v32, v36  }
0x63: {  	s7 =	simm.s32 $0x3;
	s5 =	sand.u32 $0x3FFFF3E0, s25;
	s25 =	sld [smem:$0x7F9];
	v27 =	vmul.f32 v60, v27;
	v30 =	vunpack.i.u.bf16.f32 v54;
	v25 =	vadd.f32 v28, v25  }
0x64: {  	s8 =	sshll.u32 s8, $0x4;
	s21 =	sshll.u32 s21, $0x4;
	s9 =	sld [smem:$0x7EB];
	v61 =	vunpack.i.u.bf16.f32 v29;
	v30 =	vmul.f32 v30, v26;
	v28 =	vld [tilespmem:s4+$0x1000];
	v32 =	vadd.f32 v34, v32  }
0x65: {  	s14 =	sshll.u32 s26, $0x4;
	v62 =	vld.idx.msk [tilespmem:v22+s28+$0x0], $0xffff;
	s15 =	sor.u32 $0x83, s6;
	[dreg:$0xa] =	wrdreg s11;
	v29 =	vunpack.i.l.bf16.f32 v29;
	v22 =	vadd.f32 v27, v25;
	v25 =	vmul.f32 v33, v26  }
0x66: {  	s22 =	sor.u32 $0xC3, s6;
	s30 =	sor.u32 $0x82, s13;
	[dreg:$0xe] =	wrdreg s5;
	v26 =	vunpack.i.u.bf16.f32 v31;
	v27 =	vadd.f32 v30, v32;
	v30 =	vmul.f32 v61, v24  }
0x67: {  	s26 =	sadd.s32 s20, s25;
	s3 =	sshll.u32 s9, $0x4;
	s9 =	sor.u32 $0xC0, s13;
	v26 =	vmul.f32 v26, v23;
	v63 =	vadd.f32 v25, v22;
	v24 =	vmul.f32 v29, v24  }
0x68: {  	s18 =	sshll.u32 s24, $0x4;
	s11 =	sor.u32 $0x43, s6;
	[smem:$0x7EF] =	sst s26;
	v25 =	vmov s9;
	v29 =	vunpack.i.l.bf16.f32 v31;
	v27 =	vadd.f32 v30, v27  }
0x69: {  	s24 =	sshll.u32 s30, $0x4;
	s20 =	sshll.u32 s11, $0x4;
	[dreg:$0x13] =	wrdreg s3;
	v23 =	vmul.f32 v29, v23;
	v30 =	vunpack.i.u.bf16.f32 v28;
	v24 =	vadd.f32 v24, v63  }
0x6a: {  	s17 =	sshll.u32 s9, $0x4;
	s4 =	sshll.u32 s12, $0x1;
	s9 =	sor.u32 $0xC1, s13;
	v28 =	vunpack.i.l.bf16.f32 v28;
	v30 =	vmul.f32 v30, v62;
	v29 =	vadd.f32 v26, v27  }
0x6b: {  	s3 =	sor.u32 $0xC2, s13;
	[smem:$0x7ED] =	sst s4;
	v22 =	vmov s30;
	s30 =	sor.u32 $0x43, s13;
	v28 =	vmul.f32 v28, v62;
	v27 =	vmov s9  }
0x6c: {  	s4 =	smov.u32 s13;
	[dreg:$0x10] =	wrdreg s30;
	s26 =	sshll.u32 s30, $0x4;
	v26 =	vmov s3;
	v24 =	vadd.f32 v23, v24;
	v23 =	vadd.f32 v30, v29  }
.LBB2_3:
0x6d: {  	[smem:$0x7E2] =	sst s14  }
0x6e: {  	[smem:$0x7E3] =	sst s24  }
0x6f: {  	[dreg:$0x1f] =	wrdreg s9  }
0x70: {  	[dreg:$0x1e] =	wrdreg s3;
	s13 =	sshrl.u32 s7, $0x4;
	s30 =	sand.u32 $0x7, s7  }
0x71: {  	s3 =	smov.u32 s19;
	s6 =	smov.u32 s7;
	s5 =	sadd.s32 $0x1, s7  }
0x72: {  	p1 =	sne.s32 s7, $0x3F;
	[dreg:$0x1b] =	wrdreg s5;
	s9 =	sshll.u32 s13, $0x8  }
0x73: {  	s25 =	sshll.u32 s30, $0x3;
	s19 =	sshrl.u32 s6, $0x1;
	s24 =	sshll.u32 s30, $0x5  }
0x74: {  	s25 =	sor.u32 s25, s9;
	s19 =	sand.u32 $0x4, s19;
	s9 =	smov.u32 s17  }
0x75: {  	v28 =	vadd.f32 v28, v24;
	s17 =	smov.u32 s21;
	s30 =	sor.u32 s19, s25;
	s13 =	sadd.s32 s13, s19  }
0x76: {  	[tilespmem:s10+$0x9010] =	vst v23;
	s12 =	sshll.u32 s30, $0x4;
	s7 =	sor.u32 $0x1, s30;
	s14 =	sor.u32 $0x81, s30  }
0x77: {  	[tilespmem:s10+$0x9000] =	vst v28;
	s25 =	sor.u32 $0x2, s30;
	s19 =	sor.u32 $0x3, s30;
	s5 =	sor.u32 $0x40, s30  }
0x78: {  	v35 =	vmov s11;
	v34 =	vld [tilespmem:s23+$0x1000];
	s6 =	sor.u32 $0x41, s30;
	s23 =	sor.u32 $0x42, s30;
	s11 =	sor.u32 $0x80, s30  }
0x79: {  	v24 =	vbroadcast v21, $0x0;
	v30 =	vld [tilespmem:s0+$0x1000];
	s0 =	sand.u32 $0x3FFFF3C0, s12;
	s10 =	sshll.u32 s14, $0x4;
	s12 =	smov.u32 s18  }
0x7a: {  	v21 =	vmovc v26;
	v26 =	vbroadcast v20, $0x0;
	v20 =	vmovc v27;
	v27 =	vbroadcast v12, $0x0;
	v32 =	vld.idx.msk [tilespmem:v14+s28+$0x0], $0xffff;
	s18 =	sshll.u32 s13, $0x8;
	v36 =	vmov s19;
	s19 =	sshll.u32 s19, $0x4;
	s21 =	sshll.u32 s5, $0x4  }
0x7b: {  	v12 =	vmovc v4;
	v31 =	vmov s30;
	v33 =	vld [tilespmem:s16+$0x1000];
	v4 =	vmov s14;
	v37 =	vmov s5;
	s14 =	sor.u32 $0x43, s30;
	s5 =	sand.u32 $0x3FFFF7C0, s2;
	s16 =	sshll.u32 s7, $0x4  }
0x7c: {  	v28 =	vbroadcast v19, $0x0;
	v14 =	vmovc v5;
	v38 =	vld.idx.msk [tilespmem:v15+s28+$0x0], $0xffff;
	v5 =	vbroadcast v31, $0x0;
	v31 =	vmov s7;
	s2 =	sshll.u32 s25, $0x4;
	s7 =	sand.u32 $0x3FFFF3F0, s19;
	s18 =	sand.u32 $0x3FFFFF00, s18  }
0x7d: {  	v19 =	vmovc v25;
	v25 =	vbroadcast v18, $0x0;
	v18 =	vmovc v22;
	v41 =	vld [tilespmem:s1+$0x1000];
	v22 =	vbroadcast v31, $0x0;
	v31 =	vmov s25;
	s13 =	sand.u32 $0x3FFFF3D0, s16;
	s25 =	sshll.u32 s11, $0x4;
	s24 =	sor.u32 s24, s18  }
0x7e: {  	v42 =	vld.idx.msk [tilespmem:v17+s28+$0x0], $0xffff;
	v17 =	vmov v7;
	v7 =	vbroadcast v31, $0x0;
	v31 =	vmov s11;
	s11 =	sand.u32 $0x3FFFF7E0, s8;
	s18 =	rddreg [dreg:$0xa];
	s8 =	smov.u32 s0  }
0x7f: {  	v39 =	vbroadcast v16, $0x0;
	v16 =	vmov v8;
	v8 =	vmov s6;
	s19 =	sshll.u32 s6, $0x4;
	s6 =	smov.u32 s29;
	v44 =	vld [tilespmem:s5+$0x1000];
	[dreg:$0xa] =	wrdreg s8  }
0x80: {  	v29 =	vmov s15;
	v23 =	vmov s22;
	v37 =	vbroadcast v37, $0x0;
	s29 =	sshll.u32 s23, $0x4;
	s16 =	sand.u32 $0x3FFFF7D0, s31;
	v58 =	vld [tilespmem:s11+$0x1000];
	s11 =	rddreg [dreg:$0x7]  }
0x81: {  	v15 =	vmovc v6;
	s5 =	smov.u32 s4;
	v56 =	vld [tilespmem:s16+$0x1000];
	v6 =	vmovc v22;
	v22 =	vbroadcast v8, $0x0;
	v8 =	vmov s23;
	s16 =	smov.u32 s18;
	s8 =	rddreg [dreg:$0x10];
	v43 =	vunpack.i.u.bf16.f32 v33  }
0x82: {  	v31 =	vbroadcast v31, $0x0;
	s18 =	smov.u32 s21;
	s21 =	sand.u32 $0x3FFFF7F0, s20;
	s20 =	rddreg [dreg:$0x8];
	v33 =	vunpack.i.l.bf16.f32 v33;
	v43 =	vmul.f32 v43, v32  }
0x83: {  	v45 =	vld.idx.msk [tilespmem:v13+s28+$0x0], $0xffff;
	s4 =	simm.s32 $0x800;
	s28 =	sand.u32 $0x3FFFF3E0, s2;
	v40 =	vunpack.i.u.bf16.f32 v30;
	v30 =	vunpack.i.l.bf16.f32 v30;
	[dreg:$0x7] =	wrdreg s18;
	v32 =	vmul.f32 v33, v32  }
0x84: {  	v47 =	vld.idx.msk [tilespmem:v11+s4+$0x0], $0xffff;
	v55 =	vunpack.i.u.bf16.f32 v34;
	s2 =	smov.u32 s11;
	s11 =	smov.u32 s8;
	s8 =	rddreg [dreg:$0xd];
	v40 =	vmul.f32 v40, v38;
	v43 =	vadd.f32 $0.0e+00, v43  }
0x85: {  	v60 =	vld.idx.msk [tilespmem:v10+s4+$0x0], $0xffff;
	s23 =	sshll.u32 s14, $0x4;
	v34 =	vunpack.i.l.bf16.f32 v34;
	s18 =	smov.u32 s14;
	s14 =	rddreg [dreg:$0x17];
	v30 =	vmul.f32 v30, v38;
	v32 =	vadd.f32 $0.0e+00, v32  }
0x86: {  	s31 =	smov.u32 s17;
	v46 =	vunpack.i.u.bf16.f32 v41;
	v63 =	vld [tilespmem:s21+$0x1000];
	s21 =	smov.u32 s7;
	v33 =	vmul.f32 v55, v42;
	[dreg:$0x10] =	wrdreg s18;
	v40 =	vadd.f32 v40, v43  }
0x87: {  	v10 =	vmovc v3;
	v39 =	vld.idx.msk [tilespmem:v39+s4+$0x0], $0xffff;
	v57 =	vunpack.i.l.bf16.f32 v41;
	s1 =	smov.u32 s20;
	s20 =	smov.u32 s3;
	v61 =	vmul.f32 v34, v42;
	[dreg:$0x8] =	wrdreg s21;
	v30 =	vadd.f32 v30, v32  }
0x88: {  	v3 =	vmovc v22;
	s0 =	smov.u32 s8;
	v48 =	vmul.f32 v46, v45;
	v50 =	vmul.f32 v57, v45;
	s21 =	smov.u32 s19;
	s19 =	rddreg [dreg:$0x11];
	v22 =	vadd.f32 v33, v40  }
0x89: {  	v35 =	vld.idx.msk [tilespmem:v35+s4+$0x0], $0xffff;
	s7 =	sand.u32 $0x3FFFFBC0, s14;
	s18 =	smov.u32 s13;
	[dreg:$0x11] =	wrdreg s20;
	v59 =	vunpack.i.u.bf16.f32 v44;
	v62 =	vunpack.i.l.bf16.f32 v44;
	v30 =	vadd.f32 v61, v30  }
0x8a: {  	v13 =	vmovc v1;
	s13 =	smov.u32 s28;
	s28 =	simm.s32 $0x800;
	s14 =	sld [smem:$0x7E2];
	v51 =	vld [tilespmem:s7+$0x1000];
	v49 =	vunpack.i.u.bf16.f32 v56;
	v52 =	vmul.f32 v59, v47;
	v22 =	vadd.f32 v48, v22  }
0x8b: {  	v1 =	vmovc v36;
	s8 =	smov.u32 s12;
	[dreg:$0xd] =	wrdreg s18;
	s7 =	sand.u32 $0x3FFFFBD0, s19;
	v27 =	vld.idx.msk [tilespmem:v27+s28+$0x0], $0xffff;
	v36 =	vunpack.i.l.bf16.f32 v56;
	v54 =	vmul.f32 v62, v47;
	v30 =	vadd.f32 v50, v30  }
0x8c: {  	s20 =	smov.u32 s26;
	s19 =	smov.u32 s10;
	s10 =	rddreg [dreg:$0x15];
	v56 =	vld [tilespmem:s7+$0x1000];
	v53 =	vunpack.i.u.bf16.f32 v58;
	v57 =	vmul.f32 v49, v60;
	v22 =	vadd.f32 v52, v22  }
0x8d: {  	s18 =	smov.u32 s29;
	s29 =	smov.u32 s24;
	s24 =	rddreg [dreg:$0x13];
	v59 =	vld.idx.msk [tilespmem:v9+s4+$0x0], $0xffff;
	v55 =	vunpack.i.l.bf16.f32 v58;
	v60 =	vmul.f32 v36, v60;
	v30 =	vadd.f32 v54, v30  }
0x8e: {  	s26 =	smov.u32 s23;
	s7 =	rddreg [dreg:$0xe];
	s12 =	sand.u32 $0x3FFFFBE0, s10;
	v9 =	vmovc v0;
	v0 =	vmovc v31;
	v58 =	vunpack.i.u.bf16.f32 v63;
	v31 =	vmul.f32 v53, v39;
	v22 =	vadd.f32 v57, v22  }
0x8f: {  	[dreg:$0xe] =	wrdreg s13;
	s4 =	sshll.u32 s15, $0x4;
	s13 =	smov.u32 s6;
	v62 =	vld [tilespmem:s12+$0x1000];
	v43 =	vmul.f32 v55, v39;
	v61 =	vunpack.i.l.bf16.f32 v63;
	v30 =	vadd.f32 v60, v30  }
0x90: {  	v25 =	vld.idx.msk [tilespmem:v25+s28+$0x0], $0xffff;
	s23 =	smov.u32 s7;
	s12 =	rddreg [dreg:$0x6];
	s7 =	sand.u32 $0x3FFFFBF0, s4;
	v63 =	vunpack.i.u.bf16.f32 v51;
	v22 =	vadd.f32 v31, v22;
	v31 =	vmul.f32 v58, v35  }
0x91: {  	s17 =	smov.u32 s14;
	s14 =	smov.u32 s25;
	v46 =	vld [tilespmem:s7+$0x1000];
	s7 =	rddreg [dreg:$0x4];
	v45 =	vunpack.i.l.bf16.f32 v51;
	v48 =	vmul.f32 v61, v35;
	v30 =	vadd.f32 v43, v30  }
0x92: {  	v29 =	vld.idx.msk [tilespmem:v29+s28+$0x0], $0xffff;
	[dreg:$0x6] =	wrdreg s13;
	s25 =	sand.u32 $0x3FFFFFC0, s24;
	s4 =	sshll.u32 s7, $0x4;
	v47 =	vunpack.i.u.bf16.f32 v56;
	v22 =	vadd.f32 v31, v22;
	v31 =	vmul.f32 v63, v59  }
0x93: {  	s13 =	rddreg [dreg:$0x2];
	s4 =	sand.u32 $0x3FFFFFD0, s4;
	v49 =	vunpack.i.l.bf16.f32 v56;
	v50 =	vld [tilespmem:s25+$0x1000];
	v52 =	vmul.f32 v45, v59;
	v30 =	vadd.f32 v48, v30  }
0x94: {  	v51 =	vunpack.i.u.bf16.f32 v62;
	v54 =	vld [tilespmem:s4+$0x1000];
	s4 =	sshll.u32 s13, $0x4;
	v22 =	vadd.f32 v31, v22;
	v31 =	vmul.f32 v47, v27  }
0x95: {  	v28 =	vld.idx.msk [tilespmem:v28+s28+$0x0], $0xffff;
	v53 =	vunpack.i.l.bf16.f32 v62;
	s4 =	sand.u32 $0x3FFFFFE0, s4;
	v30 =	vadd.f32 v52, v30;
	v27 =	vmul.f32 v49, v27  }
0x96: {  	s22 =	sshll.u32 s22, $0x4;
	v55 =	vunpack.i.u.bf16.f32 v46;
	v57 =	vld [tilespmem:s4+$0x1000];
	v22 =	vadd.f32 v31, v22;
	v31 =	vmul.f32 v51, v25  }
0x97: {  	v26 =	vld.idx.msk [tilespmem:v26+s28+$0x0], $0xffff;
	v56 =	vunpack.i.l.bf16.f32 v46;
	s4 =	sand.u32 $0x3FFFFFF0, s22;
	v27 =	vadd.f32 v27, v30;
	v25 =	vmul.f32 v53, v25  }
0x98: {  	v58 =	vunpack.i.u.bf16.f32 v50;
	v59 =	vld [tilespmem:s4+$0x1000];
	v22 =	vadd.f32 v31, v22;
	v31 =	vmul.f32 v55, v29  }
0x99: {  	v24 =	vld.idx.msk [tilespmem:v24+s28+$0x0], $0xffff;
	s15 =	sld [smem:$0x7E3];
	v60 =	vunpack.i.u.bf16.f32 v54;
	v25 =	vadd.f32 v25, v27;
	v27 =	vmul.f32 v56, v29  }
0x9a: {  	s6 =	smov.u32 s9;
	s9 =	rddreg [dreg:$0x1f];
	v30 =	vunpack.i.l.bf16.f32 v50;
	v22 =	vadd.f32 v31, v22;
	v31 =	vmul.f32 v58, v28  }
0x9b: {  	v23 =	vld.idx.msk [tilespmem:v23+s28+$0x0], $0xffff;
	[dreg:$0x13] =	wrdreg s6;
	v61 =	vunpack.i.u.bf16.f32 v57;
	v25 =	vadd.f32 v27, v25;
	v27 =	vmul.f32 v30, v28  }
0x9c: {  	[dreg:$0x17] =	wrdreg s17;
	s10 =	smov.u32 s12;
	s12 =	smov.u32 s9;
	v29 =	vunpack.i.l.bf16.f32 v54;
	v30 =	vadd.f32 v31, v22;
	v31 =	vmul.f32 v60, v26  }
0x9d: {  	s24 =	sor.u32 $0x82, s30;
	[dreg:$0x4] =	wrdreg s12;
	v62 =	vunpack.i.u.bf16.f32 v59;
	v27 =	vadd.f32 v27, v25;
	v26 =	vmul.f32 v29, v26  }
.Ltmp0:
0x9e: {  	s17 =	smov.u32 s15;
	s15 =	rddreg [dreg:$0x1e];
	v28 =	vunpack.i.l.bf16.f32 v57;
	v30 =	vadd.f32 v31, v30;
	v31 =	vmul.f32 v61, v24;
	(pc) =	sbr.rel @p1 .LBB2_3-.Ltmp0, $4  }
0x9f: {  	s3 =	sor.u32 $0xC2, s30;
	s9 =	sor.u32 $0xC1, s30;
	s7 =	rddreg [dreg:$0x1b];
	v29 =	vunpack.i.l.bf16.f32 v59;
	v22 =	vmov s24;
	v63 =	vadd.f32 v26, v27  }
0xa0: {  	[dreg:$0x15] =	wrdreg s17;
	s17 =	smov.u32 s15;
	s25 =	sor.u32 $0xC0, s30;
	v24 =	vmul.f32 v28, v24;
	v30 =	vadd.f32 v31, v30;
	v31 =	vmul.f32 v62, v23  }
0xa1: {  	v11 =	vmovc v2;
	s15 =	sor.u32 $0x83, s5;
	[dreg:$0x2] =	wrdreg s17;
	s17 =	sshll.u32 s25, $0x4;
	v25 =	vmov s25;
	v27 =	vmov s9;
	v26 =	vmov s3  }
0xa2: {  	v2 =	vmovc v37;
	s22 =	sor.u32 $0xC3, s5;
	s4 =	smov.u32 s30;
	s24 =	sshll.u32 s24, $0x4;
	v28 =	vmul.f32 v29, v23;
	v24 =	vadd.f32 v24, v63;
	v23 =	vadd.f32 v31, v30  }
0xa3: {  	_ = 	snop  }
0xa4: {  	v24 =	vadd.f32 v28, v24  }
0xa5: {  	[tilespmem:s10+$0x9010] =	vst v23  }
0xa6: {  	[tilespmem:s10+$0x9000] =	vst v24  }
0xa7: {  	v23 =	vld [tilespmem:s16+$0x1000]  }
0xa8: {  	v14 =	vld.idx.msk [tilespmem:v14+s28+$0x0], $0xffff  }
0xa9: {  	v24 =	vld [tilespmem:s0+$0x1000]  }
0xaa: {  	v21 =	vbroadcast v21, $0x0;
	v30 =	vmov s22;
	v15 =	vld.idx.msk [tilespmem:v15+s28+$0x0], $0xffff  }
0xab: {  	v31 =	vmov s15;
	v19 =	vbroadcast v19, $0x0;
	v20 =	vbroadcast v20, $0x0;
	v29 =	vld [tilespmem:s23+$0x1000]  }
0xac: {  	v12 =	vbroadcast v12, $0x0;
	v18 =	vbroadcast v18, $0x0;
	v17 =	vld.idx.msk [tilespmem:v17+s28+$0x0], $0xffff;
	v32 =	vunpack.i.u.bf16.f32 v23  }
0xad: {  	v16 =	vbroadcast v16, $0x0;
	v33 =	vld [tilespmem:s1+$0x1000];
	v23 =	vunpack.i.l.bf16.f32 v23;
	v32 =	vmul.f32 v32, v14  }
0xae: {  	s12 =	sand.u32 $0x3FFFF7C0, s2;
	v28 =	vmov s11;
	v13 =	vld.idx.msk [tilespmem:v13+s28+$0x0], $0xffff;
	v34 =	vunpack.i.u.bf16.f32 v24;
	v14 =	vmul.f32 v23, v14  }
0xaf: {  	v24 =	vunpack.i.l.bf16.f32 v24;
	v23 =	vld [tilespmem:s12+$0x1000];
	v34 =	vmul.f32 v34, v15;
	v32 =	vadd.f32 $0.0e+00, v32  }
0xb0: {  	s13 =	sand.u32 $0x3FFFF7D0, s31;
	v11 =	vld.idx.msk [tilespmem:v11+s28+$0x0], $0xffff;
	v35 =	vunpack.i.u.bf16.f32 v29;
	v15 =	vmul.f32 v24, v15;
	v14 =	vadd.f32 $0.0e+00, v14  }
0xb1: {  	v29 =	vunpack.i.l.bf16.f32 v29;
	v24 =	vld [tilespmem:s13+$0x1000];
	v47 =	vmul.f32 v35, v17;
	v32 =	vadd.f32 v34, v32  }
0xb2: {  	s16 =	sand.u32 $0x3FFFF7E0, s8;
	v10 =	vld.idx.msk [tilespmem:v10+s28+$0x0], $0xffff;
	v48 =	vunpack.i.u.bf16.f32 v33;
	v14 =	vadd.f32 v15, v14;
	v15 =	vmul.f32 v29, v17  }
0xb3: {  	v49 =	vmul.f32 v48, v13;
	v17 =	vld [tilespmem:s16+$0x1000];
	v29 =	vunpack.i.l.bf16.f32 v33;
	v32 =	vadd.f32 v47, v32  }
0xb4: {  	s20 =	sand.u32 $0x3FFFF7F0, s20;
	v16 =	vld.idx.msk [tilespmem:v16+s28+$0x0], $0xffff;
	v50 =	vunpack.i.u.bf16.f32 v23;
	v13 =	vmul.f32 v29, v13;
	v14 =	vadd.f32 v15, v14  }
0xb5: {  	s23 =	rddreg [dreg:$0x17];
	v23 =	vunpack.i.l.bf16.f32 v23;
	v15 =	vld [tilespmem:s20+$0x1000];
	v51 =	vmul.f32 v50, v11;
	v29 =	vadd.f32 v49, v32  }
0xb6: {  	s0 =	sand.u32 $0x3FFFFBC0, s23;
	v28 =	vld.idx.msk [tilespmem:v28+s28+$0x0], $0xffff;
	v52 =	vunpack.i.u.bf16.f32 v24;
	v11 =	vmul.f32 v23, v11;
	v13 =	vadd.f32 v13, v14  }
0xb7: {  	s25 =	rddreg [dreg:$0x11];
	v23 =	vunpack.i.l.bf16.f32 v24;
	v14 =	vld [tilespmem:s0+$0x1000];
	v24 =	vadd.f32 v51, v29;
	v29 =	vmul.f32 v52, v10  }
0xb8: {  	v9 =	vld.idx.msk [tilespmem:v9+s28+$0x0], $0xffff;
	s0 =	sand.u32 $0x3FFFFBD0, s25;
	v53 =	vunpack.i.u.bf16.f32 v17;
	v11 =	vadd.f32 v11, v13;
	v10 =	vmul.f32 v23, v10  }
0xb9: {  	s1 =	rddreg [dreg:$0x15];
	v13 =	vunpack.i.l.bf16.f32 v17;
	v17 =	vld [tilespmem:s0+$0x1000];
	v23 =	vadd.f32 v29, v24;
	v24 =	vmul.f32 v53, v16  }
0xba: {  	v12 =	vld.idx.msk [tilespmem:v12+s28+$0x0], $0xffff;
	s0 =	sand.u32 $0x3FFFFBE0, s1;
	v29 =	vunpack.i.u.bf16.f32 v15;
	v10 =	vadd.f32 v10, v11;
	v11 =	vmul.f32 v13, v16  }
0xbb: {  	s2 =	sshll.u32 s15, $0x4;
	v13 =	vunpack.i.l.bf16.f32 v15;
	v15 =	vld [tilespmem:s0+$0x1000];
	v16 =	vadd.f32 v24, v23;
	v23 =	vmul.f32 v29, v28  }
0xbc: {  	v18 =	vld.idx.msk [tilespmem:v18+s28+$0x0], $0xffff;
	s0 =	sand.u32 $0x3FFFFBF0, s2;
	v24 =	vunpack.i.u.bf16.f32 v14;
	v10 =	vadd.f32 v11, v10;
	v11 =	vmul.f32 v13, v28  }
0xbd: {  	s5 =	rddreg [dreg:$0x13];
	v13 =	vunpack.i.l.bf16.f32 v14;
	v14 =	vld [tilespmem:s0+$0x1000];
	v16 =	vadd.f32 v23, v16;
	v23 =	vmul.f32 v24, v9  }
0xbe: {  	s6 =	rddreg [dreg:$0x4];
	s0 =	sand.u32 $0x3FFFFFC0, s5;
	v28 =	vld.idx.msk [tilespmem:v31+s28+$0x0], $0xffff;
	v24 =	vunpack.i.u.bf16.f32 v17;
	v10 =	vadd.f32 v11, v10;
	v9 =	vmul.f32 v13, v9  }
0xbf: {  	v11 =	vunpack.i.l.bf16.f32 v17;
	v13 =	vld [tilespmem:s0+$0x1000];
	s0 =	sshll.u32 s6, $0x4;
	v17 =	vmul.f32 v24, v12;
	v16 =	vadd.f32 v23, v16  }
0xc0: {  	s7 =	rddreg [dreg:$0x2];
	v19 =	vld.idx.msk [tilespmem:v19+s28+$0x0], $0xffff;
	s0 =	sand.u32 $0x3FFFFFD0, s0;
	v23 =	vunpack.i.u.bf16.f32 v15;
	v9 =	vadd.f32 v9, v10;
	v10 =	vmul.f32 v11, v12  }
0xc1: {  	v11 =	vunpack.i.l.bf16.f32 v15;
	v12 =	vld [tilespmem:s0+$0x1000];
	s0 =	sshll.u32 s7, $0x4;
	v15 =	vadd.f32 v17, v16;
	v16 =	vmul.f32 v23, v18  }
0xc2: {  	v20 =	vld.idx.msk [tilespmem:v20+s28+$0x0], $0xffff;
	s0 =	sand.u32 $0x3FFFFFE0, s0;
	v17 =	vunpack.i.u.bf16.f32 v14;
	v9 =	vadd.f32 v10, v9;
	v10 =	vmul.f32 v11, v18  }
0xc3: {  	s8 =	sshll.u32 s22, $0x4;
	v11 =	vunpack.i.l.bf16.f32 v14;
	v14 =	vld [tilespmem:s0+$0x1000];
	v15 =	vadd.f32 v16, v15;
	v16 =	vmul.f32 v17, v28  }
0xc4: {  	s0 =	sand.u32 $0x3FFFFFF0, s8;
	v18 =	vld.idx.msk [tilespmem:v21+s28+$0x0], $0xffff;
	v17 =	vunpack.i.u.bf16.f32 v13;
	v9 =	vadd.f32 v10, v9;
	v10 =	vmul.f32 v11, v28  }
0xc5: {  	v11 =	vunpack.i.l.bf16.f32 v13;
	v13 =	vld [tilespmem:s0+$0x1000];
	v15 =	vadd.f32 v16, v15;
	v16 =	vmul.f32 v17, v19  }
0xc6: {  	v21 =	vld.idx.msk [tilespmem:v30+s28+$0x0], $0xffff;
	v17 =	vunpack.i.u.bf16.f32 v12;
	v9 =	vadd.f32 v10, v9;
	v10 =	vmul.f32 v11, v19  }
0xc7: {  	v11 =	vunpack.i.l.bf16.f32 v12;
	v12 =	vadd.f32 v16, v15;
	v15 =	vmul.f32 v17, v20  }
0xc8: {  	v16 =	vunpack.i.u.bf16.f32 v14;
	v9 =	vadd.f32 v10, v9;
	v10 =	vmul.f32 v11, v20  }
0xc9: {  	v11 =	vunpack.i.l.bf16.f32 v14;
	v14 =	vmul.f32 v16, v18;
	v12 =	vadd.f32 v15, v12  }
0xca: {  	v15 =	vunpack.i.u.bf16.f32 v13;
	v9 =	vadd.f32 v10, v9;
	v10 =	vmul.f32 v11, v18  }
0xcb: {  	v11 =	vunpack.i.l.bf16.f32 v13;
	v13 =	vmul.f32 v15, v21;
	v12 =	vadd.f32 v14, v12  }
0xcc: {  	v9 =	vadd.f32 v10, v9;
	v10 =	vmul.f32 v11, v21  }
0xcd: {  	v11 =	vadd.f32 v13, v12  }
0xce: {  	s10 =	rddreg [dreg:$0x6];
	v9 =	vadd.f32 v10, v9  }
0xcf: {  	[tilespmem:s10+$0x9010] =	vst v11  }
0xd0: {  	s11 =	rddreg [dreg:$0xa];
	[tilespmem:s10+$0x9000] =	vst v9  }
0xd1: {  	v9 =	vld [tilespmem:s11+$0x1000]  }
0xd2: {  	s12 =	rddreg [dreg:$0xd];
	v5 =	vld.idx.msk [tilespmem:v5+s28+$0x0], $0xffff  }
0xd3: {  	s15 =	rddreg [dreg:$0xe];
	v10 =	vld [tilespmem:s12+$0x1000]  }
0xd4: {  	v4 =	vbroadcast v4, $0x0;
	v8 =	vbroadcast v8, $0x0;
	s16 =	rddreg [dreg:$0x10];
	v6 =	vld.idx.msk [tilespmem:v6+s28+$0x0], $0xffff  }
0xd5: {  	s0 =	sor.u32 $0xC3, s4;
	v19 =	vmov s16;
	v17 =	vbroadcast v22, $0x0;
	v15 =	vbroadcast v27, $0x0;
	v16 =	vld [tilespmem:s15+$0x1000]  }
0xd6: {  	s13 =	sor.u32 $0x83, s4;
	s20 =	rddreg [dreg:$0x8];
	v14 =	vbroadcast v25, $0x0;
	v12 =	vmov s0;
	v7 =	vld.idx.msk [tilespmem:v7+s28+$0x0], $0xffff;
	v18 =	vunpack.i.u.bf16.f32 v9  }
0xd7: {  	s22 =	rddreg [dreg:$0x7];
	v13 =	vmov s13;
	v20 =	vld [tilespmem:s20+$0x1000];
	v9 =	vunpack.i.l.bf16.f32 v9;
	v18 =	vmul.f32 v18, v5  }
0xd8: {  	s2 =	sand.u32 $0x3FFFF7C0, s22;
	v11 =	vbroadcast v26, $0x0;
	v1 =	vld.idx.msk [tilespmem:v1+s28+$0x0], $0xffff;
	v21 =	vunpack.i.u.bf16.f32 v10;
	v5 =	vmul.f32 v9, v5  }
0xd9: {  	v9 =	vunpack.i.l.bf16.f32 v10;
	v10 =	vld [tilespmem:s2+$0x1000];
	v21 =	vmul.f32 v21, v6;
	v18 =	vadd.f32 $0.0e+00, v18  }
0xda: {  	s23 =	sand.u32 $0x3FFFF7D0, s21;
	v2 =	vld.idx.msk [tilespmem:v2+s28+$0x0], $0xffff;
	v22 =	vunpack.i.u.bf16.f32 v16;
	v6 =	vmul.f32 v9, v6;
	v5 =	vadd.f32 $0.0e+00, v5  }
0xdb: {  	v9 =	vunpack.i.l.bf16.f32 v16;
	v16 =	vld [tilespmem:s23+$0x1000];
	v18 =	vadd.f32 v21, v18;
	v21 =	vmul.f32 v22, v7  }
0xdc: {  	s25 =	sand.u32 $0x3FFFF7E0, s18;
	v3 =	vld.idx.msk [tilespmem:v3+s28+$0x0], $0xffff;
	v22 =	vunpack.i.u.bf16.f32 v20;
	v5 =	vadd.f32 v6, v5;
	v6 =	vmul.f32 v9, v7  }
0xdd: {  	v7 =	vunpack.i.l.bf16.f32 v20;
	v9 =	vld [tilespmem:s25+$0x1000];
	v20 =	vmul.f32 v22, v1;
	v18 =	vadd.f32 v21, v18  }
0xde: {  	s4 =	sand.u32 $0x3FFFF7F0, s26;
	v8 =	vld.idx.msk [tilespmem:v8+s28+$0x0], $0xffff;
	v1 =	vmul.f32 v7, v1;
	v21 =	vunpack.i.u.bf16.f32 v10;
	v5 =	vadd.f32 v6, v5  }
0xdf: {  	v7 =	vld [tilespmem:s4+$0x1000];
	v6 =	vunpack.i.l.bf16.f32 v10;
	v10 =	vadd.f32 v20, v18;
	v18 =	vmul.f32 v21, v2  }
0xe0: {  	s5 =	sand.u32 $0x3FFFFBC0, s14;
	v19 =	vld.idx.msk [tilespmem:v19+s28+$0x0], $0xffff;
	v20 =	vunpack.i.u.bf16.f32 v16;
	v1 =	vadd.f32 v1, v5;
	v2 =	vmul.f32 v6, v2  }
0xe1: {  	v5 =	vunpack.i.l.bf16.f32 v16;
	v6 =	vld [tilespmem:s5+$0x1000];
	v16 =	vmul.f32 v20, v3;
	v10 =	vadd.f32 v18, v10  }
0xe2: {  	s6 =	sand.u32 $0x3FFFFBD0, s19;
	v0 =	vld.idx.msk [tilespmem:v0+s28+$0x0], $0xffff;
	v18 =	vunpack.i.u.bf16.f32 v9;
	v1 =	vadd.f32 v2, v1;
	v2 =	vmul.f32 v5, v3  }
0xe3: {  	v3 =	vunpack.i.l.bf16.f32 v9;
	v5 =	vld [tilespmem:s6+$0x1000];
	v9 =	vadd.f32 v16, v10;
	v10 =	vmul.f32 v18, v8  }
0xe4: {  	s7 =	sand.u32 $0x3FFFFBE0, s24;
	v4 =	vld.idx.msk [tilespmem:v4+s28+$0x0], $0xffff;
	v16 =	vunpack.i.u.bf16.f32 v7;
	v1 =	vadd.f32 v2, v1;
	v2 =	vmul.f32 v3, v8  }
0xe5: {  	s1 =	sshll.u32 s13, $0x4;
	v3 =	vunpack.i.l.bf16.f32 v7;
	v7 =	vld [tilespmem:s7+$0x1000];
	v8 =	vadd.f32 v10, v9;
	v9 =	vmul.f32 v16, v19  }
0xe6: {  	s1 =	sand.u32 $0x3FFFFBF0, s1;
	v10 =	vunpack.i.u.bf16.f32 v6;
	v16 =	vld.idx.msk [tilespmem:v17+s28+$0x0], $0xffff;
	v1 =	vadd.f32 v2, v1;
	v2 =	vmul.f32 v3, v19  }
0xe7: {  	v3 =	vunpack.i.l.bf16.f32 v6;
	v6 =	vld [tilespmem:s1+$0x1000];
	v8 =	vadd.f32 v9, v8;
	v9 =	vmul.f32 v10, v0  }
0xe8: {  	s8 =	sand.u32 $0x3FFFFFC0, s17;
	v13 =	vld.idx.msk [tilespmem:v13+s28+$0x0], $0xffff;
	v10 =	vunpack.i.u.bf16.f32 v5;
	v1 =	vadd.f32 v2, v1;
	v0 =	vmul.f32 v3, v0  }
0xe9: {  	s10 =	sshll.u32 s9, $0x4;
	v2 =	vunpack.i.l.bf16.f32 v5;
	v3 =	vld [tilespmem:s8+$0x1000];
	v5 =	vadd.f32 v9, v8;
	v8 =	vmul.f32 v10, v4  }
0xea: {  	s1 =	sand.u32 $0x3FFFFFD0, s10;
	v9 =	vunpack.i.u.bf16.f32 v7;
	v10 =	vld.idx.msk [tilespmem:v14+s28+$0x0], $0xffff;
	v0 =	vadd.f32 v0, v1;
	v1 =	vmul.f32 v2, v4  }
0xeb: {  	s11 =	sshll.u32 s3, $0x4;
	v2 =	vunpack.i.l.bf16.f32 v7;
	v4 =	vld [tilespmem:s1+$0x1000];
	v7 =	vmul.f32 v9, v16;
	v5 =	vadd.f32 v8, v5  }
0xec: {  	s1 =	sand.u32 $0x3FFFFFE0, s11;
	v9 =	vld.idx.msk [tilespmem:v15+s28+$0x0], $0xffff;
	v8 =	vunpack.i.u.bf16.f32 v6;
	v0 =	vadd.f32 v1, v0;
	v1 =	vmul.f32 v2, v16  }
0xed: {  	s0 =	sshll.u32 s0, $0x4;
	v2 =	vunpack.i.l.bf16.f32 v6;
	v6 =	vld [tilespmem:s1+$0x1000];
	v5 =	vadd.f32 v7, v5;
	v7 =	vmul.f32 v8, v13  }
0xee: {  	s0 =	sand.u32 $0x3FFFFFF0, s0;
	v11 =	vld.idx.msk [tilespmem:v11+s28+$0x0], $0xffff;
	v8 =	vunpack.i.u.bf16.f32 v3;
	v0 =	vadd.f32 v1, v0;
	v1 =	vmul.f32 v2, v13  }
0xef: {  	v2 =	vunpack.i.l.bf16.f32 v3;
	v3 =	vld [tilespmem:s0+$0x1000];
	v5 =	vadd.f32 v7, v5;
	v7 =	vmul.f32 v8, v10  }
0xf0: {  	v12 =	vld.idx.msk [tilespmem:v12+s28+$0x0], $0xffff;
	v8 =	vunpack.i.u.bf16.f32 v4;
	v0 =	vadd.f32 v1, v0;
	v1 =	vmul.f32 v2, v10  }
0xf1: {  	v2 =	vunpack.i.l.bf16.f32 v4;
	v4 =	vadd.f32 v7, v5;
	v5 =	vmul.f32 v8, v9  }
0xf2: {  	v7 =	vunpack.i.u.bf16.f32 v6;
	v0 =	vadd.f32 v1, v0;
	v1 =	vmul.f32 v2, v9  }
0xf3: {  	v2 =	vunpack.i.l.bf16.f32 v6;
	v4 =	vadd.f32 v5, v4;
	v5 =	vmul.f32 v7, v11  }
0xf4: {  	s13 =	sld [smem:$0x7EE];
	v6 =	vunpack.i.u.bf16.f32 v3;
	v0 =	vadd.f32 v1, v0;
	v1 =	vmul.f32 v2, v11  }
0xf5: {  	s12 =	sld [smem:$0x7FB];
	v2 =	vunpack.i.l.bf16.f32 v3;
	v3 =	vadd.f32 v5, v4;
	v4 =	vmul.f32 v6, v12  }
0xf6: {  	v0 =	vadd.f32 v1, v0;
	v1 =	vmul.f32 v2, v12  }
0xf7: {  	s14 =	sld [smem:$0x7F2];
	v2 =	vadd.f32 v4, v3  }
0xf8: {  	s0 =	sadd.s32 s12, s13;
	v0 =	vadd.f32 v1, v0  }
0xf9: {  	s18 =	sld [smem:$0x7ED];
	s0 =	sshrl.u32 s0, $0x3;
	[tilespmem:s29+$0x9010] =	vst v2  }
0xfa: {  	s16 =	simm.s32 $0x9000;
	s15 =	simm.s32 $0x0;
	s0 =	sadd.s32 s14, s0;
	[tilespmem:s29+$0x9000] =	vst v0  }
0xfb: {  	[hbm4b:s0+s15] =	stream.linear.scatter [tilespmem:s16], [sflag:$0x5], $0x400, $0x38;
	[tilespmem:$0xA000] =	vst v63  }
0xfc: {  	s19 =	sld [smem:$0x7FA];
	s17 =	simm.s32 $0x9400;
	s0 =	sadd.s32 $0x50000, s0  }
0xfd: {  	[hbm4b:s0+s15] =	stream.linear.scatter [tilespmem:s17], [sflag:$0x5], $0x400, $0x38;
	[tilespmem:$0xA000] =	vst v63  }
0xfe: {  	s0 =	smin.u32 s18, $0x4D  }
0xff: {  	s20 =	sld [smem:$0x7F5];
	s0 =	sshll.u32 s0, $0xA  }
0x100: {  	s0 =	sadd.s32 s0, s19  }
0x101: {  	s21 =	sld [smem:$0x7F7];
	s0 =	sshrl.u32 s0, $0x3  }
0x102: {  	s1 =	sadd.s32 s20, s0  }
0x103: {  	[tilespmem:s15], [sflag:$0x1] =	stream.linear.gather [hbm4b:s1+s15], $0x400, $0x38;
	[tilespmem:$0xA000] =	vst v63  }
0x104: {  	s22 =	simm.s32 $0x4;
	s0 =	sadd.s32 s21, s0  }
0x105: {  	[tilespmem:s28], [sflag:$0x1] =	stream.linear.gather [hbm4b:s0+s15], $0x400, $0x38;
	[tilespmem:$0xA000] =	vst v63  }
0x106: {  	_ =	swait.ge [sflag:s22], $0x4000  }
0x107: {  	s26 =	simm.s32 $0x1000;
	[sflag:s22] =	ssyncset.done $0x0  }
0x108: {  	s9 =	simm.s32 $0x2;
	s23 =	simm.s32 $0x1;
	[sflag:s22] =	ssyncadd.s32 $0xFFFFC000  }
0x109: {  	s3 =	simm.s32 $0x0;
	s2 =	simm.s32 $0x0;
	_ =	swait.ge [sflag:s23], $0x400  }
0x10a: {  	s25 =	simm.s32 $0x400;
	s5 =	simm.s32 $0x0;
	[sflag:s23] =	ssyncset.done $0x0  }
0x10b: {  	s6 =	simm.s32 $0x1;
	s10 =	sand.u32 $0x7, s2;
	[sflag:s23] =	ssyncadd.s32 $0xFFFFFC00  }
0x10c: {  	s4 =	sshll.u32 s10, $0x3;
	s8 =	simm.s32 $0x0;
	_ =	swait.ge [sflag:s23], $0x400  }
0x10d: {  	s17 =	sand.u32 $0x7, s6;
	s6 =	simm.s32 $0x0;
	s24 =	sld [smem:$0x7F1]  }
0x10e: {  	s30 =	sand.u32 $0x4, s6;
	s19 =	sand.u32 $0x4, s5;
	[sflag:s23] =	ssyncset.done $0x0  }
0x10f: {  	s5 =	sshll.u32 s17, $0x3;
	s1 =	sor.u32 s4, s3;
	[sflag:s23] =	ssyncadd.s32 $0xFFFFFC00  }
0x110: {  	[tilespmem:s26], [sflag:$0x3] =	stream.indirect.gather [hbm4b:s24+s25], $0x10, s15, s25, $0xb8;
	[tilespmem:$0xA000] =	vst v63  }
0x111: {  	s0 =	simm.s32 @!p0 $0x6;
	s23 =	sand.u32 $0x7, s9;
	s15 =	sor.u32 s19, s1  }
0x112: {  	s24 =	simm.s32 $0x0;
	_ =	swait.ge @!p0 [sflag:s0], $0x400;
	s3 =	sor.u32 $0x1, s15  }
0x113: {  	s28 =	sor.u32 $0x81, s15;
	s18 =	sor.u32 $0x2, s15;
	s26 =	sor.u32 $0x3, s15  }
0x114: {  	s25 =	sor.u32 $0x40, s15;
	s4 =	sor.u32 $0x41, s15;
	[sflag:s0] =	ssyncset.done @!p0 $0x0  }
0x115: {  	s7 =	sor.u32 $0x42, s15;
	s31 =	sor.u32 $0x80, s15;
	[sflag:s0] =	ssyncadd.s32 @!p0 $0xFFFFFC00  }
0x116: {  	s29 =	sor.u32 $0x82, s15;
	s16 =	sor.u32 $0xC0, s15;
	_ =	swait.ge @!p0 [sflag:s0], $0x400  }
0x117: {  	v0 =	vmov s15;
	s12 =	sor.u32 $0xC1, s15;
	s1 =	sor.u32 $0xC2, s15;
	v1 =	vmov s3;
	[sflag:s0] =	ssyncset.done @!p0 $0x0  }
0x118: {  	v0 =	vbroadcast v0, $0x0;
	v2 =	vmov s28;
	v29 =	vmov s26;
	s26 =	sshll.u32 s26, $0x4;
	[sflag:s0] =	ssyncadd.s32 @!p0 $0xFFFFFC00;
	s0 =	sor.u32 s5, s8  }
0x119: {  	v4 =	vmov s25;
	v5 =	vmov s4;
	v7 =	vmov s7;
	s25 =	sshll.u32 s25, $0x4;
	s26 =	sand.u32 $0x3FFFF3F0, s26;
	s20 =	sor.u32 s30, s0  }
0x11a: {  	v6 =	vmov s1;
	v3 =	vbroadcast v1, $0x0;
	v1 =	vmov s18;
	s25 =	sand.u32 $0x3FFFF7C0, s25;
	[smem:$0x7D9] =	sst s1;
	s14 =	sor.u32 $0x1, s20  }
0x11b: {  	v30 =	vbroadcast v4, $0x0;
	v28 =	vbroadcast v5, $0x0;
	v4 =	vmov s16;
	s1 =	sshll.u32 s15, $0x4;
	s0 =	sor.u32 $0x2, s20;
	[smem:$0x7DA] =	sst s14  }
0x11c: {  	v5 =	vmov s12;
	v23 =	vbroadcast v6, $0x0;
	v56 =	vbroadcast v2, $0x0;
	s8 =	sshll.u32 s23, $0x3;
	s21 =	sor.u32 $0x40, s20;
	[smem:$0x7DE] =	sst s0  }
0x11d: {  	v40 =	vbroadcast v7, $0x0;
	v31 =	vbroadcast v1, $0x0;
	v1 =	vmov s31;
	s5 =	sshll.u32 s3, $0x4;
	s22 =	sor.u32 $0x41, s20;
	[smem:$0x7DB] =	sst s21  }
0x11e: {  	v26 =	vbroadcast v4, $0x0;
	v25 =	vbroadcast v1, $0x0;
	v1 =	vmov s29;
	s11 =	sor.u32 $0x81, s20;
	s2 =	sor.u32 $0x80, s20;
	[smem:$0x7DC] =	sst s22  }
0x11f: {  	v24 =	vbroadcast v5, $0x0;
	v57 =	vbroadcast v1, $0x0;
	v8 =	vmov s20;
	s13 =	sor.u32 $0x3, s20;
	s6 =	sor.u32 $0x82, s20;
	[smem:$0x7DF] =	sst s2  }
0x120: {  	s9 =	sor.u32 $0xC1, s20;
	v14 =	vbroadcast v8, $0x0;
	v8 =	vmov s14;
	v12 =	vmov s11;
	s14 =	sor.u32 s8, s24;
	[smem:$0x7E0] =	sst s6  }
0x121: {  	v9 =	vmov s21;
	v13 =	vmov s13;
	s8 =	sor.u32 $0xC0, s20;
	v18 =	vmov s6;
	s24 =	simm.s32 $0x1;
	s21 =	sand.u32 $0x3FFFF3D0, s5  }
0x122: {  	v41 =	vld [tilespmem:s26+$0x5000];
	[dreg:$0x5] =	wrdreg s9;
	v20 =	vmov s9;
	s5 =	sand.u32 $0x3FFFF3C0, s1;
	s1 =	sor.u32 $0x43, s15;
	v15 =	vbroadcast v8, $0x0;
	v8 =	vmov s0  }
0x123: {  	v43 =	vld [tilespmem:s25+$0x5000];
	s6 =	sshll.u32 s18, $0x4;
	v11 =	vbroadcast v9, $0x0;
	v9 =	vmov s22;
	s0 =	sor.u32 $0x42, s20;
	s22 =	sor.u32 $0xC2, s20;
	v19 =	vmov s8  }
0x124: {  	s3 =	sand.u32 $0x4, s24;
	v54 =	vld [tilespmem:s21+$0x5000];
	s9 =	sand.u32 $0x3FFFF3E0, s6;
	s6 =	simm.s32 $0xC00;
	v38 =	vmov s1;
	v10 =	vbroadcast v9, $0x0;
	v16 =	vmov s0  }
0x125: {  	v55 =	vld [tilespmem:s5+$0x5000];
	v9 =	vmov s2;
	v17 =	vbroadcast v8, $0x0;
	[dreg:$0x3] =	wrdreg s22;
	v21 =	vmov s22;
	s2 =	sor.u32 $0x83, s15;
	s22 =	sor.u32 $0xC3, s15  }
0x126: {  	[smem:$0x7E1] =	sst s8;
	s8 =	sor.u32 s3, s14;
	v36 =	vld.idx.msk [tilespmem:v0+s6+$0x0], $0xffff;
	v9 =	vbroadcast v9, $0x0;
	v22 =	vmov s22;
	v27 =	vmov s2  }
0x127: {  	v37 =	vld [tilespmem:s9+$0x5000];
	v4 =	vmov s8;
	s14 =	sor.u32 $0x1, s8;
	v46 =	vunpack.i.u.bf16.f32 v41;
	v41 =	vunpack.i.l.bf16.f32 v41  }
0x128: {  	v39 =	vld.idx.msk [tilespmem:v3+s6+$0x0], $0xffff;
	s18 =	sor.u32 $0x81, s8;
	s15 =	sor.u32 $0x2, s8;
	v62 =	vunpack.i.u.bf16.f32 v43;
	v43 =	vunpack.i.l.bf16.f32 v43;
	v1 =	vmov s14  }
0x129: {  	v31 =	vld.idx.msk [tilespmem:v31+s6+$0x0], $0xffff;
	s5 =	sor.u32 $0x80, s8;
	v5 =	vbroadcast v4, $0x0;
	v4 =	vmov s18;
	v0 =	vmov s15  }
0x12a: {  	s25 =	sshll.u32 s4, $0x4;
	s4 =	sshll.u32 s7, $0x4;
	v29 =	vld.idx.msk [tilespmem:v29+s6+$0x0], $0xffff;
	v44 =	vmov s5;
	v7 =	vbroadcast v0, $0x0;
	v33 =	vunpack.i.l.bf16.f32 v55  }
0x12b: {  	s7 =	sshll.u32 s1, $0x4;
	s1 =	sshll.u32 s28, $0x4;
	[smem:$0x7DD] =	sst s0;
	v30 =	vld.idx.msk [tilespmem:v30+s6+$0x0], $0xffff;
	v42 =	vunpack.i.u.bf16.f32 v54;
	v0 =	vunpack.i.u.bf16.f32 v55;
	v33 =	vmul.f32 v33, v36  }
0x12c: {  	s0 =	sand.u32 $0x3FFFF7D0, s25;
	v28 =	vld.idx.msk [tilespmem:v28+s6+$0x0], $0xffff;
	s25 =	sshll.u32 s31, $0x4;
	s21 =	sor.u32 $0x3, s8;
	v32 =	vunpack.i.l.bf16.f32 v54;
	v45 =	vmul.f32 v0, v36;
	v0 =	vbroadcast v44, $0x0  }
0x12d: {  	v40 =	vld.idx.msk [tilespmem:v40+s6+$0x0], $0xffff;
	s24 =	sor.u32 $0x40, s8;
	s9 =	sor.u32 $0x41, s8;
	s26 =	sor.u32 $0x42, s8;
	v59 =	vunpack.i.u.bf16.f32 v37;
	v32 =	vmul.f32 v32, v39;
	v33 =	vadd.f32 $0.0e+00, v33  }
0x12e: {  	v58 =	vld [tilespmem:s0+$0x5000];
	s0 =	sand.u32 $0x3FFFF7E0, s4;
	s4 =	sadd.s32 $0x0, s19;
	s19 =	sshll.u32 s10, $0x5;
	v42 =	vmul.f32 v42, v39;
	v37 =	vunpack.i.l.bf16.f32 v37;
	v45 =	vadd.f32 $0.0e+00, v45  }
0x12f: {  	s2 =	sshll.u32 s2, $0x4;
	s10 =	sshll.u32 s17, $0x5;
	v60 =	vld [tilespmem:s0+$0x5000];
	s0 =	sand.u32 $0x3FFFF7F0, s7;
	v44 =	vmul.f32 v59, v31;
	v31 =	vmul.f32 v37, v31;
	v32 =	vadd.f32 v32, v33  }
0x130: {  	s17 =	sshll.u32 s23, $0x5;
	s23 =	sshll.u32 s20, $0x4;
	v2 =	vmov s24;
	v3 =	vmov s9;
	s2 =	sand.u32 $0x3FFFFBF0, s2;
	v61 =	vld [tilespmem:s0+$0x5000];
	v42 =	vadd.f32 v42, v45  }
0x131: {  	s7 =	sshll.u32 s29, $0x4;
	s24 =	sshll.u32 s24, $0x4;
	s0 =	sand.u32 $0x3FFFFBC0, s25;
	v51 =	vld [tilespmem:s2+$0x5000];
	v63 =	vmul.f32 v46, v29;
	v29 =	vmul.f32 v41, v29;
	v31 =	vadd.f32 v31, v32  }
0x132: {  	v8 =	vmov s26;
	v6 =	vbroadcast v1, $0x0;
	v46 =	vld [tilespmem:s0+$0x5000];
	s0 =	sand.u32 $0x3FFFFBD0, s1;
	s1 =	sand.u32 $0x3FFFFBE0, s7;
	s7 =	sshll.u32 s16, $0x4;
	v42 =	vadd.f32 v44, v42  }
0x133: {  	[dreg:$0x9] =	wrdreg s24;
	v38 =	vld.idx.msk [tilespmem:v38+s6+$0x0], $0xffff;
	v37 =	vmul.f32 v62, v30;
	v30 =	vmul.f32 v43, v30;
	s2 =	sand.u32 $0x3FFFFFC0, s7;
	s7 =	sshll.u32 s13, $0x4;
	v29 =	vadd.f32 v29, v31  }
0x134: {  	v47 =	vunpack.i.u.bf16.f32 v58;
	v36 =	vunpack.i.l.bf16.f32 v58;
	s13 =	sld [smem:$0x7DB];
	v42 =	vadd.f32 v63, v42;
	v31 =	vld [tilespmem:s0+$0x5000];
	s0 =	sshll.u32 s4, $0x8;
	s4 =	sshll.u32 s11, $0x4  }
0x135: {  	v25 =	vld.idx.msk [tilespmem:v25+s6+$0x0], $0xffff;
	s29 =	sshll.u32 s9, $0x4;
	s25 =	sadd.s32 $0x0, s30;
	v41 =	vmul.f32 v47, v28;
	v28 =	vmul.f32 v36, v28;
	[dreg:$0x14] =	wrdreg s4;
	v29 =	vadd.f32 v30, v29  }
0x136: {  	v1 =	vmov s21;
	v39 =	vunpack.i.l.bf16.f32 v60;
	s0 =	sand.u32 $0x3FFFFF00, s0;
	s4 =	sld [smem:$0x7DF];
	v37 =	vadd.f32 v37, v42;
	v30 =	vld [tilespmem:s1+$0x5000];
	s1 =	sshll.u32 s25, $0x8  }
0x137: {  	v48 =	vunpack.i.u.bf16.f32 v60;
	s0 =	sor.u32 s19, s0;
	s19 =	sshll.u32 s12, $0x4;
	s1 =	sand.u32 $0x3FFFFF00, s1;
	v28 =	vadd.f32 v28, v29;
	v29 =	vmul.f32 v39, v40  }
0x138: {  	v34 =	vld.idx.msk [tilespmem:v56+s6+$0x0], $0xffff;
	s16 =	sadd.s32 $0x0, s3;
	v50 =	vmul.f32 v48, v40;
	v33 =	vunpack.i.l.bf16.f32 v61;
	s3 =	sand.u32 $0x3FFFFFD0, s19;
	s19 =	sld [smem:$0x7DD];
	v37 =	vadd.f32 v41, v37  }
0x139: {  	v35 =	vld.idx.msk [tilespmem:v57+s6+$0x0], $0xffff;
	v49 =	vunpack.i.u.bf16.f32 v61;
	s12 =	sshll.u32 s22, $0x4;
	s1 =	sor.u32 s10, s1;
	s10 =	sld [smem:$0x7DA];
	v28 =	vadd.f32 v29, v28;
	v29 =	vmul.f32 v33, v38  }
0x13a: {  	s30 =	sor.u32 $0x83, s20;
	v53 =	vld [tilespmem:s2+$0x5000];
	v36 =	vmul.f32 v49, v38;
	v52 =	vunpack.i.u.bf16.f32 v46;
	s2 =	sand.u32 $0x3FFFFFF0, s12;
	[dreg:$0x19] =	wrdreg s1;
	v37 =	vadd.f32 v50, v37  }
0x13b: {  	v32 =	vunpack.i.l.bf16.f32 v46;
	v55 =	vmul.f32 v52, v25;
	s1 =	sshll.u32 s16, $0x8;
	s16 =	sand.u32 $0x3FFFF3C0, s23;
	v28 =	vadd.f32 v29, v28;
	v29 =	vld [tilespmem:s3+$0x5000];
	s3 =	sld [smem:$0x7D9]  }
0x13c: {  	v25 =	vmul.f32 v32, v25;
	s22 =	sshll.u32 s13, $0x4;
	v54 =	vunpack.i.u.bf16.f32 v31;
	s23 =	sld [smem:$0x7DE];
	s1 =	sand.u32 $0x3FFFFF00, s1;
	v36 =	vadd.f32 v36, v37  }
0x13d: {  	v27 =	vld.idx.msk [tilespmem:v27+s6+$0x0], $0xffff;
	v31 =	vunpack.i.l.bf16.f32 v31;
	v57 =	vmul.f32 v54, v34;
	s25 =	sor.u32 s17, s1;
	v56 =	vunpack.i.u.bf16.f32 v30;
	s11 =	sshll.u32 s10, $0x4;
	s17 =	sld [smem:$0x7DC]  }
0x13e: {  	v26 =	vld.idx.msk [tilespmem:v26+s6+$0x0], $0xffff;
	s12 =	sld [smem:$0x7E1];
	s10 =	sand.u32 $0x3FFFF3D0, s11;
	v36 =	vadd.f32 v55, v36;
	v25 =	vadd.f32 v25, v28;
	v28 =	vmul.f32 v31, v34;
	s1 =	sshll.u32 s3, $0x4  }
0x13f: {  	v24 =	vld.idx.msk [tilespmem:v24+s6+$0x0], $0xffff;
	v2 =	vbroadcast v2, $0x0;
	v30 =	vunpack.i.l.bf16.f32 v30;
	v32 =	vmul.f32 v56, v35;
	s11 =	sld [smem:$0x7E0];
	s3 =	sshll.u32 s23, $0x4;
	s1 =	sand.u32 $0x3FFFFFE0, s1  }
0x140: {  	v36 =	vadd.f32 v57, v36;
	v25 =	vadd.f32 v28, v25;
	v28 =	vmul.f32 v30, v35;
	v30 =	vld [tilespmem:s2+$0x5000];
	s2 =	sshll.u32 s17, $0x4;
	s23 =	sand.u32 $0x3FFFF3E0, s3;
	s3 =	sshll.u32 s4, $0x4  }
0x141: {  	v3 =	vbroadcast v3, $0x0;
	v58 =	vunpack.i.u.bf16.f32 v51;
	v59 =	vunpack.i.l.bf16.f32 v51;
	s17 =	sshll.u32 s12, $0x4;
	v31 =	vld [tilespmem:s1+$0x5000];
	s1 =	sand.u32 $0x3FFFF3F0, s7;
	s7 =	sshll.u32 s8, $0x4  }
0x142: {  	v60 =	vunpack.i.u.bf16.f32 v53;
	v34 =	vmul.f32 v58, v27;
	s12 =	sshll.u32 s15, $0x4;
	[dreg:$0x1a] =	wrdreg s2;
	v32 =	vadd.f32 v32, v36;
	s13 =	sand.u32 $0x3FFFF3C0, s7  }
0x143: {  	v23 =	vld.idx.msk [tilespmem:v23+s6+$0x0], $0xffff;
	v61 =	vmul.f32 v60, v26;
	v27 =	vmul.f32 v59, v27;
	s15 =	sor.u32 $0xC0, s8;
	s4 =	smov.u32 s8;
	v25 =	vadd.f32 v28, v25;
	[dreg:$0xc] =	wrdreg s13  }
0x144: {  	v33 =	vunpack.i.l.bf16.f32 v53;
	v28 =	vunpack.i.u.bf16.f32 v29;
	s13 =	sshll.u32 s18, $0x4;
	s18 =	sshll.u32 s21, $0x4;
	s21 =	simm.s32 $0xC00;
	v32 =	vadd.f32 v34, v32  }
0x145: {  	s2 =	sshll.u32 s19, $0x4;
	[dreg:$0x18] =	wrdreg s3;
	s3 =	sshll.u32 s11, $0x4;
	v29 =	vunpack.i.l.bf16.f32 v29;
	v62 =	vld.idx.msk [tilespmem:v22+s21+$0x0], $0xffff;
	v22 =	vadd.f32 v27, v25;
	v25 =	vmul.f32 v33, v26  }
0x146: {  	s19 =	sshll.u32 s14, $0x4;
	s14 =	sor.u32 $0x82, s8;
	s31 =	sshll.u32 s15, $0x4;
	v28 =	vmul.f32 v28, v24;
	v24 =	vmul.f32 v29, v24;
	v27 =	vadd.f32 v61, v32  }
0x147: {  	s24 =	sor.u32 $0x43, s4;
	[dreg:$0x16] =	wrdreg s3;
	s11 =	sand.u32 $0x3FFFF3D0, s19;
	v29 =	vunpack.i.u.bf16.f32 v30;
	v26 =	vunpack.i.u.bf16.f32 v31;
	v63 =	vadd.f32 v25, v22  }
0x148: {  	s19 =	sshll.u32 s5, $0x4;
	s5 =	sor.u32 $0xC1, s8;
	[dreg:$0x12] =	wrdreg s24;
	v31 =	vunpack.i.l.bf16.f32 v31;
	v26 =	vmul.f32 v26, v23;
	v27 =	vadd.f32 v28, v27  }
0x149: {  	s7 =	simm.s32 $0x3;
	s28 =	sshll.u32 s24, $0x4;
	[dreg:$0xf] =	wrdreg s11;
	v22 =	vmov s14;
	v23 =	vmul.f32 v31, v23;
	v24 =	vadd.f32 v24, v63  }
0x14a: {  	s11 =	sor.u32 $0x43, s20;
	s6 =	sand.u32 $0x3FFFF3F0, s18;
	s18 =	sshll.u32 s26, $0x4;
	v28 =	vunpack.i.l.bf16.f32 v30;
	v29 =	vmul.f32 v29, v62;
	v31 =	vadd.f32 v26, v27  }
0x14b: {  	s26 =	sand.u32 $0x3FFFF3E0, s12;
	[dreg:$0xb] =	wrdreg s6;
	s6 =	sor.u32 $0xC2, s8;
	v25 =	vmov s15;
	v28 =	vmul.f32 v28, v62;
	v27 =	vmov s5  }
0x14c: {  	s12 =	sshll.u32 s14, $0x4;
	s9 =	sshll.u32 s11, $0x4;
	s8 =	sor.u32 $0xC3, s20;
	v26 =	vmov s6;
	v24 =	vadd.f32 v23, v24;
	v23 =	vadd.f32 v29, v31  }
.LBB2_5:
0x14d: {  	[smem:$0x7D5] =	sst s18  }
0x14e: {  	[smem:$0x7D6] =	sst s13  }
0x14f: {  	[smem:$0x7D7] =	sst s28  }
0x150: {  	[smem:$0x7D8] =	sst s19  }
0x151: {  	[dreg:$0x1d] =	wrdreg s4;
	s13 =	sshrl.u32 s7, $0x4;
	s15 =	sand.u32 $0x7, s7  }
0x152: {  	s20 =	smov.u32 s7;
	s3 =	sadd.s32 $0x1, s7;
	s4 =	smov.u32 s25  }
0x153: {  	s14 =	sshll.u32 s13, $0x8;
	s24 =	sshll.u32 s15, $0x3;
	s18 =	sshrl.u32 s20, $0x1  }
0x154: {  	p0 =	sne.s32 s7, $0x3F;
	v28 =	vadd.f32 v28, v24;
	s19 =	sor.u32 s24, s14;
	s18 =	sand.u32 $0x4, s18  }
0x155: {  	[dreg:$0x1c] =	wrdreg s3;
	[tilespmem:s0+$0x9810] =	vst v23;
	s24 =	sshll.u32 s15, $0x5;
	s15 =	sor.u32 s18, s19  }
0x156: {  	[tilespmem:s0+$0x9800] =	vst v28;
	s13 =	sadd.s32 s13, s18;
	s20 =	sshll.u32 s15, $0x4;
	s7 =	sor.u32 $0x1, s15  }
0x157: {  	s25 =	sor.u32 $0x81, s15;
	v32 =	vld.idx.msk [tilespmem:v14+s21+$0x0], $0xffff;
	s19 =	sor.u32 $0x2, s15;
	s3 =	sor.u32 $0x3, s15  }
0x158: {  	s14 =	sor.u32 $0x40, s15;
	s21 =	sshll.u32 s13, $0x8;
	v34 =	vld [tilespmem:s23+$0x5000];
	s23 =	sand.u32 $0x3FFFF7C0, s22  }
0x159: {  	v35 =	vmov s11;
	v24 =	vbroadcast v21, $0x0;
	v21 =	vmov v26;
	v30 =	vld [tilespmem:s10+$0x5000];
	s11 =	sor.u32 $0x80, s15;
	s10 =	sand.u32 $0x3FFFF3C0, s20;
	s0 =	sshll.u32 s25, $0x4  }
0x15a: {  	v26 =	vbroadcast v20, $0x0;
	v20 =	vmovc v27;
	v27 =	vbroadcast v12, $0x0;
	v12 =	vmovc v4;
	v4 =	vmov s25;
	s25 =	simm.s32 $0xC00;
	s13 =	sshll.u32 s3, $0x4;
	s20 =	sor.u32 $0x41, s15  }
0x15b: {  	v28 =	vbroadcast v19, $0x0;
	v31 =	vmov s15;
	v36 =	vmov s3;
	s3 =	smov.u32 s17;
	s17 =	smov.u32 s26;
	s26 =	sshll.u32 s14, $0x4;
	v38 =	vld.idx.msk [tilespmem:v15+s25+$0x0], $0xffff  }
0x15c: {  	v14 =	vmovc v5;
	v5 =	vbroadcast v31, $0x0;
	v31 =	vmov s7;
	v37 =	vmov s14;
	s14 =	smov.u32 s29;
	s22 =	sshll.u32 s19, $0x4;
	s29 =	sand.u32 $0x3FFFF3F0, s13;
	v42 =	vld.idx.msk [tilespmem:v17+s25+$0x0], $0xffff  }
0x15d: {  	v19 =	vmovc v25;
	v25 =	vbroadcast v18, $0x0;
	v18 =	vmovc v22;
	v22 =	vbroadcast v31, $0x0;
	v31 =	vmov s19;
	s13 =	sshll.u32 s20, $0x4;
	v45 =	vld.idx.msk [tilespmem:v13+s25+$0x0], $0xffff;
	s25 =	rddreg [dreg:$0x1a];
	s19 =	sand.u32 $0x3FFFF3E0, s22  }
0x15e: {  	v39 =	vbroadcast v16, $0x0;
	v16 =	vmov v8;
	v8 =	vmov s20;
	s20 =	smov.u32 s6;
	s22 =	sand.u32 $0x3FFFFF00, s21;
	s6 =	sand.u32 $0x3FFFF7D0, s25  }
0x15f: {  	v17 =	vmov v7;
	v7 =	vbroadcast v31, $0x0;
	v31 =	vmov s11;
	s25 =	sshll.u32 s11, $0x4;
	s24 =	sor.u32 s24, s22;
	s11 =	rddreg [dreg:$0xc]  }
0x160: {  	v33 =	vld [tilespmem:s16+$0x5000];
	s22 =	smov.u32 s10;
	s10 =	sand.u32 $0x3FFFF7F0, s9;
	s9 =	rddreg [dreg:$0xb]  }
0x161: {  	[dreg:$0xc] =	wrdreg s22  }
0x162: {  	v56 =	vld [tilespmem:s6+$0x5000];
	s6 =	sand.u32 $0x3FFFF7E0, s2;
	s2 =	rddreg [dreg:$0x9]  }
0x163: {  	s16 =	sor.u32 $0x42, s15;
	v41 =	vld [tilespmem:s1+$0x5000];
	s1 =	smov.u32 s9;
	s9 =	sld [smem:$0x7D5]  }
0x164: {  	v29 =	vmov s30;
	v23 =	vmov s8;
	v37 =	vbroadcast v37, $0x0;
	v63 =	vld [tilespmem:s10+$0x5000];
	s10 =	smov.u32 s29;
	s29 =	smov.u32 s13;
	s13 =	rddreg [dreg:$0x14]  }
0x165: {  	v15 =	vmovc v6;
	v6 =	vmovc v22;
	v22 =	vbroadcast v8, $0x0;
	v8 =	vmov s16;
	v43 =	vunpack.i.u.bf16.f32 v33;
	v58 =	vld [tilespmem:s6+$0x5000];
	s6 =	smov.u32 s26;
	s26 =	rddreg [dreg:$0x12]  }
0x166: {  	s18 =	sor.u32 $0x43, s15;
	s7 =	sshll.u32 s7, $0x4;
	v31 =	vbroadcast v31, $0x0;
	v33 =	vunpack.i.l.bf16.f32 v33;
	[dreg:$0xb] =	wrdreg s10;
	v43 =	vmul.f32 v43, v32  }
0x167: {  	s28 =	sshll.u32 s16, $0x4;
	v44 =	vld [tilespmem:s23+$0x5000];
	s23 =	sshll.u32 s18, $0x4;
	v40 =	vunpack.i.u.bf16.f32 v30;
	v30 =	vunpack.i.l.bf16.f32 v30;
	v32 =	vmul.f32 v33, v32;
	[dreg:$0x9] =	wrdreg s6  }
0x168: {  	s21 =	simm.s32 $0xC00;
	v55 =	vunpack.i.u.bf16.f32 v34;
	s6 =	smov.u32 s18;
	s18 =	rddreg [dreg:$0xf];
	v40 =	vmul.f32 v40, v38;
	v43 =	vadd.f32 $0.0e+00, v43  }
0x169: {  	v47 =	vld.idx.msk [tilespmem:v11+s21+$0x0], $0xffff;
	s16 =	smov.u32 s11;
	v34 =	vunpack.i.l.bf16.f32 v34;
	s11 =	smov.u32 s26;
	s26 =	rddreg [dreg:$0x18];
	v30 =	vmul.f32 v30, v38;
	v32 =	vadd.f32 $0.0e+00, v32  }
0x16a: {  	s7 =	sand.u32 $0x3FFFF3D0, s7;
	v46 =	vunpack.i.u.bf16.f32 v41;
	s22 =	smov.u32 s2;
	v33 =	vmul.f32 v55, v42;
	[dreg:$0x12] =	wrdreg s6;
	v40 =	vadd.f32 v40, v43  }
0x16b: {  	v60 =	vld.idx.msk [tilespmem:v10+s21+$0x0], $0xffff;
	v10 =	vmovc v3;
	v57 =	vunpack.i.l.bf16.f32 v41;
	v61 =	vmul.f32 v34, v42;
	s10 =	smov.u32 s18;
	s2 =	sand.u32 $0x3FFFFBC0, s26;
	s6 =	smov.u32 s7;
	v30 =	vadd.f32 v30, v32  }
0x16c: {  	v39 =	vld.idx.msk [tilespmem:v39+s21+$0x0], $0xffff;
	v59 =	vunpack.i.u.bf16.f32 v44;
	v3 =	vmovc v22;
	v48 =	vmul.f32 v46, v45;
	s7 =	smov.u32 s14;
	s18 =	smov.u32 s28;
	s14 =	sld [smem:$0x7D6];
	v22 =	vadd.f32 v33, v40  }
0x16d: {  	v35 =	vld.idx.msk [tilespmem:v35+s21+$0x0], $0xffff;
	v62 =	vunpack.i.l.bf16.f32 v44;
	v50 =	vmul.f32 v57, v45;
	s28 =	smov.u32 s23;
	s23 =	smov.u32 s17;
	s17 =	sld [smem:$0x7D8];
	v30 =	vadd.f32 v61, v30  }
0x16e: {  	[dreg:$0x1a] =	wrdreg s7;
	v51 =	vld [tilespmem:s2+$0x5000];
	v52 =	vmul.f32 v59, v47;
	s7 =	sand.u32 $0x3FFFFBD0, s13;
	v54 =	vmul.f32 v62, v47;
	v22 =	vadd.f32 v48, v22  }
0x16f: {  	v13 =	vmovc v1;
	v1 =	vmovc v36;
	s2 =	smov.u32 s9;
	v49 =	vunpack.i.u.bf16.f32 v56;
	v36 =	vunpack.i.l.bf16.f32 v56;
	v56 =	vld [tilespmem:s7+$0x5000];
	s7 =	sld [smem:$0x7D7];
	v30 =	vadd.f32 v50, v30  }
0x170: {  	v27 =	vld.idx.msk [tilespmem:v27+s21+$0x0], $0xffff;
	s13 =	smov.u32 s0;
	v53 =	vunpack.i.u.bf16.f32 v58;
	s26 =	smov.u32 s14;
	v57 =	vmul.f32 v49, v60;
	s14 =	rddreg [dreg:$0x16];
	v22 =	vadd.f32 v52, v22  }
0x171: {  	v59 =	vld.idx.msk [tilespmem:v9+s21+$0x0], $0xffff;
	v55 =	vunpack.i.l.bf16.f32 v58;
	v60 =	vmul.f32 v36, v60;
	[dreg:$0x14] =	wrdreg s26;
	s0 =	sand.u32 $0x3FFFFBE0, s14;
	s26 =	smov.u32 s19;
	v30 =	vadd.f32 v54, v30  }
0x172: {  	v9 =	vmovc v0;
	v0 =	vmovc v31;
	v58 =	vunpack.i.u.bf16.f32 v63;
	s19 =	smov.u32 s17;
	s14 =	sshll.u32 s30, $0x4;
	s17 =	rddreg [dreg:$0x19];
	v31 =	vmul.f32 v53, v39;
	v22 =	vadd.f32 v57, v22  }
0x173: {  	v43 =	vmul.f32 v55, v39;
	[dreg:$0x18] =	wrdreg s19;
	v61 =	vunpack.i.l.bf16.f32 v63;
	v62 =	vld [tilespmem:s0+$0x5000];
	s19 =	smov.u32 s25;
	s25 =	smov.u32 s4;
	v30 =	vadd.f32 v60, v30  }
0x174: {  	v25 =	vld.idx.msk [tilespmem:v25+s21+$0x0], $0xffff;
	s9 =	smov.u32 s7;
	s7 =	sand.u32 $0x3FFFFBF0, s14;
	v63 =	vunpack.i.u.bf16.f32 v51;
	[dreg:$0x19] =	wrdreg s25;
	v22 =	vadd.f32 v31, v22;
	v31 =	vmul.f32 v58, v35  }
0x175: {  	s25 =	smov.u32 s24;
	v45 =	vunpack.i.l.bf16.f32 v51;
	v46 =	vld [tilespmem:s7+$0x5000];
	s24 =	rddreg [dreg:$0x5];
	v48 =	vmul.f32 v61, v35;
	v30 =	vadd.f32 v43, v30  }
0x176: {  	v29 =	vld.idx.msk [tilespmem:v29+s21+$0x0], $0xffff;
	s14 =	sand.u32 $0x3FFFFFC0, s3;
	v47 =	vunpack.i.u.bf16.f32 v56;
	s4 =	sshll.u32 s24, $0x4;
	v22 =	vadd.f32 v31, v22;
	v31 =	vmul.f32 v63, v59  }
0x177: {  	s3 =	smov.u32 s5;
	s5 =	rddreg [dreg:$0x3];
	v49 =	vunpack.i.l.bf16.f32 v56;
	v50 =	vld [tilespmem:s14+$0x5000];
	s4 =	sand.u32 $0x3FFFFFD0, s4;
	v52 =	vmul.f32 v45, v59;
	v30 =	vadd.f32 v48, v30  }
0x178: {  	v54 =	vld [tilespmem:s4+$0x5000];
	s4 =	sshll.u32 s5, $0x4;
	v51 =	vunpack.i.u.bf16.f32 v62;
	v22 =	vadd.f32 v31, v22;
	v31 =	vmul.f32 v47, v27  }
0x179: {  	v28 =	vld.idx.msk [tilespmem:v28+s21+$0x0], $0xffff;
	v53 =	vunpack.i.l.bf16.f32 v62;
	s4 =	sand.u32 $0x3FFFFFE0, s4;
	v30 =	vadd.f32 v52, v30;
	v27 =	vmul.f32 v49, v27  }
0x17a: {  	s7 =	smov.u32 s12;
	s12 =	sshll.u32 s8, $0x4;
	v55 =	vunpack.i.u.bf16.f32 v46;
	v57 =	vld [tilespmem:s4+$0x5000];
	v22 =	vadd.f32 v31, v22;
	v31 =	vmul.f32 v51, v25  }
0x17b: {  	v26 =	vld.idx.msk [tilespmem:v26+s21+$0x0], $0xffff;
	v56 =	vunpack.i.l.bf16.f32 v46;
	s4 =	sand.u32 $0x3FFFFFF0, s12;
	v27 =	vadd.f32 v27, v30;
	v25 =	vmul.f32 v53, v25  }
0x17c: {  	v58 =	vunpack.i.u.bf16.f32 v50;
	v59 =	vld [tilespmem:s4+$0x5000];
	v22 =	vadd.f32 v31, v22;
	v31 =	vmul.f32 v55, v29  }
0x17d: {  	v24 =	vld.idx.msk [tilespmem:v24+s21+$0x0], $0xffff;
	v60 =	vunpack.i.u.bf16.f32 v54;
	v25 =	vadd.f32 v25, v27;
	v27 =	vmul.f32 v56, v29  }
0x17e: {  	v30 =	vunpack.i.l.bf16.f32 v50;
	v22 =	vadd.f32 v31, v22;
	v31 =	vmul.f32 v58, v28  }
0x17f: {  	v23 =	vld.idx.msk [tilespmem:v23+s21+$0x0], $0xffff;
	v61 =	vunpack.i.u.bf16.f32 v57;
	v25 =	vadd.f32 v27, v25;
	v27 =	vmul.f32 v30, v28  }
0x180: {  	[dreg:$0xf] =	wrdreg s6;
	s6 =	smov.u32 s20;
	v29 =	vunpack.i.l.bf16.f32 v54;
	v30 =	vadd.f32 v31, v22;
	v31 =	vmul.f32 v60, v26  }
0x181: {  	s20 =	sor.u32 $0xC0, s15;
	[dreg:$0x3] =	wrdreg s6;
	v62 =	vunpack.i.u.bf16.f32 v59;
	v27 =	vadd.f32 v27, v25;
	v26 =	vmul.f32 v29, v26  }
.Ltmp1:
0x182: {  	[dreg:$0x5] =	wrdreg s3;
	s14 =	sor.u32 $0x82, s15;
	v28 =	vunpack.i.l.bf16.f32 v57;
	v30 =	vadd.f32 v31, v30;
	v31 =	vmul.f32 v61, v24;
	(pc) =	sbr.rel @p0 .LBB2_5-.Ltmp1, $4  }
0x183: {  	s0 =	smov.u32 s17;
	s17 =	smov.u32 s31;
	[dreg:$0x16] =	wrdreg s7;
	v29 =	vunpack.i.l.bf16.f32 v59;
	v22 =	vmov s14;
	v63 =	vadd.f32 v26, v27  }
0x184: {  	s6 =	sor.u32 $0xC2, s15;
	s24 =	rddreg [dreg:$0x1d];
	s5 =	sor.u32 $0xC1, s15;
	v24 =	vmul.f32 v28, v24;
	v30 =	vadd.f32 v31, v30;
	v31 =	vmul.f32 v62, v23  }
0x185: {  	v11 =	vmovc v2;
	s31 =	sshll.u32 s20, $0x4;
	s7 =	rddreg [dreg:$0x1c];
	s30 =	sor.u32 $0x83, s24;
	v25 =	vmov s20;
	v27 =	vmov s5;
	v26 =	vmov s6  }
0x186: {  	v2 =	vmovc v37;
	s8 =	sor.u32 $0xC3, s24;
	s12 =	sshll.u32 s14, $0x4;
	s4 =	smov.u32 s15;
	v28 =	vmul.f32 v29, v23;
	v24 =	vadd.f32 v24, v63;
	v23 =	vadd.f32 v31, v30  }
0x187: {  	_ = 	snop  }
0x188: {  	v24 =	vadd.f32 v28, v24  }
0x189: {  	[tilespmem:s0+$0x9810] =	vst v23  }
0x18a: {  	[tilespmem:s0+$0x9800] =	vst v24  }
0x18b: {  	v23 =	vld [tilespmem:s16+$0x5000]  }
0x18c: {  	v14 =	vld.idx.msk [tilespmem:v14+s21+$0x0], $0xffff  }
0x18d: {  	v24 =	vld [tilespmem:s10+$0x5000]  }
0x18e: {  	v38 =	vmov s11;
	v21 =	vbroadcast v21, $0x0;
	v15 =	vld.idx.msk [tilespmem:v15+s21+$0x0], $0xffff  }
0x18f: {  	v30 =	vmov s8;
	v31 =	vmov s30;
	v19 =	vbroadcast v19, $0x0;
	v29 =	vld [tilespmem:s23+$0x5000]  }
0x190: {  	v20 =	vbroadcast v20, $0x0;
	v12 =	vbroadcast v12, $0x0;
	v17 =	vld.idx.msk [tilespmem:v17+s21+$0x0], $0xffff;
	v32 =	vunpack.i.u.bf16.f32 v23  }
0x191: {  	v18 =	vbroadcast v18, $0x0;
	v33 =	vld [tilespmem:s1+$0x5000];
	v23 =	vunpack.i.l.bf16.f32 v23;
	v32 =	vmul.f32 v32, v14  }
0x192: {  	v16 =	vbroadcast v16, $0x0;
	s1 =	sand.u32 $0x3FFFF7C0, s22;
	v13 =	vld.idx.msk [tilespmem:v13+s21+$0x0], $0xffff;
	v34 =	vunpack.i.u.bf16.f32 v24;
	v14 =	vmul.f32 v23, v14  }
0x193: {  	s3 =	rddreg [dreg:$0x1a];
	v39 =	vld [tilespmem:s1+$0x5000];
	v24 =	vunpack.i.l.bf16.f32 v24;
	v34 =	vmul.f32 v34, v15;
	v32 =	vadd.f32 $0.0e+00, v32  }
0x194: {  	s0 =	sand.u32 $0x3FFFF7D0, s3;
	v11 =	vld.idx.msk [tilespmem:v11+s21+$0x0], $0xffff;
	v35 =	vunpack.i.u.bf16.f32 v29;
	v15 =	vmul.f32 v24, v15;
	v14 =	vadd.f32 $0.0e+00, v14  }
0x195: {  	v40 =	vld [tilespmem:s0+$0x5000];
	v29 =	vunpack.i.l.bf16.f32 v29;
	v41 =	vmul.f32 v35, v17;
	v32 =	vadd.f32 v34, v32  }
0x196: {  	s7 =	sand.u32 $0x3FFFF7E0, s2;
	v10 =	vld.idx.msk [tilespmem:v10+s21+$0x0], $0xffff;
	v42 =	vunpack.i.u.bf16.f32 v33;
	v43 =	vmul.f32 v29, v17;
	v14 =	vadd.f32 v15, v14  }
0x197: {  	v44 =	vld [tilespmem:s7+$0x5000];
	v45 =	vunpack.i.l.bf16.f32 v33;
	v46 =	vmul.f32 v42, v13;
	v32 =	vadd.f32 v41, v32  }
0x198: {  	s10 =	sand.u32 $0x3FFFF7F0, s9;
	v16 =	vld.idx.msk [tilespmem:v16+s21+$0x0], $0xffff;
	v47 =	vunpack.i.u.bf16.f32 v39;
	v13 =	vmul.f32 v45, v13;
	v14 =	vadd.f32 v43, v14  }
0x199: {  	s11 =	rddreg [dreg:$0x18];
	v48 =	vld [tilespmem:s10+$0x5000];
	v23 =	vunpack.i.l.bf16.f32 v39;
	v50 =	vmul.f32 v47, v11;
	v49 =	vadd.f32 v46, v32  }
0x19a: {  	s0 =	sand.u32 $0x3FFFFBC0, s11;
	v28 =	vld.idx.msk [tilespmem:v38+s21+$0x0], $0xffff;
	v51 =	vunpack.i.u.bf16.f32 v40;
	v11 =	vmul.f32 v23, v11;
	v13 =	vadd.f32 v13, v14  }
0x19b: {  	s14 =	rddreg [dreg:$0x14];
	v52 =	vld [tilespmem:s0+$0x5000];
	v53 =	vunpack.i.l.bf16.f32 v40;
	v55 =	vmul.f32 v51, v10;
	v54 =	vadd.f32 v50, v49  }
0x19c: {  	v9 =	vld.idx.msk [tilespmem:v9+s21+$0x0], $0xffff;
	s0 =	sand.u32 $0x3FFFFBD0, s14;
	v56 =	vunpack.i.u.bf16.f32 v44;
	v10 =	vmul.f32 v53, v10;
	v11 =	vadd.f32 v11, v13  }
0x19d: {  	s15 =	rddreg [dreg:$0x16];
	v57 =	vld [tilespmem:s0+$0x5000];
	v17 =	vunpack.i.l.bf16.f32 v44;
	v59 =	vmul.f32 v56, v16;
	v58 =	vadd.f32 v55, v54  }
0x19e: {  	s0 =	sand.u32 $0x3FFFFBE0, s15;
	v12 =	vld.idx.msk [tilespmem:v12+s21+$0x0], $0xffff;
	v60 =	vunpack.i.u.bf16.f32 v48;
	v61 =	vmul.f32 v17, v16;
	v10 =	vadd.f32 v10, v11  }
0x19f: {  	s16 =	sshll.u32 s30, $0x4;
	v62 =	vld [tilespmem:s0+$0x5000];
	v15 =	vunpack.i.l.bf16.f32 v48;
	v32 =	vmul.f32 v60, v28;
	v63 =	vadd.f32 v59, v58  }
0x1a0: {  	v18 =	vld.idx.msk [tilespmem:v18+s21+$0x0], $0xffff;
	s0 =	sand.u32 $0x3FFFFBF0, s16;
	v33 =	vunpack.i.u.bf16.f32 v52;
	v34 =	vmul.f32 v15, v28;
	v10 =	vadd.f32 v61, v10  }
0x1a1: {  	v35 =	vld [tilespmem:s0+$0x5000];
	v36 =	vmul.f32 v33, v9;
	v14 =	vunpack.i.l.bf16.f32 v52;
	v17 =	vadd.f32 v32, v63  }
0x1a2: {  	s17 =	sand.u32 $0x3FFFFFC0, s17;
	s20 =	rddreg [dreg:$0x5];
	v38 =	vld.idx.msk [tilespmem:v31+s21+$0x0], $0xffff;
	v37 =	vunpack.i.u.bf16.f32 v57;
	v9 =	vmul.f32 v14, v9;
	v10 =	vadd.f32 v34, v10  }
0x1a3: {  	v39 =	vld [tilespmem:s17+$0x5000];
	s0 =	sshll.u32 s20, $0x4;
	v41 =	vmul.f32 v37, v12;
	v13 =	vunpack.i.l.bf16.f32 v57;
	v40 =	vadd.f32 v36, v17  }
0x1a4: {  	s22 =	rddreg [dreg:$0x3];
	v19 =	vld.idx.msk [tilespmem:v19+s21+$0x0], $0xffff;
	s0 =	sand.u32 $0x3FFFFFD0, s0;
	v42 =	vunpack.i.u.bf16.f32 v62;
	v43 =	vmul.f32 v13, v12;
	v9 =	vadd.f32 v9, v10  }
0x1a5: {  	v44 =	vld [tilespmem:s0+$0x5000];
	v45 =	vunpack.i.l.bf16.f32 v62;
	s0 =	sshll.u32 s22, $0x4;
	v46 =	vmul.f32 v42, v18;
	v14 =	vadd.f32 v41, v40  }
0x1a6: {  	v20 =	vld.idx.msk [tilespmem:v20+s21+$0x0], $0xffff;
	s0 =	sand.u32 $0x3FFFFFE0, s0;
	v48 =	vmul.f32 v45, v18;
	v47 =	vunpack.i.u.bf16.f32 v35;
	v9 =	vadd.f32 v43, v9  }
0x1a7: {  	s23 =	sshll.u32 s8, $0x4;
	v15 =	vunpack.i.l.bf16.f32 v35;
	v49 =	vld [tilespmem:s0+$0x5000];
	v50 =	vmul.f32 v47, v38;
	v14 =	vadd.f32 v46, v14  }
0x1a8: {  	v51 =	vunpack.i.u.bf16.f32 v39;
	v53 =	vmul.f32 v15, v38;
	v52 =	vld.idx.msk [tilespmem:v21+s21+$0x0], $0xffff;
	s0 =	sand.u32 $0x3FFFFFF0, s23;
	v9 =	vadd.f32 v48, v9  }
0x1a9: {  	v54 =	vld [tilespmem:s0+$0x5000];
	v11 =	vunpack.i.l.bf16.f32 v39;
	v55 =	vmul.f32 v51, v19;
	v14 =	vadd.f32 v50, v14  }
0x1aa: {  	v56 =	vunpack.i.u.bf16.f32 v44;
	v57 =	vld.idx.msk [tilespmem:v30+s21+$0x0], $0xffff;
	v58 =	vmul.f32 v11, v19;
	v9 =	vadd.f32 v53, v9  }
0x1ab: {  	v59 =	vunpack.i.l.bf16.f32 v44;
	v61 =	vmul.f32 v56, v20;
	v60 =	vadd.f32 v55, v14  }
0x1ac: {  	v62 =	vunpack.i.u.bf16.f32 v49;
	v63 =	vmul.f32 v59, v20;
	v9 =	vadd.f32 v58, v9  }
0x1ad: {  	v19 =	vmul.f32 v62, v52;
	v17 =	vunpack.i.l.bf16.f32 v49;
	v12 =	vadd.f32 v61, v60  }
0x1ae: {  	v20 =	vunpack.i.u.bf16.f32 v54;
	v23 =	vmul.f32 v17, v52;
	v9 =	vadd.f32 v63, v9  }
0x1af: {  	v24 =	vunpack.i.l.bf16.f32 v54;
	v28 =	vmul.f32 v20, v57;
	v12 =	vadd.f32 v19, v12  }
0x1b0: {  	v29 =	vmul.f32 v24, v57;
	v9 =	vadd.f32 v23, v9  }
0x1b1: {  	v30 =	vadd.f32 v28, v12  }
0x1b2: {  	s24 =	rddreg [dreg:$0x19];
	v9 =	vadd.f32 v29, v9  }
0x1b3: {  	[tilespmem:s24+$0x9810] =	vst v30  }
0x1b4: {  	s30 =	rddreg [dreg:$0xc];
	[tilespmem:s24+$0x9800] =	vst v9  }
0x1b5: {  	v9 =	vld [tilespmem:s30+$0x5000]  }
0x1b6: {  	s1 =	rddreg [dreg:$0xf];
	v5 =	vld.idx.msk [tilespmem:v5+s21+$0x0], $0xffff  }
0x1b7: {  	v31 =	vld [tilespmem:s1+$0x5000]  }
0x1b8: {  	s2 =	rddreg [dreg:$0x12];
	v4 =	vbroadcast v4, $0x0;
	v8 =	vbroadcast v8, $0x0;
	v6 =	vld.idx.msk [tilespmem:v6+s21+$0x0], $0xffff  }
0x1b9: {  	s3 =	sor.u32 $0x83, s4;
	v35 =	vbroadcast v25, $0x0;
	v38 =	vbroadcast v22, $0x0;
	v32 =	vmov s2;
	v33 =	vld [tilespmem:s26+$0x5000]  }
0x1ba: {  	s4 =	sor.u32 $0xC3, s4;
	s7 =	rddreg [dreg:$0xb];
	v34 =	vmov s3;
	v17 =	vbroadcast v27, $0x0;
	v7 =	vld.idx.msk [tilespmem:v7+s21+$0x0], $0xffff;
	v36 =	vunpack.i.u.bf16.f32 v9  }
0x1bb: {  	s8 =	rddreg [dreg:$0x9];
	v14 =	vmov s4;
	v37 =	vld [tilespmem:s7+$0x5000];
	v9 =	vunpack.i.l.bf16.f32 v9;
	v18 =	vmul.f32 v36, v5  }
0x1bc: {  	s2 =	sand.u32 $0x3FFFF7C0, s8;
	v12 =	vbroadcast v26, $0x0;
	v1 =	vld.idx.msk [tilespmem:v1+s21+$0x0], $0xffff;
	v39 =	vunpack.i.u.bf16.f32 v31;
	v5 =	vmul.f32 v9, v5  }
0x1bd: {  	v40 =	vld [tilespmem:s2+$0x5000];
	v10 =	vunpack.i.l.bf16.f32 v31;
	v21 =	vmul.f32 v39, v6;
	v18 =	vadd.f32 $0.0e+00, v18  }
0x1be: {  	s9 =	sand.u32 $0x3FFFF7D0, s29;
	v2 =	vld.idx.msk [tilespmem:v2+s21+$0x0], $0xffff;
	v41 =	vunpack.i.u.bf16.f32 v33;
	v6 =	vmul.f32 v10, v6;
	v5 =	vadd.f32 $0.0e+00, v5  }
0x1bf: {  	v42 =	vld [tilespmem:s9+$0x5000];
	v13 =	vunpack.i.l.bf16.f32 v33;
	v43 =	vmul.f32 v41, v7;
	v18 =	vadd.f32 v21, v18  }
0x1c0: {  	s10 =	sand.u32 $0x3FFFF7E0, s18;
	v3 =	vld.idx.msk [tilespmem:v3+s21+$0x0], $0xffff;
	v44 =	vunpack.i.u.bf16.f32 v37;
	v45 =	vmul.f32 v13, v7;
	v5 =	vadd.f32 v6, v5  }
0x1c1: {  	v46 =	vld [tilespmem:s10+$0x5000];
	v47 =	vunpack.i.l.bf16.f32 v37;
	v48 =	vmul.f32 v44, v1;
	v18 =	vadd.f32 v43, v18  }
0x1c2: {  	s11 =	sand.u32 $0x3FFFF7F0, s28;
	v8 =	vld.idx.msk [tilespmem:v8+s21+$0x0], $0xffff;
	v49 =	vunpack.i.u.bf16.f32 v40;
	v1 =	vmul.f32 v47, v1;
	v5 =	vadd.f32 v45, v5  }
0x1c3: {  	v50 =	vld [tilespmem:s11+$0x5000];
	v9 =	vunpack.i.l.bf16.f32 v40;
	v52 =	vmul.f32 v49, v2;
	v51 =	vadd.f32 v48, v18  }
0x1c4: {  	s14 =	sand.u32 $0x3FFFFBC0, s19;
	v11 =	vld.idx.msk [tilespmem:v32+s21+$0x0], $0xffff;
	v53 =	vunpack.i.u.bf16.f32 v42;
	v2 =	vmul.f32 v9, v2;
	v1 =	vadd.f32 v1, v5  }
0x1c5: {  	v54 =	vld [tilespmem:s14+$0x5000];
	v55 =	vunpack.i.l.bf16.f32 v42;
	v57 =	vmul.f32 v53, v3;
	v56 =	vadd.f32 v52, v51  }
0x1c6: {  	s15 =	sand.u32 $0x3FFFFBD0, s13;
	v0 =	vld.idx.msk [tilespmem:v0+s21+$0x0], $0xffff;
	v58 =	vunpack.i.u.bf16.f32 v46;
	v59 =	vmul.f32 v55, v3;
	v1 =	vadd.f32 v2, v1  }
0x1c7: {  	v60 =	vld [tilespmem:s15+$0x5000];
	v7 =	vunpack.i.l.bf16.f32 v46;
	v62 =	vmul.f32 v58, v8;
	v61 =	vadd.f32 v57, v56  }
0x1c8: {  	s16 =	sand.u32 $0x3FFFFBE0, s12;
	v4 =	vld.idx.msk [tilespmem:v4+s21+$0x0], $0xffff;
	v63 =	vunpack.i.u.bf16.f32 v50;
	v18 =	vmul.f32 v7, v8;
	v1 =	vadd.f32 v59, v1  }
0x1c9: {  	v19 =	vld [tilespmem:s16+$0x5000];
	s1 =	sshll.u32 s3, $0x4;
	v22 =	vmul.f32 v63, v11;
	v6 =	vunpack.i.l.bf16.f32 v50;
	v21 =	vadd.f32 v62, v61  }
0x1ca: {  	v24 =	vld.idx.msk [tilespmem:v38+s21+$0x0], $0xffff;
	s1 =	sand.u32 $0x3FFFFBF0, s1;
	v23 =	vunpack.i.u.bf16.f32 v54;
	v25 =	vmul.f32 v6, v11;
	v1 =	vadd.f32 v18, v1  }
0x1cb: {  	v26 =	vld [tilespmem:s1+$0x5000];
	v27 =	vmul.f32 v23, v0;
	v5 =	vunpack.i.l.bf16.f32 v54;
	v8 =	vadd.f32 v22, v21  }
0x1cc: {  	s17 =	sand.u32 $0x3FFFFFC0, s31;
	v29 =	vld.idx.msk [tilespmem:v34+s21+$0x0], $0xffff;
	v28 =	vunpack.i.u.bf16.f32 v60;
	v0 =	vmul.f32 v5, v0;
	v1 =	vadd.f32 v25, v1  }
0x1cd: {  	s18 =	sshll.u32 s5, $0x4;
	v30 =	vld [tilespmem:s17+$0x5000];
	v3 =	vunpack.i.l.bf16.f32 v60;
	v32 =	vmul.f32 v28, v4;
	v31 =	vadd.f32 v27, v8  }
0x1ce: {  	v34 =	vld.idx.msk [tilespmem:v35+s21+$0x0], $0xffff;
	s1 =	sand.u32 $0x3FFFFFD0, s18;
	v33 =	vunpack.i.u.bf16.f32 v19;
	v35 =	vmul.f32 v3, v4;
	v0 =	vadd.f32 v0, v1  }
0x1cf: {  	s19 =	sshll.u32 s6, $0x4;
	v37 =	vunpack.i.l.bf16.f32 v19;
	v36 =	vld [tilespmem:s1+$0x5000];
	v38 =	vmul.f32 v33, v24;
	v5 =	vadd.f32 v32, v31  }
0x1d0: {  	s1 =	sand.u32 $0x3FFFFFE0, s19;
	v40 =	vld.idx.msk [tilespmem:v17+s21+$0x0], $0xffff;
	v41 =	vmul.f32 v37, v24;
	v39 =	vunpack.i.u.bf16.f32 v26;
	v0 =	vadd.f32 v35, v0  }
0x1d1: {  	s0 =	sshll.u32 s4, $0x4;
	v42 =	vld [tilespmem:s1+$0x5000];
	v6 =	vunpack.i.l.bf16.f32 v26;
	v43 =	vmul.f32 v39, v29;
	v5 =	vadd.f32 v38, v5  }
0x1d2: {  	s0 =	sand.u32 $0x3FFFFFF0, s0;
	v12 =	vld.idx.msk [tilespmem:v12+s21+$0x0], $0xffff;
	v44 =	vunpack.i.u.bf16.f32 v30;
	v45 =	vmul.f32 v6, v29;
	v0 =	vadd.f32 v41, v0  }
0x1d3: {  	v46 =	vld [tilespmem:s0+$0x5000];
	v47 =	vmul.f32 v44, v34;
	v2 =	vunpack.i.l.bf16.f32 v30;
	v5 =	vadd.f32 v43, v5  }
0x1d4: {  	v49 =	vld.idx.msk [tilespmem:v14+s21+$0x0], $0xffff;
	v48 =	vunpack.i.u.bf16.f32 v36;
	v50 =	vmul.f32 v2, v34;
	v0 =	vadd.f32 v45, v0  }
0x1d5: {  	v53 =	vmul.f32 v48, v40;
	v51 =	vunpack.i.l.bf16.f32 v36;
	v52 =	vadd.f32 v47, v5  }
0x1d6: {  	v54 =	vunpack.i.u.bf16.f32 v42;
	v55 =	vmul.f32 v51, v40;
	v0 =	vadd.f32 v50, v0  }
0x1d7: {  	v56 =	vunpack.i.l.bf16.f32 v42;
	v57 =	vmul.f32 v54, v12;
	v3 =	vadd.f32 v53, v52  }
0x1d8: {  	v58 =	vunpack.i.u.bf16.f32 v46;
	v59 =	vmul.f32 v56, v12;
	v0 =	vadd.f32 v55, v0  }
0x1d9: {  	v60 =	vunpack.i.l.bf16.f32 v46;
	v61 =	vmul.f32 v58, v49;
	v3 =	vadd.f32 v57, v3  }
0x1da: {  	s20 =	sld [smem:$0x7EF];
	v62 =	vmul.f32 v60, v49;
	v0 =	vadd.f32 v59, v0  }
0x1db: {  	s22 =	sld [smem:$0x7F2];
	v63 =	vadd.f32 v61, v3  }
0x1dc: {  	v0 =	vadd.f32 v62, v0  }
0x1dd: {  	s28 =	sld [smem:$0x7FC];
	s23 =	simm.s32 $0x0;
	s0 =	sshrl.u32 s20, $0x3;
	[tilespmem:s25+$0x9810] =	vst v63  }
0x1de: {  	s24 =	simm.s32 $0x9800;
	s26 =	sld [smem:$0x7ED];
	s0 =	sadd.s32 s22, s0;
	[tilespmem:s25+$0x9800] =	vst v0  }
0x1df: {  	[hbm4b:s0+s23] =	stream.linear.scatter [tilespmem:s24], [sflag:$0x6], $0x400, $0x38;
	[tilespmem:$0xA000] =	vst v63  }
0x1e0: {  	s31 =	sld [smem:$0x7EC];
	s25 =	simm.s32 $0x9C00;
	s0 =	sadd.s32 $0x50000, s0  }
0x1e1: {  	[hbm4b:s0+s23] =	stream.linear.scatter [tilespmem:s25], [sflag:$0x6], $0x400, $0x38;
	[tilespmem:$0xA000] =	vst v63  }
0x1e2: {  	s0 =	smin.u32 s26, $0x4C  }
0x1e3: {  	s29 =	sld [smem:$0x7F5];
	s2 =	sadd.s32 $0x1, s31;
	s0 =	sshll.u32 s0, $0xA  }
0x1e4: {  	p0 =	sne.s32 s2, $0x28;
	s0 =	sadd.s32 s0, s28  }
.Ltmp2:
0x1e5: {  	s30 =	sld [smem:$0x7F7];
	s0 =	sshrl.u32 s0, $0x3;
	(pc) =	sbr.rel @p0 .LBB2_2-.Ltmp2, $4  }
0x1e6: {  	s3 =	simm.s32 $0x400;
	s1 =	sadd.s32 s29, s0  }
0x1e7: {  	[tilespmem:s3], [sflag:$0x2] =	stream.linear.gather [hbm4b:s1+s23], $0x400, $0x38;
	[tilespmem:$0xA000] =	vst v63  }
0x1e8: {  	s0 =	sadd.s32 s30, s0  }
0x1e9: {  	[tilespmem:s21], [sflag:$0x2] =	stream.linear.gather [hbm4b:s0+s23], $0x400, $0x38;
	[tilespmem:$0xA000] =	vst v63  }
0x1ea: {  	s0 =	simm.s32 $0x3  }
0x1eb: {  	_ =	swait.ge [sflag:s0], $0x4000  }
0x1ec: {  	[sflag:s0] =	ssyncset.done $0x0  }
0x1ed: {  	s29 =	simm.s32 $0x2;
	[sflag:s0] =	ssyncadd.s32 $0xFFFFC000  }
0x1ee: {  	_ =	swait.ge [sflag:s29], $0x400  }
0x1ef: {  	[sflag:s29] =	ssyncset.done $0x0  }
0x1f0: {  	[sflag:s29] =	ssyncadd.s32 $0xFFFFFC00  }
0x1f1: {  	_ =	swait.ge [sflag:s29], $0x400  }
0x1f2: {  	[sflag:s29] =	ssyncset.done $0x0  }
0x1f3: {  	s30 =	simm.s32 $0x5;
	[sflag:s29] =	ssyncadd.s32 $0xFFFFFC00  }
0x1f4: {  	_ =	swait.ge [sflag:s30], $0x400  }
0x1f5: {  	[sflag:s30] =	ssyncset.done $0x0  }
0x1f6: {  	[sflag:s30] =	ssyncadd.s32 $0xFFFFFC00  }
0x1f7: {  	_ =	swait.ge [sflag:s30], $0x400  }
0x1f8: {  	[sflag:s30] =	ssyncset.done $0x0  }
0x1f9: {  	s1 =	simm.s32 $0x6;
	[sflag:s30] =	ssyncadd.s32 $0xFFFFFC00  }
0x1fa: {  	_ =	swait.ge [sflag:s1], $0x400  }
0x1fb: {  	[sflag:s1] =	ssyncset.done $0x0  }
0x1fc: {  	[sflag:s1] =	ssyncadd.s32 $0xFFFFFC00  }
0x1fd: {  	_ =	swait.ge [sflag:s1], $0x400  }
0x1fe: {  	s4 =	sld [smem:$0x7F0]  }
0x1ff: {  	s31 =	sld [smem:$0x7FD];
	_ =	sdelay $0x1  }
0x200: {  	s4 =	sadd.s32 $0x1, s4  }
0x201: {  	p0 =	sne.s32 s4, s31  }
.Ltmp3:
0x202: {  	_ = 	snop;
	(pc) =	sbr.rel @p0 .LBB2_1-.Ltmp3, $3  }
0x203: {  	_ =	sdelay $0x1  }
0x204: {  	[sflag:s1] =	ssyncset.done $0x0  }
0x205: {  	s2 =	simm.s32 $0x800;
	[sflag:s1] =	ssyncadd.s32 $0xFFFFFC00  }
0x206: {  	_ =	sfence.sel $0x180000  }
0x207: {  	[bflag:$0x0] =	sbarrier.arrive $0xFFFF  }
0x208: {  	_ =	strace $0x90000047  }
0x209: {  	s0 =	stileid.u32;
	[bflag:$0x2] =	sbarrier.arrive $0xFFFF  }
0x20a: {  	p0 =	sne.s32 s0, $0x0;
	s0 =	rddreg [dreg:$0x1]  }
0x20b: {  	s0 =	sadd.s32 @!p0 $0x100000, s0  }
0x20c: {  	[sflag:s0] =	ssyncadd.tile.s32 @!p0 $0x1;
	_ =	shalt  }
.Lfunc_end2:
_tile_overlayer_lowered:
.L_overlay_start_2:
0x20d: {  	(tag) =	ssettag $0x2  }
0x20e: {  	s0 =	rddreg [dreg:$0x0];
	s2 =	stileid.u32  }
0x20f: {  	s1 =	rddreg [dreg:$0x1];
	p0 =	sne.s32 s2, $0x0  }
0x210: {  	s3 =	rddreg [dreg:$0x2];
	[bflag:$0x3] =	sbarrier.arrive $0xFFFF;
	s2 =	simm.s32 @!p0 $0x1C07  }
0x211: {  	[timem:s3], [sflag:s2] =	dma.local @!p0 [hbm:s0], s1  }
0x212: {  	s0 =	simm.s32 @!p0 $0x7  }
0x213: {  	_ =	swait.ge @!p0 [sflag:s0], s1  }
0x214: {  	s1 =	ssub.s32 @!p0 $0x0, s1;
	[sflag:s0] =	ssyncset.done @!p0 $0x0  }
0x215: {  	[sflag:s0] =	ssyncadd.s32 @!p0 s1  }
0x216: {  	[bflag:$0x3] =	sbarrier.arrive $0xFFFF  }
0x217: {  	_ =	shalt  }

</sc_bundles>
